<compile_context>
chip_gen: v7x
topology: tpu7x:2x2x1
jax: 0.10.2.dev20260603
libtpu: 0.0.44.dev20260713+nightly
codegen_flags: <defaults>
</compile_context>

<pallas_src>
import functools

import jax
import jax.numpy as jnp
from jax import lax
from jax.experimental import pallas as pl
from jax.experimental.pallas import tpu as pltpu

NPL = 50000
NNX = 25000
EE = 100000
C = 5
NF = 64
SF = 16
PP = 3

NPAD = 25088
EPAD = 102400

_F32 = jnp.float32



def _proj_body(x_ref, w_ref, o_ref):
    outs = []
    for c in range(C):
        outs.append(jnp.dot(x_ref[:, c, :], w_ref[c],
                            preferred_element_type=_F32))
    o_ref[...] = jnp.stack(outs, axis=1)


def _proj_up(x_slice, w_p):
    bn = 896
    grid = NPAD // bn
    return pl.pallas_call(
        _proj_body,
        grid=(grid,),
        in_specs=[
            pl.BlockSpec((bn, C, NF), lambda i: (i, 0, 0)),
            pl.BlockSpec((C, NF, SF), lambda i: (0, 0, 0)),
        ],
        out_specs=pl.BlockSpec((bn, C, SF), lambda i: (i, 0, 0)),
        out_shape=jax.ShapeDtypeStruct((NPAD, C, SF), _F32),
    )(x_slice, w_p)


def _nexus_body(s_ref, b1_ref, w2_ref, b2_ref, o_ref):
    outs = []
    for c in range(C):
        n1 = jnp.tanh(s_ref[:, c, :] + b1_ref[c][None, :])
        n2 = jnp.tanh(jnp.dot(n1, w2_ref[c], preferred_element_type=_F32)
                      + b2_ref[c][None, :])
        outs.append(n2)
    o_ref[...] = jnp.stack(outs, axis=1)


def _nexus_mlp(nsum, b1, w2, b2):
    bn = 896
    grid = NPAD // bn
    return pl.pallas_call(
        _nexus_body,
        grid=(grid,),
        in_specs=[
            pl.BlockSpec((bn, C, SF), lambda i: (i, 0, 0)),
            pl.BlockSpec((C, SF), lambda i: (0, 0)),
            pl.BlockSpec((C, SF, SF), lambda i: (0, 0, 0)),
            pl.BlockSpec((C, SF), lambda i: (0, 0)),
        ],
        out_specs=pl.BlockSpec((bn, C, SF), lambda i: (i, 0, 0)),
        out_shape=jax.ShapeDtypeStruct((NPAD, C, SF), _F32),
    )(nsum, b1, w2, b2)


def _edge_body(xg_ref, ng_ref, w1x_ref, w1n_ref, b1_ref, w2_ref, b2_ref,
               o_ref):
    logits = []
    for c in range(C):
        h = jnp.tanh(
            jnp.dot(xg_ref[0, :, c, :], w1x_ref[0, c],
                    preferred_element_type=_F32)
            + jnp.dot(ng_ref[0, :, c, :], w1n_ref[0, c],
                      preferred_element_type=_F32)
            + b1_ref[0, c][None, :])
        logits.append(jnp.sum(h * w2_ref[0, c][None, :], axis=1,
                              keepdims=True) + b2_ref[0, c][None, :])
    lg = jnp.concatenate(logits, axis=1)
    m = jnp.max(lg, axis=1, keepdims=True)
    e = jnp.exp(lg - m)
    w = e / jnp.sum(e, axis=1, keepdims=True)
    o_ref[0] = ng_ref[0] * w[:, :, None]


def _edge_mlp(xg, ng, w1, b1, w2, b2):
    be = 1024
    grid = (PP, EPAD // be)
    w1x = w1[:, :, :NF, :]
    w1n = w1[:, :, NF:, :]
    return pl.pallas_call(
        _edge_body,
        grid=grid,
        in_specs=[
            pl.BlockSpec((1, be, C, NF), lambda p, i: (p, i, 0, 0)),
            pl.BlockSpec((1, be, C, SF), lambda p, i: (p, i, 0, 0)),
            pl.BlockSpec((1, C, NF, NF), lambda p, i: (p, 0, 0, 0)),
            pl.BlockSpec((1, C, SF, NF), lambda p, i: (p, 0, 0, 0)),
            pl.BlockSpec((1, C, NF), lambda p, i: (p, 0, 0)),
            pl.BlockSpec((1, C, NF), lambda p, i: (p, 0, 0)),
            pl.BlockSpec((1, C, 1), lambda p, i: (p, 0, 0)),
        ],
        out_specs=pl.BlockSpec((1, be, C, SF), lambda p, i: (p, i, 0, 0)),
        out_shape=jax.ShapeDtypeStruct((PP, EPAD, C, SF), _F32),
    )(xg, ng, w1x, w1n, b1, w2, b2)


def _node_body(x_ref, num_ref, cnt_ref, w1x_ref, w1a_ref, b1_ref, w2_ref,
               b2_ref, o_ref):
    pid = pl.program_id(0)
    real = pid < NNX // x_ref.shape[0]
    cnt = jnp.maximum(cnt_ref[...], 1.0)
    outs = []
    for c in range(C):
        agg = jnp.where(real, num_ref[:, c, :] / cnt, 0.0)
        u = jnp.tanh(
            jnp.dot(x_ref[:, c, :], w1x_ref[c], preferred_element_type=_F32)
            + jnp.dot(agg, w1a_ref[c], preferred_element_type=_F32)
            + b1_ref[c][None, :])
        outs.append(jnp.tanh(jnp.dot(u, w2_ref[c],
                                     preferred_element_type=_F32)
                             + b2_ref[c][None, :]))
    o_ref[...] = jnp.stack(outs, axis=1)


def _node_mlp(x_p, num, cnt, w1, b1, w2, b2):
    bn = 1000
    nblk = NNX // bn
    grid = NPL // bn
    w1x = w1[:, :NF, :]
    w1a = w1[:, NF:, :]
    return pl.pallas_call(
        _node_body,
        grid=(grid,),
        in_specs=[
            pl.BlockSpec((bn, C, NF), lambda i: (i, 0, 0)),
            pl.BlockSpec((bn, C, SF), lambda i: (jnp.minimum(i, nblk - 1), 0, 0)),
            pl.BlockSpec((bn, 1), lambda i: (jnp.minimum(i, nblk - 1), 0)),
            pl.BlockSpec((C, NF, NF), lambda i: (0, 0, 0)),
            pl.BlockSpec((C, SF, NF), lambda i: (0, 0, 0)),
            pl.BlockSpec((C, NF), lambda i: (0, 0)),
            pl.BlockSpec((C, NF, NF), lambda i: (0, 0, 0)),
            pl.BlockSpec((C, NF), lambda i: (0, 0)),
        ],
        out_specs=pl.BlockSpec((bn, C, NF), lambda i: (i, 0, 0)),
        out_shape=jax.ShapeDtypeStruct((NPL, C, NF), _F32),
    )(x_p, num, cnt, w1x, w1a, b1, w2, b2)



def _pad_edges(ei):
    pad = jnp.full((2, EPAD - EE), NNX, dtype=jnp.int32)
    return jnp.concatenate([ei, pad], axis=1)


def kernel(x_u, x_v, x_y, nexus, edge_index_u, edge_index_v, edge_index_y,
           nex_W1, nex_b1, nex_W2, nex_b2, eW1, eb1, eW2, eb2,
           nW1, nb1, nW2, nb2):
    xs = [x_u, x_v, x_y]
    eis = [_pad_edges(e) for e in
           (edge_index_u, edge_index_v, edge_index_y)]

    ys = []
    for p in range(PP):
        w_p = nex_W1[:, p * NF:(p + 1) * NF, :]
        ys.append(_proj_up(xs[p][:NPAD], w_p))

    nsum = jnp.zeros((NPAD, C, SF), _F32)
    for p in range(PP):
        src, dst = eis[p][0], eis[p][1]
        rows = jnp.take(ys[p], src, axis=0)
        nsum = nsum + jax.ops.segment_sum(rows, dst, num_segments=NPAD)

    n = _nexus_mlp(nsum, nex_b1, nex_W2, nex_b2)

    xg = jnp.stack([jnp.take(xs[p], eis[p][0], axis=0) for p in range(PP)])
    ng = jnp.stack([jnp.take(n, eis[p][1], axis=0) for p in range(PP)])

    msg = _edge_mlp(xg, ng, eW1, eb1, jnp.squeeze(eW2, -1), eb2)

    outs = []
    for p in range(PP):
        src = eis[p][0]
        num = jax.ops.segment_sum(msg[p], src, num_segments=NPAD)
        cnt = jax.ops.segment_sum(jnp.ones((EPAD,), _F32), src,
                                  num_segments=NPAD)[:, None]
        outs.append(_node_mlp(xs[p], num, cnt, nW1[p], nb1[p],
                              nW2[p], nb2[p]))
    return tuple(outs)

# --- scband reference (transcript-rebuilt; emitter-appended) ---
"""Pipeline reference for scband-nexus-net-12197707120678 (READ-ONLY COPY).

The authoritative reference and input builder live on the scoring server;
editing this copy changes nothing except your own understanding.
"""

import jax, jax.numpy as jnp
import numpy as np

N_PLANE = 50000
N_NEXUS = 25000
E = 100000
C = 5
NF = 64
EF = 64
SF = 16
P = 3

def class_linear(x, W, b):
    # x: [N, C, in], W: [C, in, out], b: [C, out]
    return jnp.einsum('nci,cio->nco', x, W) + b

def setup_inputs(seed: int = 0):
    key = jax.random.key(seed)
    ks = jax.random.split(key, 32)
    inp = {}
    inp['x_u'] = jax.random.normal(ks[0], (N_PLANE, C, NF), dtype=jnp.float32)
    inp['x_v'] = jax.random.normal(ks[1], (N_PLANE, C, NF), dtype=jnp.float32)
    inp['x_y'] = jax.random.normal(ks[2], (N_PLANE, C, NF), dtype=jnp.float32)
    inp['nexus'] = jax.random.normal(ks[3], (N_NEXUS, C, SF), dtype=jnp.float32)
    inp['edge_index_u'] = jax.random.randint(ks[4], (2, E), 0, N_NEXUS, dtype=jnp.int32)
    inp['edge_index_v'] = jax.random.randint(ks[5], (2, E), 0, N_NEXUS, dtype=jnp.int32)
    inp['edge_index_y'] = jax.random.randint(ks[6], (2, E), 0, N_NEXUS, dtype=jnp.int32)
    # nexus_net params: ClassLinear(P*NF, SF, C) -> Tanh -> ClassLinear(SF, SF, C) -> Tanh
    inp['nex_W1'] = jax.random.normal(ks[7], (C, P * NF, SF), dtype=jnp.float32) * 0.05
    inp['nex_b1'] = jnp.zeros((C, SF), dtype=jnp.float32)
    inp['nex_W2'] = jax.random.normal(ks[8], (C, SF, SF), dtype=jnp.float32) * 0.05
    inp['nex_b2'] = jnp.zeros((C, SF), dtype=jnp.float32)
    # per-plane NexusDown params, stacked on leading plane dim
    # edge_net: ClassLinear(NF+SF, EF, C) -> Tanh -> ClassLinear(EF, 1, C) -> Softmax(dim=1)
    inp['eW1'] = jax.random.normal(ks[9], (P, C, NF + SF, EF), dtype=jnp.float32) * 0.05
    inp['eb1'] = jnp.zeros((P, C, EF), dtype=jnp.float32)
    inp['eW2'] = jax.random.normal(ks[10], (P, C, EF, 1), dtype=jnp.float32) * 0.05
    inp['eb2'] = jnp.zeros((P, C, 1), dtype=jnp.float32)
    # node_net: ClassLinear(NF+SF, NF, C) -> Tanh -> ClassLinear(NF, NF, C) -> Tanh
    inp['nW1'] = jax.random.normal(ks[11], (P, C, NF + SF, NF), dtype=jnp.float32) * 0.05
    inp['nb1'] = jnp.zeros((P, C, NF), dtype=jnp.float32)
    inp['nW2'] = jax.random.normal(ks[12], (P, C, NF, NF), dtype=jnp.float32) * 0.05
    inp['nb2'] = jnp.zeros((P, C, NF), dtype=jnp.float32)
    return inp

def reference(x_u, x_v, x_y, nexus, edge_index_u, edge_index_v, edge_index_y,
              nex_W1, nex_b1, nex_W2, nex_b2, eW1, eb1, eW2, eb2, nW1, nb1, nW2, nb2):
    xs = [x_u, x_v, x_y]
    eis = [edge_index_u, edge_index_v, edge_index_y]
    # nexus_up: SimpleConv(node_dim=0), default sum aggregation; messages x_j from plane nodes
    # scattered onto nexus nodes (edge_index row 0 = plane src, row 1 = nexus dst)
    n_parts = []
    for xp, ei in zip(xs, eis):
        msgs = jnp.take(xp, ei[0], axis=0)                      # [E, C, NF] gather
        n_parts.append(jax.ops.segment_sum(msgs, ei[1], num_segments=nexus.shape[0]))
    n = jnp.concatenate(n_parts, axis=-1)                        # [N_nexus, C, P*NF]
    n = jnp.tanh(class_linear(n, nex_W1, nex_b1))
    n = jnp.tanh(class_linear(n, nex_W2, nex_b2))                # [N_nexus, C, SF]
    # nexus_down per plane: flow='target_to_source' => i = edge_index[0] (plane), j = edge_index[1] (nexus)
    outs = []
    for k in range(P):
        xp, ei = xs[k], eis[k]
        x_i = jnp.take(xp, ei[0], axis=0)                        # [E, C, NF]
        n_j = jnp.take(n, ei[1], axis=0)                         # [E, C, SF]
        h = jax.lax.stop_gradient(jnp.concatenate([x_i, n_j], axis=-1))  # .detach() in torch
        h = jnp.tanh(class_linear(h, eW1[k], eb1[k]))
        w = jax.nn.softmax(class_linear(h, eW2[k], eb2[k]), axis=1)      # softmax over classes, [E, C, 1]
        msg = w * n_j                                            # [E, C, SF]
        num = jax.ops.segment_sum(msg, ei[0], num_segments=xp.shape[0])
        cnt = jax.ops.segment_sum(jnp.ones((ei.shape[1],), jnp.float32), ei[0], num_segments=xp.shape[0])
        agg = num / jnp.maximum(cnt, 1.0)[:, None, None]         # mean aggregation
        u = jnp.concatenate([xp, agg], axis=-1)                  # [N, C, NF+SF]
        u = jnp.tanh(class_linear(u, nW1[k], nb1[k]))
        u = jnp.tanh(class_linear(u, nW2[k], nb2[k]))            # [N, C, NF]
        outs.append(u)
    return tuple(outs)

if __name__ == "__main__":
    import jax
    _d = setup_inputs()
    print(jax.jit(kernel)(*tuple(_d.values())))

</pallas_src>

<mosaic_0001>
module attributes {stable_mosaic.version = 14 : i64} {
  func.func @_proj_body(%arg0: i32, %arg1: memref<896x5x64xf32, #tpu.memory_space<vmem>>, %arg2: memref<5x64x16xf32, #tpu.memory_space<vmem>>, %arg3: memref<896x5x16xf32, #tpu.memory_space<vmem>>) attributes {dimension_semantics = [#tpu.dimension_semantics<arbitrary>], iteration_bounds = array<i64: 28>, scalar_prefetch = 0 : i64, scratch_operands = 0 : i64, tpu.core_type = #tpu.core_type<tc>, window_params = [{transform_indices = @transform_0, window_bounds = array<i64: 896, 5, 64>}, {pipeline_mode = #tpu.pipeline_mode<synchronous>, transform_indices = @transform_1, window_bounds = array<i64: 5, 64, 16>}, {transform_indices = @transform_2, window_bounds = array<i64: 896, 5, 16>}]} {
    %get3A = arith.constant 0 : index
    %get3A_0 = arith.constant 0 : index
    %get3A_1 = arith.constant 0 : index
    %get3A_2 = vector.load %arg1[%get3A, %get3A_0, %get3A_1] : memref<896x5x64xf32, #tpu.memory_space<vmem>>, vector<896x1x64xf32>
    %get3A_3 = vector.shape_cast %get3A_2 : vector<896x1x64xf32> to vector<896x64xf32>
    %get3A_4 = arith.constant 0 : index
    %get3A_5 = arith.constant 0 : index
    %get3A_6 = arith.constant 0 : index
    %get3A_7 = vector.load %arg2[%get3A_4, %get3A_5, %get3A_6] : memref<5x64x16xf32, #tpu.memory_space<vmem>>, vector<1x64x16xf32>
    %get3A_8 = vector.shape_cast %get3A_7 : vector<1x64x16xf32> to vector<64x16xf32>
    %dot_general3A = arith.constant dense<0.000000e+00> : vector<896x16xf32>
    %dot_general3A_9 = tpu.matmul %get3A_3, %get3A_8, %dot_general3A {dimension_numbers = #tpu.dot_dimension_numbers<[1], [0], [0], [1], [0, 0, 1, 1], [], []>, transpose_lhs_hint = false} : vector<896x64xf32>, vector<64x16xf32>, vector<896x16xf32> -> vector<896x16xf32>
    %get3A_10 = arith.constant 0 : index
    %get3A_11 = arith.constant 1 : index
    %get3A_12 = arith.constant 0 : index
    %get3A_13 = vector.load %arg1[%get3A_10, %get3A_11, %get3A_12] : memref<896x5x64xf32, #tpu.memory_space<vmem>>, vector<896x1x64xf32>
    %get3A_14 = vector.shape_cast %get3A_13 : vector<896x1x64xf32> to vector<896x64xf32>
    %get3A_15 = arith.constant 1 : index
    %get3A_16 = arith.constant 0 : index
    %get3A_17 = arith.constant 0 : index
    %get3A_18 = vector.load %arg2[%get3A_15, %get3A_16, %get3A_17] : memref<5x64x16xf32, #tpu.memory_space<vmem>>, vector<1x64x16xf32>
    %get3A_19 = vector.shape_cast %get3A_18 : vector<1x64x16xf32> to vector<64x16xf32>
    %dot_general3A_20 = arith.constant dense<0.000000e+00> : vector<896x16xf32>
    %dot_general3A_21 = tpu.matmul %get3A_14, %get3A_19, %dot_general3A_20 {dimension_numbers = #tpu.dot_dimension_numbers<[1], [0], [0], [1], [0, 0, 1, 1], [], []>, transpose_lhs_hint = false} : vector<896x64xf32>, vector<64x16xf32>, vector<896x16xf32> -> vector<896x16xf32>
    %get3A_22 = arith.constant 0 : index
    %get3A_23 = arith.constant 2 : index
    %get3A_24 = arith.constant 0 : index
    %get3A_25 = vector.load %arg1[%get3A_22, %get3A_23, %get3A_24] : memref<896x5x64xf32, #tpu.memory_space<vmem>>, vector<896x1x64xf32>
    %get3A_26 = vector.shape_cast %get3A_25 : vector<896x1x64xf32> to vector<896x64xf32>
    %get3A_27 = arith.constant 2 : index
    %get3A_28 = arith.constant 0 : index
    %get3A_29 = arith.constant 0 : index
    %get3A_30 = vector.load %arg2[%get3A_27, %get3A_28, %get3A_29] : memref<5x64x16xf32, #tpu.memory_space<vmem>>, vector<1x64x16xf32>
    %get3A_31 = vector.shape_cast %get3A_30 : vector<1x64x16xf32> to vector<64x16xf32>
    %dot_general3A_32 = arith.constant dense<0.000000e+00> : vector<896x16xf32>
    %dot_general3A_33 = tpu.matmul %get3A_26, %get3A_31, %dot_general3A_32 {dimension_numbers = #tpu.dot_dimension_numbers<[1], [0], [0], [1], [0, 0, 1, 1], [], []>, transpose_lhs_hint = false} : vector<896x64xf32>, vector<64x16xf32>, vector<896x16xf32> -> vector<896x16xf32>
    %get3A_34 = arith.constant 0 : index
    %get3A_35 = arith.constant 3 : index
    %get3A_36 = arith.constant 0 : index
    %get3A_37 = vector.load %arg1[%get3A_34, %get3A_35, %get3A_36] : memref<896x5x64xf32, #tpu.memory_space<vmem>>, vector<896x1x64xf32>
    %get3A_38 = vector.shape_cast %get3A_37 : vector<896x1x64xf32> to vector<896x64xf32>
    %get3A_39 = arith.constant 3 : index
    %get3A_40 = arith.constant 0 : index
    %get3A_41 = arith.constant 0 : index
    %get3A_42 = vector.load %arg2[%get3A_39, %get3A_40, %get3A_41] : memref<5x64x16xf32, #tpu.memory_space<vmem>>, vector<1x64x16xf32>
    %get3A_43 = vector.shape_cast %get3A_42 : vector<1x64x16xf32> to vector<64x16xf32>
    %dot_general3A_44 = arith.constant dense<0.000000e+00> : vector<896x16xf32>
    %dot_general3A_45 = tpu.matmul %get3A_38, %get3A_43, %dot_general3A_44 {dimension_numbers = #tpu.dot_dimension_numbers<[1], [0], [0], [1], [0, 0, 1, 1], [], []>, transpose_lhs_hint = false} : vector<896x64xf32>, vector<64x16xf32>, vector<896x16xf32> -> vector<896x16xf32>
    %get3A_46 = arith.constant 0 : index
    %get3A_47 = arith.constant 4 : index
    %get3A_48 = arith.constant 0 : index
    %get3A_49 = vector.load %arg1[%get3A_46, %get3A_47, %get3A_48] : memref<896x5x64xf32, #tpu.memory_space<vmem>>, vector<896x1x64xf32>
    %get3A_50 = vector.shape_cast %get3A_49 : vector<896x1x64xf32> to vector<896x64xf32>
    %get3A_51 = arith.constant 4 : index
    %get3A_52 = arith.constant 0 : index
    %get3A_53 = arith.constant 0 : index
    %get3A_54 = vector.load %arg2[%get3A_51, %get3A_52, %get3A_53] : memref<5x64x16xf32, #tpu.memory_space<vmem>>, vector<1x64x16xf32>
    %get3A_55 = vector.shape_cast %get3A_54 : vector<1x64x16xf32> to vector<64x16xf32>
    %dot_general3A_56 = arith.constant dense<0.000000e+00> : vector<896x16xf32>
    %dot_general3A_57 = tpu.matmul %get3A_50, %get3A_55, %dot_general3A_56 {dimension_numbers = #tpu.dot_dimension_numbers<[1], [0], [0], [1], [0, 0, 1, 1], [], []>, transpose_lhs_hint = false} : vector<896x64xf32>, vector<64x16xf32>, vector<896x16xf32> -> vector<896x16xf32>
    %stack3A = vector.shape_cast %dot_general3A_9 : vector<896x16xf32> to vector<896x1x16xf32>
    %stack3A_58 = vector.shape_cast %dot_general3A_21 : vector<896x16xf32> to vector<896x1x16xf32>
    %stack3A_59 = vector.shape_cast %dot_general3A_33 : vector<896x16xf32> to vector<896x1x16xf32>
    %stack3A_60 = vector.shape_cast %dot_general3A_45 : vector<896x16xf32> to vector<896x1x16xf32>
    %stack3A_61 = vector.shape_cast %dot_general3A_57 : vector<896x16xf32> to vector<896x1x16xf32>
    %stack3A_62 = tpu.concatenate %stack3A, %stack3A_58, %stack3A_59, %stack3A_60, %stack3A_61 in 1 : vector<896x1x16xf32>, vector<896x1x16xf32>, vector<896x1x16xf32>, vector<896x1x16xf32>, vector<896x1x16xf32> -> vector<896x5x16xf32>
    %swap3A = arith.constant 0 : index
    %swap3A_63 = arith.constant 0 : index
    %swap3A_64 = arith.constant 0 : index
    %swap3A_65 = vector.load %arg3[%swap3A, %swap3A_63, %swap3A_64] : memref<896x5x16xf32, #tpu.memory_space<vmem>>, vector<896x5x16xf32>
    tpu.vector_store %arg3[%swap3A, %swap3A_63, %swap3A_64], %stack3A_62 {strides = array<i32>} : memref<896x5x16xf32, #tpu.memory_space<vmem>>, vector<896x5x16xf32>,
    return
  }
  func.func @transform_0(%arg0: i32) -> (i32, i32, i32) {
    %c0_i32 = arith.constant 0 : i32
    %c0_i32_0 = arith.constant 0 : i32
    %c0_i32_1 = arith.constant 0 : i32
    return %arg0, %c0_i32, %c0_i32_0 : i32, i32, i32
  }
  func.func @transform_1(%arg0: i32) -> (i32, i32, i32) {
    %c0_i32 = arith.constant 0 : i32
    %c0_i32_0 = arith.constant 0 : i32
    %c0_i32_1 = arith.constant 0 : i32
    %c0_i32_2 = arith.constant 0 : i32
    return %c0_i32, %c0_i32_0, %c0_i32_1 : i32, i32, i32
  }
  func.func @transform_2(%arg0: i32) -> (i32, i32, i32) {
    %c0_i32 = arith.constant 0 : i32
    %c0_i32_0 = arith.constant 0 : i32
    %c0_i32_1 = arith.constant 0 : i32
    return %arg0, %c0_i32, %c0_i32_0 : i32, i32, i32
  }
}

module attributes {stable_mosaic.version = 14 : i64} {
  func.func @_nexus_body(%arg0: i32, %arg1: memref<896x5x16xf32, #tpu.memory_space<vmem>>, %arg2: memref<5x16xf32, #tpu.memory_space<vmem>>, %arg3: memref<5x16x16xf32, #tpu.memory_space<vmem>>, %arg4: memref<5x16xf32, #tpu.memory_space<vmem>>, %arg5: memref<896x5x16xf32, #tpu.memory_space<vmem>>) attributes {dimension_semantics = [#tpu.dimension_semantics<arbitrary>], iteration_bounds = array<i64: 28>, scalar_prefetch = 0 : i64, scratch_operands = 0 : i64, tpu.core_type = #tpu.core_type<tc>, window_params = [{transform_indices = @transform_0, window_bounds = array<i64: 896, 5, 16>}, {pipeline_mode = #tpu.pipeline_mode<synchronous>, transform_indices = @transform_1, window_bounds = array<i64: 5, 16>}, {pipeline_mode = #tpu.pipeline_mode<synchronous>, transform_indices = @transform_2, window_bounds = array<i64: 5, 16, 16>}, {pipeline_mode = #tpu.pipeline_mode<synchronous>, transform_indices = @transform_3, window_bounds = array<i64: 5, 16>}, {transform_indices = @transform_4, window_bounds = array<i64: 896, 5, 16>}]} {
    %get3A = arith.constant 0 : index
    %get3A_0 = arith.constant 0 : index
    %get3A_1 = arith.constant 0 : index
    %get3A_2 = vector.load %arg1[%get3A, %get3A_0, %get3A_1] : memref<896x5x16xf32, #tpu.memory_space<vmem>>, vector<896x1x16xf32>
    %get3A_3 = vector.shape_cast %get3A_2 : vector<896x1x16xf32> to vector<896x16xf32>
    %get3A_4 = arith.constant 0 : index
    %get3A_5 = arith.constant 0 : index
    %get3A_6 = vector.load %arg2[%get3A_4, %get3A_5] : memref<5x16xf32, #tpu.memory_space<vmem>>, vector<1x16xf32>
    %get3A_7 = vector.shape_cast %get3A_6 : vector<1x16xf32> to vector<16xf32>
    %broadcast_in_dim3A = vector.shape_cast %get3A_7 : vector<16xf32> to vector<1x16xf32>
    %add3A = vector.broadcast %broadcast_in_dim3A : vector<1x16xf32> to vector<896x16xf32>
    %add3A_8 = arith.addf %get3A_3, %add3A : vector<896x16xf32>
    %tanh3A = math.tanh %add3A_8 : vector<896x16xf32>
    %get3A_9 = arith.constant 0 : index
    %get3A_10 = arith.constant 0 : index
    %get3A_11 = arith.constant 0 : index
    %get3A_12 = vector.load %arg3[%get3A_9, %get3A_10, %get3A_11] : memref<5x16x16xf32, #tpu.memory_space<vmem>>, vector<1x16x16xf32>
    %get3A_13 = vector.shape_cast %get3A_12 : vector<1x16x16xf32> to vector<16x16xf32>
    %dot_general3A = arith.constant dense<0.000000e+00> : vector<896x16xf32>
    %dot_general3A_14 = tpu.matmul %tanh3A, %get3A_13, %dot_general3A {dimension_numbers = #tpu.dot_dimension_numbers<[1], [0], [0], [1], [0, 0, 1, 1], [], []>, transpose_lhs_hint = false} : vector<896x16xf32>, vector<16x16xf32>, vector<896x16xf32> -> vector<896x16xf32>
    %get3A_15 = arith.constant 0 : index
    %get3A_16 = arith.constant 0 : index
    %get3A_17 = vector.load %arg4[%get3A_15, %get3A_16] : memref<5x16xf32, #tpu.memory_space<vmem>>, vector<1x16xf32>
    %get3A_18 = vector.shape_cast %get3A_17 : vector<1x16xf32> to vector<16xf32>
    %broadcast_in_dim3A_19 = vector.shape_cast %get3A_18 : vector<16xf32> to vector<1x16xf32>
    %add3A_20 = vector.broadcast %broadcast_in_dim3A_19 : vector<1x16xf32> to vector<896x16xf32>
    %add3A_21 = arith.addf %dot_general3A_14, %add3A_20 : vector<896x16xf32>
    %tanh3A_22 = math.tanh %add3A_21 : vector<896x16xf32>
    %get3A_23 = arith.constant 0 : index
    %get3A_24 = arith.constant 1 : index
    %get3A_25 = arith.constant 0 : index
    %get3A_26 = vector.load %arg1[%get3A_23, %get3A_24, %get3A_25] : memref<896x5x16xf32, #tpu.memory_space<vmem>>, vector<896x1x16xf32>
    %get3A_27 = vector.shape_cast %get3A_26 : vector<896x1x16xf32> to vector<896x16xf32>
    %get3A_28 = arith.constant 1 : index
    %get3A_29 = arith.constant 0 : index
    %get3A_30 = vector.load %arg2[%get3A_28, %get3A_29] : memref<5x16xf32, #tpu.memory_space<vmem>>, vector<1x16xf32>
    %get3A_31 = vector.shape_cast %get3A_30 : vector<1x16xf32> to vector<16xf32>
    %broadcast_in_dim3A_32 = vector.shape_cast %get3A_31 : vector<16xf32> to vector<1x16xf32>
    %add3A_33 = vector.broadcast %broadcast_in_dim3A_32 : vector<1x16xf32> to vector<896x16xf32>
    %add3A_34 = arith.addf %get3A_27, %add3A_33 : vector<896x16xf32>
    %tanh3A_35 = math.tanh %add3A_34 : vector<896x16xf32>
    %get3A_36 = arith.constant 1 : index
    %get3A_37 = arith.constant 0 : index
    %get3A_38 = arith.constant 0 : index
    %get3A_39 = vector.load %arg3[%get3A_36, %get3A_37, %get3A_38] : memref<5x16x16xf32, #tpu.memory_space<vmem>>, vector<1x16x16xf32>
    %get3A_40 = vector.shape_cast %get3A_39 : vector<1x16x16xf32> to vector<16x16xf32>
    %dot_general3A_41 = arith.constant dense<0.000000e+00> : vector<896x16xf32>
    %dot_general3A_42 = tpu.matmul %tanh3A_35, %get3A_40, %dot_general3A_41 {dimension_numbers = #tpu.dot_dimension_numbers<[1], [0], [0], [1], [0, 0, 1, 1], [], []>, transpose_lhs_hint = false} : vector<896x16xf32>, vector<16x16xf32>, vector<896x16xf32> -> vector<896x16xf32>
    %get3A_43 = arith.constant 1 : index
    %get3A_44 = arith.constant 0 : index
    %get3A_45 = vector.load %arg4[%get3A_43, %get3A_44] : memref<5x16xf32, #tpu.memory_space<vmem>>, vector<1x16xf32>
    %get3A_46 = vector.shape_cast %get3A_45 : vector<1x16xf32> to vector<16xf32>
    %broadcast_in_dim3A_47 = vector.shape_cast %get3A_46 : vector<16xf32> to vector<1x16xf32>
    %add3A_48 = vector.broadcast %broadcast_in_dim3A_47 : vector<1x16xf32> to vector<896x16xf32>
    %add3A_49 = arith.addf %dot_general3A_42, %add3A_48 : vector<896x16xf32>
    %tanh3A_50 = math.tanh %add3A_49 : vector<896x16xf32>
    %get3A_51 = arith.constant 0 : index
    %get3A_52 = arith.constant 2 : index
    %get3A_53 = arith.constant 0 : index
    %get3A_54 = vector.load %arg1[%get3A_51, %get3A_52, %get3A_53] : memref<896x5x16xf32, #tpu.memory_space<vmem>>, vector<896x1x16xf32>
    %get3A_55 = vector.shape_cast %get3A_54 : vector<896x1x16xf32> to vector<896x16xf32>
    %get3A_56 = arith.constant 2 : index
    %get3A_57 = arith.constant 0 : index
    %get3A_58 = vector.load %arg2[%get3A_56, %get3A_57] : memref<5x16xf32, #tpu.memory_space<vmem>>, vector<1x16xf32>
    %get3A_59 = vector.shape_cast %get3A_58 : vector<1x16xf32> to vector<16xf32>
    %broadcast_in_dim3A_60 = vector.shape_cast %get3A_59 : vector<16xf32> to vector<1x16xf32>
    %add3A_61 = vector.broadcast %broadcast_in_dim3A_60 : vector<1x16xf32> to vector<896x16xf32>
    %add3A_62 = arith.addf %get3A_55, %add3A_61 : vector<896x16xf32>
    %tanh3A_63 = math.tanh %add3A_62 : vector<896x16xf32>
    %get3A_64 = arith.constant 2 : index
    %get3A_65 = arith.constant 0 : index
    %get3A_66 = arith.constant 0 : index
    %get3A_67 = vector.load %arg3[%get3A_64, %get3A_65, %get3A_66] : memref<5x16x16xf32, #tpu.memory_space<vmem>>, vector<1x16x16xf32>
    %get3A_68 = vector.shape_cast %get3A_67 : vector<1x16x16xf32> to vector<16x16xf32>
    %dot_general3A_69 = arith.constant dense<0.000000e+00> : vector<896x16xf32>
    %dot_general3A_70 = tpu.matmul %tanh3A_63, %get3A_68, %dot_general3A_69 {dimension_numbers = #tpu.dot_dimension_numbers<[1], [0], [0], [1], [0, 0, 1, 1], [], []>, transpose_lhs_hint = false} : vector<896x16xf32>, vector<16x16xf32>, vector<896x16xf32> -> vector<896x16xf32>
    %get3A_71 = arith.constant 2 : index
    %get3A_72 = arith.constant 0 : index
    %get3A_73 = vector.load %arg4[%get3A_71, %get3A_72] : memref<5x16xf32, #tpu.memory_space<vmem>>, vector<1x16xf32>
    %get3A_74 = vector.shape_cast %get3A_73 : vector<1x16xf32> to vector<16xf32>
    %broadcast_in_dim3A_75 = vector.shape_cast %get3A_74 : vector<16xf32> to vector<1x16xf32>
    %add3A_76 = vector.broadcast %broadcast_in_dim3A_75 : vector<1x16xf32> to vector<896x16xf32>
    %add3A_77 = arith.addf %dot_general3A_70, %add3A_76 : vector<896x16xf32>
    %tanh3A_78 = math.tanh %add3A_77 : vector<896x16xf32>
    %get3A_79 = arith.constant 0 : index
    %get3A_80 = arith.constant 3 : index
    %get3A_81 = arith.constant 0 : index
    %get3A_82 = vector.load %arg1[%get3A_79, %get3A_80, %get3A_81] : memref<896x5x16xf32, #tpu.memory_space<vmem>>, vector<896x1x16xf32>
    %get3A_83 = vector.shape_cast %get3A_82 : vector<896x1x16xf32> to vector<896x16xf32>
    %get3A_84 = arith.constant 3 : index
    %get3A_85 = arith.constant 0 : index
    %get3A_86 = vector.load %arg2[%get3A_84, %get3A_85] : memref<5x16xf32, #tpu.memory_space<vmem>>, vector<1x16xf32>
    %get3A_87 = vector.shape_cast %get3A_86 : vector<1x16xf32> to vector<16xf32>
    %broadcast_in_dim3A_88 = vector.shape_cast %get3A_87 : vector<16xf32> to vector<1x16xf32>
    %add3A_89 = vector.broadcast %broadcast_in_dim3A_88 : vector<1x16xf32> to vector<896x16xf32>
    %add3A_90 = arith.addf %get3A_83, %add3A_89 : vector<896x16xf32>
    %tanh3A_91 = math.tanh %add3A_90 : vector<896x16xf32>
    %get3A_92 = arith.constant 3 : index
    %get3A_93 = arith.constant 0 : index
    %get3A_94 = arith.constant 0 : index
    %get3A_95 = vector.load %arg3[%get3A_92, %get3A_93, %get3A_94] : memref<5x16x16xf32, #tpu.memory_space<vmem>>, vector<1x16x16xf32>
    %get3A_96 = vector.shape_cast %get3A_95 : vector<1x16x16xf32> to vector<16x16xf32>
    %dot_general3A_97 = arith.constant dense<0.000000e+00> : vector<896x16xf32>
    %dot_general3A_98 = tpu.matmul %tanh3A_91, %get3A_96, %dot_general3A_97 {dimension_numbers = #tpu.dot_dimension_numbers<[1], [0], [0], [1], [0, 0, 1, 1], [], []>, transpose_lhs_hint = false} : vector<896x16xf32>, vector<16x16xf32>, vector<896x16xf32> -> vector<896x16xf32>
    %get3A_99 = arith.constant 3 : index
    %get3A_100 = arith.constant 0 : index
    %get3A_101 = vector.load %arg4[%get3A_99, %get3A_100] : memref<5x16xf32, #tpu.memory_space<vmem>>, vector<1x16xf32>
    %get3A_102 = vector.shape_cast %get3A_101 : vector<1x16xf32> to vector<16xf32>
    %broadcast_in_dim3A_103 = vector.shape_cast %get3A_102 : vector<16xf32> to vector<1x16xf32>
    %add3A_104 = vector.broadcast %broadcast_in_dim3A_103 : vector<1x16xf32> to vector<896x16xf32>
    %add3A_105 = arith.addf %dot_general3A_98, %add3A_104 : vector<896x16xf32>
    %tanh3A_106 = math.tanh %add3A_105 : vector<896x16xf32>
    %get3A_107 = arith.constant 0 : index
    %get3A_108 = arith.constant 4 : index
    %get3A_109 = arith.constant 0 : index
    %get3A_110 = vector.load %arg1[%get3A_107, %get3A_108, %get3A_109] : memref<896x5x16xf32, #tpu.memory_space<vmem>>, vector<896x1x16xf32>
    %get3A_111 = vector.shape_cast %get3A_110 : vector<896x1x16xf32> to vector<896x16xf32>
    %get3A_112 = arith.constant 4 : index
    %get3A_113 = arith.constant 0 : index
    %get3A_114 = vector.load %arg2[%get3A_112, %get3A_113] : memref<5x16xf32, #tpu.memory_space<vmem>>, vector<1x16xf32>
    %get3A_115 = vector.shape_cast %get3A_114 : vector<1x16xf32> to vector<16xf32>
    %broadcast_in_dim3A_116 = vector.shape_cast %get3A_115 : vector<16xf32> to vector<1x16xf32>
    %add3A_117 = vector.broadcast %broadcast_in_dim3A_116 : vector<1x16xf32> to vector<896x16xf32>
    %add3A_118 = arith.addf %get3A_111, %add3A_117 : vector<896x16xf32>
    %tanh3A_119 = math.tanh %add3A_118 : vector<896x16xf32>
    %get3A_120 = arith.constant 4 : index
    %get3A_121 = arith.constant 0 : index
    %get3A_122 = arith.constant 0 : index
    %get3A_123 = vector.load %arg3[%get3A_120, %get3A_121, %get3A_122] : memref<5x16x16xf32, #tpu.memory_space<vmem>>, vector<1x16x16xf32>
    %get3A_124 = vector.shape_cast %get3A_123 : vector<1x16x16xf32> to vector<16x16xf32>
    %dot_general3A_125 = arith.constant dense<0.000000e+00> : vector<896x16xf32>
    %dot_general3A_126 = tpu.matmul %tanh3A_119, %get3A_124, %dot_general3A_125 {dimension_numbers = #tpu.dot_dimension_numbers<[1], [0], [0], [1], [0, 0, 1, 1], [], []>, transpose_lhs_hint = false} : vector<896x16xf32>, vector<16x16xf32>, vector<896x16xf32> -> vector<896x16xf32>
    %get3A_127 = arith.constant 4 : index
    %get3A_128 = arith.constant 0 : index
    %get3A_129 = vector.load %arg4[%get3A_127, %get3A_128] : memref<5x16xf32, #tpu.memory_space<vmem>>, vector<1x16xf32>
    %get3A_130 = vector.shape_cast %get3A_129 : vector<1x16xf32> to vector<16xf32>
    %broadcast_in_dim3A_131 = vector.shape_cast %get3A_130 : vector<16xf32> to vector<1x16xf32>
    %add3A_132 = vector.broadcast %broadcast_in_dim3A_131 : vector<1x16xf32> to vector<896x16xf32>
    %add3A_133 = arith.addf %dot_general3A_126, %add3A_132 : vector<896x16xf32>
    %tanh3A_134 = math.tanh %add3A_133 : vector<896x16xf32>
    %stack3A = vector.shape_cast %tanh3A_22 : vector<896x16xf32> to vector<896x1x16xf32>
    %stack3A_135 = vector.shape_cast %tanh3A_50 : vector<896x16xf32> to vector<896x1x16xf32>
    %stack3A_136 = vector.shape_cast %tanh3A_78 : vector<896x16xf32> to vector<896x1x16xf32>
    %stack3A_137 = vector.shape_cast %tanh3A_106 : vector<896x16xf32> to vector<896x1x16xf32>
    %stack3A_138 = vector.shape_cast %tanh3A_134 : vector<896x16xf32> to vector<896x1x16xf32>
    %stack3A_139 = tpu.concatenate %stack3A, %stack3A_135, %stack3A_136, %stack3A_137, %stack3A_138 in 1 : vector<896x1x16xf32>, vector<896x1x16xf32>, vector<896x1x16xf32>, vector<896x1x16xf32>, vector<896x1x16xf32> -> vector<896x5x16xf32>
    %swap3A = arith.constant 0 : index
    %swap3A_140 = arith.constant 0 : index
    %swap3A_141 = arith.constant 0 : index
    %swap3A_142 = vector.load %arg5[%swap3A, %swap3A_140, %swap3A_141] : memref<896x5x16xf32, #tpu.memory_space<vmem>>, vector<896x5x16xf32>
    tpu.vector_store %arg5[%swap3A, %swap3A_140, %swap3A_141], %stack3A_139 {strides = array<i32>} : memref<896x5x16xf32, #tpu.memory_space<vmem>>, vector<896x5x16xf32>,
    return
  }
  func.func @transform_0(%arg0: i32) -> (i32, i32, i32) {
    %c0_i32 = arith.constant 0 : i32
    %c0_i32_0 = arith.constant 0 : i32
    %c0_i32_1 = arith.constant 0 : i32
    return %arg0, %c0_i32, %c0_i32_0 : i32, i32, i32
  }
  func.func @transform_1(%arg0: i32) -> (i32, i32) {
    %c0_i32 = arith.constant 0 : i32
    %c0_i32_0 = arith.constant 0 : i32
    %c0_i32_1 = arith.constant 0 : i32
    return %c0_i32, %c0_i32_0 : i32, i32
  }
  func.func @transform_2(%arg0: i32) -> (i32, i32, i32) {
    %c0_i32 = arith.constant 0 : i32
    %c0_i32_0 = arith.constant 0 : i32
    %c0_i32_1 = arith.constant 0 : i32
    %c0_i32_2 = arith.constant 0 : i32
    return %c0_i32, %c0_i32_0, %c0_i32_1 : i32, i32, i32
  }
  func.func @transform_3(%arg0: i32) -> (i32, i32) {
    %c0_i32 = arith.constant 0 : i32
    %c0_i32_0 = arith.constant 0 : i32
    %c0_i32_1 = arith.constant 0 : i32
    return %c0_i32, %c0_i32_0 : i32, i32
  }
  func.func @transform_4(%arg0: i32) -> (i32, i32, i32) {
    %c0_i32 = arith.constant 0 : i32
    %c0_i32_0 = arith.constant 0 : i32
    %c0_i32_1 = arith.constant 0 : i32
    return %arg0, %c0_i32, %c0_i32_0 : i32, i32, i32
  }
}

module attributes {stable_mosaic.version = 14 : i64} {
  func.func @_edge_body(%arg0: i32, %arg1: i32, %arg2: memref<1x1024x5x64xf32, #tpu.memory_space<vmem>>, %arg3: memref<1x1024x5x16xf32, #tpu.memory_space<vmem>>, %arg4: memref<1x5x64x64xf32, #tpu.memory_space<vmem>>, %arg5: memref<1x5x16x64xf32, #tpu.memory_space<vmem>>, %arg6: memref<1x5x64xf32, #tpu.memory_space<vmem>>, %arg7: memref<1x5x64xf32, #tpu.memory_space<vmem>>, %arg8: memref<1x5x1xf32, #tpu.memory_space<vmem>>, %arg9: memref<1x1024x5x16xf32, #tpu.memory_space<vmem>>) attributes {dimension_semantics = [#tpu.dimension_semantics<arbitrary>, #tpu.dimension_semantics<arbitrary>], iteration_bounds = array<i64: 3, 100>, scalar_prefetch = 0 : i64, scratch_operands = 0 : i64, tpu.core_type = #tpu.core_type<tc>, window_params = [{transform_indices = @transform_0, window_bounds = array<i64: 1, 1024, 5, 64>}, {transform_indices = @transform_1, window_bounds = array<i64: 1, 1024, 5, 16>}, {transform_indices = @transform_2, window_bounds = array<i64: 1, 5, 64, 64>}, {transform_indices = @transform_3, window_bounds = array<i64: 1, 5, 16, 64>}, {transform_indices = @transform_4, window_bounds = array<i64: 1, 5, 64>}, {transform_indices = @transform_5, window_bounds = array<i64: 1, 5, 64>}, {transform_indices = @transform_6, window_bounds = array<i64: 1, 5, 1>}, {transform_indices = @transform_7, window_bounds = array<i64: 1, 1024, 5, 16>}]} {
    %get3A = arith.constant 0 : index
    %get3A_0 = arith.constant 0 : index
    %get3A_1 = arith.constant 0 : index
    %get3A_2 = arith.constant 0 : index
    %get3A_3 = vector.load %arg2[%get3A, %get3A_0, %get3A_1, %get3A_2] : memref<1x1024x5x64xf32, #tpu.memory_space<vmem>>, vector<1x1024x1x64xf32>
    %get3A_4 = vector.shape_cast %get3A_3 : vector<1x1024x1x64xf32> to vector<1024x64xf32>
    %get3A_5 = arith.constant 0 : index
    %get3A_6 = arith.constant 0 : index
    %get3A_7 = arith.constant 0 : index
    %get3A_8 = arith.constant 0 : index
    %get3A_9 = vector.load %arg4[%get3A_5, %get3A_6, %get3A_7, %get3A_8] : memref<1x5x64x64xf32, #tpu.memory_space<vmem>>, vector<1x1x64x64xf32>
    %get3A_10 = vector.shape_cast %get3A_9 : vector<1x1x64x64xf32> to vector<64x64xf32>
    %dot_general3A = arith.constant dense<0.000000e+00> : vector<1024x64xf32>
    %dot_general3A_11 = tpu.matmul %get3A_4, %get3A_10, %dot_general3A {dimension_numbers = #tpu.dot_dimension_numbers<[1], [0], [0], [1], [0, 0, 1, 1], [], []>, transpose_lhs_hint = false} : vector<1024x64xf32>, vector<64x64xf32>, vector<1024x64xf32> -> vector<1024x64xf32>
    %get3A_12 = arith.constant 0 : index
    %get3A_13 = arith.constant 0 : index
    %get3A_14 = arith.constant 0 : index
    %get3A_15 = arith.constant 0 : index
    %get3A_16 = vector.load %arg3[%get3A_12, %get3A_13, %get3A_14, %get3A_15] : memref<1x1024x5x16xf32, #tpu.memory_space<vmem>>, vector<1x1024x1x16xf32>
    %get3A_17 = vector.shape_cast %get3A_16 : vector<1x1024x1x16xf32> to vector<1024x16xf32>
    %get3A_18 = arith.constant 0 : index
    %get3A_19 = arith.constant 0 : index
    %get3A_20 = arith.constant 0 : index
    %get3A_21 = arith.constant 0 : index
    %get3A_22 = vector.load %arg5[%get3A_18, %get3A_19, %get3A_20, %get3A_21] : memref<1x5x16x64xf32, #tpu.memory_space<vmem>>, vector<1x1x16x64xf32>
    %get3A_23 = vector.shape_cast %get3A_22 : vector<1x1x16x64xf32> to vector<16x64xf32>
    %dot_general3A_24 = arith.constant dense<0.000000e+00> : vector<1024x64xf32>
    %dot_general3A_25 = tpu.matmul %get3A_17, %get3A_23, %dot_general3A_24 {dimension_numbers = #tpu.dot_dimension_numbers<[1], [0], [0], [1], [0, 0, 1, 1], [], []>, transpose_lhs_hint = false} : vector<1024x16xf32>, vector<16x64xf32>, vector<1024x64xf32> -> vector<1024x64xf32>
    %add3A = arith.addf %dot_general3A_11, %dot_general3A_25 : vector<1024x64xf32>
    %get3A_26 = arith.constant 0 : index
    %get3A_27 = arith.constant 0 : index
    %get3A_28 = arith.constant 0 : index
    %get3A_29 = vector.load %arg6[%get3A_26, %get3A_27, %get3A_28] : memref<1x5x64xf32, #tpu.memory_space<vmem>>, vector<1x1x64xf32>
    %get3A_30 = vector.shape_cast %get3A_29 : vector<1x1x64xf32> to vector<64xf32>
    %broadcast_in_dim3A = vector.shape_cast %get3A_30 : vector<64xf32> to vector<1x64xf32>
    %add3A_31 = vector.broadcast %broadcast_in_dim3A : vector<1x64xf32> to vector<1024x64xf32>
    %add3A_32 = arith.addf %add3A, %add3A_31 : vector<1024x64xf32>
    %tanh3A = math.tanh %add3A_32 : vector<1024x64xf32>
    %get3A_33 = arith.constant 0 : index
    %get3A_34 = arith.constant 0 : index
    %get3A_35 = arith.constant 0 : index
    %get3A_36 = vector.load %arg7[%get3A_33, %get3A_34, %get3A_35] : memref<1x5x64xf32, #tpu.memory_space<vmem>>, vector<1x1x64xf32>
    %get3A_37 = vector.shape_cast %get3A_36 : vector<1x1x64xf32> to vector<64xf32>
    %broadcast_in_dim3A_38 = vector.shape_cast %get3A_37 : vector<64xf32> to vector<1x64xf32>
    %mul3A = vector.broadcast %broadcast_in_dim3A_38 : vector<1x64xf32> to vector<1024x64xf32>
    %mul3A_39 = arith.mulf %tanh3A, %mul3A : vector<1024x64xf32>
    %reduce_sum3A = arith.constant dense<0.000000e+00> : vector<1024xf32>
    %reduce_sum3A_40 = vector.multi_reduction <add>, %mul3A_39, %reduce_sum3A [1] : vector<1024x64xf32> to vector<1024xf32>
    %broadcast_in_dim3A_41 = vector.shape_cast %reduce_sum3A_40 : vector<1024xf32> to vector<1024x1xf32>
    %get3A_42 = arith.constant 0 : index
    %get3A_43 = arith.constant 0 : index
    %get3A_44 = arith.constant 0 : index
    %get3A_45 = vector.load %arg8[%get3A_42, %get3A_43, %get3A_44] : memref<1x5x1xf32, #tpu.memory_space<vmem>>, vector<1x1x1xf32>
    %get3A_46 = vector.shape_cast %get3A_45 : vector<1x1x1xf32> to vector<1xf32>
    %broadcast_in_dim3A_47 = vector.shape_cast %get3A_46 : vector<1xf32> to vector<1x1xf32>
    %add3A_48 = vector.broadcast %broadcast_in_dim3A_47 : vector<1x1xf32> to vector<1024x1xf32>
    %add3A_49 = arith.addf %broadcast_in_dim3A_41, %add3A_48 : vector<1024x1xf32>
    %get3A_50 = arith.constant 0 : index
    %get3A_51 = arith.constant 0 : index
    %get3A_52 = arith.constant 1 : index
    %get3A_53 = arith.constant 0 : index
    %get3A_54 = vector.load %arg2[%get3A_50, %get3A_51, %get3A_52, %get3A_53] : memref<1x1024x5x64xf32, #tpu.memory_space<vmem>>, vector<1x1024x1x64xf32>
    %get3A_55 = vector.shape_cast %get3A_54 : vector<1x1024x1x64xf32> to vector<1024x64xf32>
    %get3A_56 = arith.constant 0 : index
    %get3A_57 = arith.constant 1 : index
    %get3A_58 = arith.constant 0 : index
    %get3A_59 = arith.constant 0 : index
    %get3A_60 = vector.load %arg4[%get3A_56, %get3A_57, %get3A_58, %get3A_59] : memref<1x5x64x64xf32, #tpu.memory_space<vmem>>, vector<1x1x64x64xf32>
    %get3A_61 = vector.shape_cast %get3A_60 : vector<1x1x64x64xf32> to vector<64x64xf32>
    %dot_general3A_62 = arith.constant dense<0.000000e+00> : vector<1024x64xf32>
    %dot_general3A_63 = tpu.matmul %get3A_55, %get3A_61, %dot_general3A_62 {dimension_numbers = #tpu.dot_dimension_numbers<[1], [0], [0], [1], [0, 0, 1, 1], [], []>, transpose_lhs_hint = false} : vector<1024x64xf32>, vector<64x64xf32>, vector<1024x64xf32> -> vector<1024x64xf32>
    %get3A_64 = arith.constant 0 : index
    %get3A_65 = arith.constant 0 : index
    %get3A_66 = arith.constant 1 : index
    %get3A_67 = arith.constant 0 : index
    %get3A_68 = vector.load %arg3[%get3A_64, %get3A_65, %get3A_66, %get3A_67] : memref<1x1024x5x16xf32, #tpu.memory_space<vmem>>, vector<1x1024x1x16xf32>
    %get3A_69 = vector.shape_cast %get3A_68 : vector<1x1024x1x16xf32> to vector<1024x16xf32>
    %get3A_70 = arith.constant 0 : index
    %get3A_71 = arith.constant 1 : index
    %get3A_72 = arith.constant 0 : index
    %get3A_73 = arith.constant 0 : index
    %get3A_74 = vector.load %arg5[%get3A_70, %get3A_71, %get3A_72, %get3A_73] : memref<1x5x16x64xf32, #tpu.memory_space<vmem>>, vector<1x1x16x64xf32>
    %get3A_75 = vector.shape_cast %get3A_74 : vector<1x1x16x64xf32> to vector<16x64xf32>
    %dot_general3A_76 = arith.constant dense<0.000000e+00> : vector<1024x64xf32>
    %dot_general3A_77 = tpu.matmul %get3A_69, %get3A_75, %dot_general3A_76 {dimension_numbers = #tpu.dot_dimension_numbers<[1], [0], [0], [1], [0, 0, 1, 1], [], []>, transpose_lhs_hint = false} : vector<1024x16xf32>, vector<16x64xf32>, vector<1024x64xf32> -> vector<1024x64xf32>
    %add3A_78 = arith.addf %dot_general3A_63, %dot_general3A_77 : vector<1024x64xf32>
    %get3A_79 = arith.constant 0 : index
    %get3A_80 = arith.constant 1 : index
    %get3A_81 = arith.constant 0 : index
    %get3A_82 = vector.load %arg6[%get3A_79, %get3A_80, %get3A_81] : memref<1x5x64xf32, #tpu.memory_space<vmem>>, vector<1x1x64xf32>
    %get3A_83 = vector.shape_cast %get3A_82 : vector<1x1x64xf32> to vector<64xf32>
    %broadcast_in_dim3A_84 = vector.shape_cast %get3A_83 : vector<64xf32> to vector<1x64xf32>
    %add3A_85 = vector.broadcast %broadcast_in_dim3A_84 : vector<1x64xf32> to vector<1024x64xf32>
    %add3A_86 = arith.addf %add3A_78, %add3A_85 : vector<1024x64xf32>
    %tanh3A_87 = math.tanh %add3A_86 : vector<1024x64xf32>
    %get3A_88 = arith.constant 0 : index
    %get3A_89 = arith.constant 1 : index
    %get3A_90 = arith.constant 0 : index
    %get3A_91 = vector.load %arg7[%get3A_88, %get3A_89, %get3A_90] : memref<1x5x64xf32, #tpu.memory_space<vmem>>, vector<1x1x64xf32>
    %get3A_92 = vector.shape_cast %get3A_91 : vector<1x1x64xf32> to vector<64xf32>
    %broadcast_in_dim3A_93 = vector.shape_cast %get3A_92 : vector<64xf32> to vector<1x64xf32>
    %mul3A_94 = vector.broadcast %broadcast_in_dim3A_93 : vector<1x64xf32> to vector<1024x64xf32>
    %mul3A_95 = arith.mulf %tanh3A_87, %mul3A_94 : vector<1024x64xf32>
    %reduce_sum3A_96 = arith.constant dense<0.000000e+00> : vector<1024xf32>
    %reduce_sum3A_97 = vector.multi_reduction <add>, %mul3A_95, %reduce_sum3A_96 [1] : vector<1024x64xf32> to vector<1024xf32>
    %broadcast_in_dim3A_98 = vector.shape_cast %reduce_sum3A_97 : vector<1024xf32> to vector<1024x1xf32>
    %get3A_99 = arith.constant 0 : index
    %get3A_100 = arith.constant 1 : index
    %get3A_101 = arith.constant 0 : index
    %get3A_102 = vector.load %arg8[%get3A_99, %get3A_100, %get3A_101] : memref<1x5x1xf32, #tpu.memory_space<vmem>>, vector<1x1x1xf32>
    %get3A_103 = vector.shape_cast %get3A_102 : vector<1x1x1xf32> to vector<1xf32>
    %broadcast_in_dim3A_104 = vector.shape_cast %get3A_103 : vector<1xf32> to vector<1x1xf32>
    %add3A_105 = vector.broadcast %broadcast_in_dim3A_104 : vector<1x1xf32> to vector<1024x1xf32>
    %add3A_106 = arith.addf %broadcast_in_dim3A_98, %add3A_105 : vector<1024x1xf32>
    %get3A_107 = arith.constant 0 : index
    %get3A_108 = arith.constant 0 : index
    %get3A_109 = arith.constant 2 : index
    %get3A_110 = arith.constant 0 : index
    %get3A_111 = vector.load %arg2[%get3A_107, %get3A_108, %get3A_109, %get3A_110] : memref<1x1024x5x64xf32, #tpu.memory_space<vmem>>, vector<1x1024x1x64xf32>
    %get3A_112 = vector.shape_cast %get3A_111 : vector<1x1024x1x64xf32> to vector<1024x64xf32>
    %get3A_113 = arith.constant 0 : index
    %get3A_114 = arith.constant 2 : index
    %get3A_115 = arith.constant 0 : index
    %get3A_116 = arith.constant 0 : index
    %get3A_117 = vector.load %arg4[%get3A_113, %get3A_114, %get3A_115, %get3A_116] : memref<1x5x64x64xf32, #tpu.memory_space<vmem>>, vector<1x1x64x64xf32>
    %get3A_118 = vector.shape_cast %get3A_117 : vector<1x1x64x64xf32> to vector<64x64xf32>
    %dot_general3A_119 = arith.constant dense<0.000000e+00> : vector<1024x64xf32>
    %dot_general3A_120 = tpu.matmul %get3A_112, %get3A_118, %dot_general3A_119 {dimension_numbers = #tpu.dot_dimension_numbers<[1], [0], [0], [1], [0, 0, 1, 1], [], []>, transpose_lhs_hint = false} : vector<1024x64xf32>, vector<64x64xf32>, vector<1024x64xf32> -> vector<1024x64xf32>
    %get3A_121 = arith.constant 0 : index
    %get3A_122 = arith.constant 0 : index
    %get3A_123 = arith.constant 2 : index
    %get3A_124 = arith.constant 0 : index
    %get3A_125 = vector.load %arg3[%get3A_121, %get3A_122, %get3A_123, %get3A_124] : memref<1x1024x5x16xf32, #tpu.memory_space<vmem>>, vector<1x1024x1x16xf32>
    %get3A_126 = vector.shape_cast %get3A_125 : vector<1x1024x1x16xf32> to vector<1024x16xf32>
    %get3A_127 = arith.constant 0 : index
    %get3A_128 = arith.constant 2 : index
    %get3A_129 = arith.constant 0 : index
    %get3A_130 = arith.constant 0 : index
    %get3A_131 = vector.load %arg5[%get3A_127, %get3A_128, %get3A_129, %get3A_130] : memref<1x5x16x64xf32, #tpu.memory_space<vmem>>, vector<1x1x16x64xf32>
    %get3A_132 = vector.shape_cast %get3A_131 : vector<1x1x16x64xf32> to vector<16x64xf32>
    %dot_general3A_133 = arith.constant dense<0.000000e+00> : vector<1024x64xf32>
    %dot_general3A_134 = tpu.matmul %get3A_126, %get3A_132, %dot_general3A_133 {dimension_numbers = #tpu.dot_dimension_numbers<[1], [0], [0], [1], [0, 0, 1, 1], [], []>, transpose_lhs_hint = false} : vector<1024x16xf32>, vector<16x64xf32>, vector<1024x64xf32> -> vector<1024x64xf32>
    %add3A_135 = arith.addf %dot_general3A_120, %dot_general3A_134 : vector<1024x64xf32>
    %get3A_136 = arith.constant 0 : index
    %get3A_137 = arith.constant 2 : index
    %get3A_138 = arith.constant 0 : index
    %get3A_139 = vector.load %arg6[%get3A_136, %get3A_137, %get3A_138] : memref<1x5x64xf32, #tpu.memory_space<vmem>>, vector<1x1x64xf32>
    %get3A_140 = vector.shape_cast %get3A_139 : vector<1x1x64xf32> to vector<64xf32>
    %broadcast_in_dim3A_141 = vector.shape_cast %get3A_140 : vector<64xf32> to vector<1x64xf32>
    %add3A_142 = vector.broadcast %broadcast_in_dim3A_141 : vector<1x64xf32> to vector<1024x64xf32>
    %add3A_143 = arith.addf %add3A_135, %add3A_142 : vector<1024x64xf32>
    %tanh3A_144 = math.tanh %add3A_143 : vector<1024x64xf32>
    %get3A_145 = arith.constant 0 : index
    %get3A_146 = arith.constant 2 : index
    %get3A_147 = arith.constant 0 : index
    %get3A_148 = vector.load %arg7[%get3A_145, %get3A_146, %get3A_147] : memref<1x5x64xf32, #tpu.memory_space<vmem>>, vector<1x1x64xf32>
    %get3A_149 = vector.shape_cast %get3A_148 : vector<1x1x64xf32> to vector<64xf32>
    %broadcast_in_dim3A_150 = vector.shape_cast %get3A_149 : vector<64xf32> to vector<1x64xf32>
    %mul3A_151 = vector.broadcast %broadcast_in_dim3A_150 : vector<1x64xf32> to vector<1024x64xf32>
    %mul3A_152 = arith.mulf %tanh3A_144, %mul3A_151 : vector<1024x64xf32>
    %reduce_sum3A_153 = arith.constant dense<0.000000e+00> : vector<1024xf32>
    %reduce_sum3A_154 = vector.multi_reduction <add>, %mul3A_152, %reduce_sum3A_153 [1] : vector<1024x64xf32> to vector<1024xf32>
    %broadcast_in_dim3A_155 = vector.shape_cast %reduce_sum3A_154 : vector<1024xf32> to vector<1024x1xf32>
    %get3A_156 = arith.constant 0 : index
    %get3A_157 = arith.constant 2 : index
    %get3A_158 = arith.constant 0 : index
    %get3A_159 = vector.load %arg8[%get3A_156, %get3A_157, %get3A_158] : memref<1x5x1xf32, #tpu.memory_space<vmem>>, vector<1x1x1xf32>
    %get3A_160 = vector.shape_cast %get3A_159 : vector<1x1x1xf32> to vector<1xf32>
    %broadcast_in_dim3A_161 = vector.shape_cast %get3A_160 : vector<1xf32> to vector<1x1xf32>
    %add3A_162 = vector.broadcast %broadcast_in_dim3A_161 : vector<1x1xf32> to vector<1024x1xf32>
    %add3A_163 = arith.addf %broadcast_in_dim3A_155, %add3A_162 : vector<1024x1xf32>
    %get3A_164 = arith.constant 0 : index
    %get3A_165 = arith.constant 0 : index
    %get3A_166 = arith.constant 3 : index
    %get3A_167 = arith.constant 0 : index
    %get3A_168 = vector.load %arg2[%get3A_164, %get3A_165, %get3A_166, %get3A_167] : memref<1x1024x5x64xf32, #tpu.memory_space<vmem>>, vector<1x1024x1x64xf32>
    %get3A_169 = vector.shape_cast %get3A_168 : vector<1x1024x1x64xf32> to vector<1024x64xf32>
    %get3A_170 = arith.constant 0 : index
    %get3A_171 = arith.constant 3 : index
    %get3A_172 = arith.constant 0 : index
    %get3A_173 = arith.constant 0 : index
    %get3A_174 = vector.load %arg4[%get3A_170, %get3A_171, %get3A_172, %get3A_173] : memref<1x5x64x64xf32, #tpu.memory_space<vmem>>, vector<1x1x64x64xf32>
    %get3A_175 = vector.shape_cast %get3A_174 : vector<1x1x64x64xf32> to vector<64x64xf32>
    %dot_general3A_176 = arith.constant dense<0.000000e+00> : vector<1024x64xf32>
    %dot_general3A_177 = tpu.matmul %get3A_169, %get3A_175, %dot_general3A_176 {dimension_numbers = #tpu.dot_dimension_numbers<[1], [0], [0], [1], [0, 0, 1, 1], [], []>, transpose_lhs_hint = false} : vector<1024x64xf32>, vector<64x64xf32>, vector<1024x64xf32> -> vector<1024x64xf32>
    %get3A_178 = arith.constant 0 : index
    %get3A_179 = arith.constant 0 : index
    %get3A_180 = arith.constant 3 : index
    %get3A_181 = arith.constant 0 : index
    %get3A_182 = vector.load %arg3[%get3A_178, %get3A_179, %get3A_180, %get3A_181] : memref<1x1024x5x16xf32, #tpu.memory_space<vmem>>, vector<1x1024x1x16xf32>
    %get3A_183 = vector.shape_cast %get3A_182 : vector<1x1024x1x16xf32> to vector<1024x16xf32>
    %get3A_184 = arith.constant 0 : index
    %get3A_185 = arith.constant 3 : index
    %get3A_186 = arith.constant 0 : index
    %get3A_187 = arith.constant 0 : index
    %get3A_188 = vector.load %arg5[%get3A_184, %get3A_185, %get3A_186, %get3A_187] : memref<1x5x16x64xf32, #tpu.memory_space<vmem>>, vector<1x1x16x64xf32>
    %get3A_189 = vector.shape_cast %get3A_188 : vector<1x1x16x64xf32> to vector<16x64xf32>
    %dot_general3A_190 = arith.constant dense<0.000000e+00> : vector<1024x64xf32>
    %dot_general3A_191 = tpu.matmul %get3A_183, %get3A_189, %dot_general3A_190 {dimension_numbers = #tpu.dot_dimension_numbers<[1], [0], [0], [1], [0, 0, 1, 1], [], []>, transpose_lhs_hint = false} : vector<1024x16xf32>, vector<16x64xf32>, vector<1024x64xf32> -> vector<1024x64xf32>
    %add3A_192 = arith.addf %dot_general3A_177, %dot_general3A_191 : vector<1024x64xf32>
    %get3A_193 = arith.constant 0 : index
    %get3A_194 = arith.constant 3 : index
    %get3A_195 = arith.constant 0 : index
    %get3A_196 = vector.load %arg6[%get3A_193, %get3A_194, %get3A_195] : memref<1x5x64xf32, #tpu.memory_space<vmem>>, vector<1x1x64xf32>
    %get3A_197 = vector.shape_cast %get3A_196 : vector<1x1x64xf32> to vector<64xf32>
    %broadcast_in_dim3A_198 = vector.shape_cast %get3A_197 : vector<64xf32> to vector<1x64xf32>
    %add3A_199 = vector.broadcast %broadcast_in_dim3A_198 : vector<1x64xf32> to vector<1024x64xf32>
    %add3A_200 = arith.addf %add3A_192, %add3A_199 : vector<1024x64xf32>
    %tanh3A_201 = math.tanh %add3A_200 : vector<1024x64xf32>
    %get3A_202 = arith.constant 0 : index
    %get3A_203 = arith.constant 3 : index
    %get3A_204 = arith.constant 0 : index
    %get3A_205 = vector.load %arg7[%get3A_202, %get3A_203, %get3A_204] : memref<1x5x64xf32, #tpu.memory_space<vmem>>, vector<1x1x64xf32>
    %get3A_206 = vector.shape_cast %get3A_205 : vector<1x1x64xf32> to vector<64xf32>
    %broadcast_in_dim3A_207 = vector.shape_cast %get3A_206 : vector<64xf32> to vector<1x64xf32>
    %mul3A_208 = vector.broadcast %broadcast_in_dim3A_207 : vector<1x64xf32> to vector<1024x64xf32>
    %mul3A_209 = arith.mulf %tanh3A_201, %mul3A_208 : vector<1024x64xf32>
    %reduce_sum3A_210 = arith.constant dense<0.000000e+00> : vector<1024xf32>
    %reduce_sum3A_211 = vector.multi_reduction <add>, %mul3A_209, %reduce_sum3A_210 [1] : vector<1024x64xf32> to vector<1024xf32>
    %broadcast_in_dim3A_212 = vector.shape_cast %reduce_sum3A_211 : vector<1024xf32> to vector<1024x1xf32>
    %get3A_213 = arith.constant 0 : index
    %get3A_214 = arith.constant 3 : index
    %get3A_215 = arith.constant 0 : index
    %get3A_216 = vector.load %arg8[%get3A_213, %get3A_214, %get3A_215] : memref<1x5x1xf32, #tpu.memory_space<vmem>>, vector<1x1x1xf32>
    %get3A_217 = vector.shape_cast %get3A_216 : vector<1x1x1xf32> to vector<1xf32>
    %broadcast_in_dim3A_218 = vector.shape_cast %get3A_217 : vector<1xf32> to vector<1x1xf32>
    %add3A_219 = vector.broadcast %broadcast_in_dim3A_218 : vector<1x1xf32> to vector<1024x1xf32>
    %add3A_220 = arith.addf %broadcast_in_dim3A_212, %add3A_219 : vector<1024x1xf32>
    %get3A_221 = arith.constant 0 : index
    %get3A_222 = arith.constant 0 : index
    %get3A_223 = arith.constant 4 : index
    %get3A_224 = arith.constant 0 : index
    %get3A_225 = vector.load %arg2[%get3A_221, %get3A_222, %get3A_223, %get3A_224] : memref<1x1024x5x64xf32, #tpu.memory_space<vmem>>, vector<1x1024x1x64xf32>
    %get3A_226 = vector.shape_cast %get3A_225 : vector<1x1024x1x64xf32> to vector<1024x64xf32>
    %get3A_227 = arith.constant 0 : index
    %get3A_228 = arith.constant 4 : index
    %get3A_229 = arith.constant 0 : index
    %get3A_230 = arith.constant 0 : index
    %get3A_231 = vector.load %arg4[%get3A_227, %get3A_228, %get3A_229, %get3A_230] : memref<1x5x64x64xf32, #tpu.memory_space<vmem>>, vector<1x1x64x64xf32>
    %get3A_232 = vector.shape_cast %get3A_231 : vector<1x1x64x64xf32> to vector<64x64xf32>
    %dot_general3A_233 = arith.constant dense<0.000000e+00> : vector<1024x64xf32>
    %dot_general3A_234 = tpu.matmul %get3A_226, %get3A_232, %dot_general3A_233 {dimension_numbers = #tpu.dot_dimension_numbers<[1], [0], [0], [1], [0, 0, 1, 1], [], []>, transpose_lhs_hint = false} : vector<1024x64xf32>, vector<64x64xf32>, vector<1024x64xf32> -> vector<1024x64xf32>
    %get3A_235 = arith.constant 0 : index
    %get3A_236 = arith.constant 0 : index
    %get3A_237 = arith.constant 4 : index
    %get3A_238 = arith.constant 0 : index
    %get3A_239 = vector.load %arg3[%get3A_235, %get3A_236, %get3A_237, %get3A_238] : memref<1x1024x5x16xf32, #tpu.memory_space<vmem>>, vector<1x1024x1x16xf32>
    %get3A_240 = vector.shape_cast %get3A_239 : vector<1x1024x1x16xf32> to vector<1024x16xf32>
    %get3A_241 = arith.constant 0 : index
    %get3A_242 = arith.constant 4 : index
    %get3A_243 = arith.constant 0 : index
    %get3A_244 = arith.constant 0 : index
    %get3A_245 = vector.load %arg5[%get3A_241, %get3A_242, %get3A_243, %get3A_244] : memref<1x5x16x64xf32, #tpu.memory_space<vmem>>, vector<1x1x16x64xf32>
    %get3A_246 = vector.shape_cast %get3A_245 : vector<1x1x16x64xf32> to vector<16x64xf32>
    %dot_general3A_247 = arith.constant dense<0.000000e+00> : vector<1024x64xf32>
    %dot_general3A_248 = tpu.matmul %get3A_240, %get3A_246, %dot_general3A_247 {dimension_numbers = #tpu.dot_dimension_numbers<[1], [0], [0], [1], [0, 0, 1, 1], [], []>, transpose_lhs_hint = false} : vector<1024x16xf32>, vector<16x64xf32>, vector<1024x64xf32> -> vector<1024x64xf32>
    %add3A_249 = arith.addf %dot_general3A_234, %dot_general3A_248 : vector<1024x64xf32>
    %get3A_250 = arith.constant 0 : index
    %get3A_251 = arith.constant 4 : index
    %get3A_252 = arith.constant 0 : index
    %get3A_253 = vector.load %arg6[%get3A_250, %get3A_251, %get3A_252] : memref<1x5x64xf32, #tpu.memory_space<vmem>>, vector<1x1x64xf32>
    %get3A_254 = vector.shape_cast %get3A_253 : vector<1x1x64xf32> to vector<64xf32>
    %broadcast_in_dim3A_255 = vector.shape_cast %get3A_254 : vector<64xf32> to vector<1x64xf32>
    %add3A_256 = vector.broadcast %broadcast_in_dim3A_255 : vector<1x64xf32> to vector<1024x64xf32>
    %add3A_257 = arith.addf %add3A_249, %add3A_256 : vector<1024x64xf32>
    %tanh3A_258 = math.tanh %add3A_257 : vector<1024x64xf32>
    %get3A_259 = arith.constant 0 : index
    %get3A_260 = arith.constant 4 : index
    %get3A_261 = arith.constant 0 : index
    %get3A_262 = vector.load %arg7[%get3A_259, %get3A_260, %get3A_261] : memref<1x5x64xf32, #tpu.memory_space<vmem>>, vector<1x1x64xf32>
    %get3A_263 = vector.shape_cast %get3A_262 : vector<1x1x64xf32> to vector<64xf32>
    %broadcast_in_dim3A_264 = vector.shape_cast %get3A_263 : vector<64xf32> to vector<1x64xf32>
    %mul3A_265 = vector.broadcast %broadcast_in_dim3A_264 : vector<1x64xf32> to vector<1024x64xf32>
    %mul3A_266 = arith.mulf %tanh3A_258, %mul3A_265 : vector<1024x64xf32>
    %reduce_sum3A_267 = arith.constant dense<0.000000e+00> : vector<1024xf32>
    %reduce_sum3A_268 = vector.multi_reduction <add>, %mul3A_266, %reduce_sum3A_267 [1] : vector<1024x64xf32> to vector<1024xf32>
    %broadcast_in_dim3A_269 = vector.shape_cast %reduce_sum3A_268 : vector<1024xf32> to vector<1024x1xf32>
    %get3A_270 = arith.constant 0 : index
    %get3A_271 = arith.constant 4 : index
    %get3A_272 = arith.constant 0 : index
    %get3A_273 = vector.load %arg8[%get3A_270, %get3A_271, %get3A_272] : memref<1x5x1xf32, #tpu.memory_space<vmem>>, vector<1x1x1xf32>
    %get3A_274 = vector.shape_cast %get3A_273 : vector<1x1x1xf32> to vector<1xf32>
    %broadcast_in_dim3A_275 = vector.shape_cast %get3A_274 : vector<1xf32> to vector<1x1xf32>
    %add3A_276 = vector.broadcast %broadcast_in_dim3A_275 : vector<1x1xf32> to vector<1024x1xf32>
    %add3A_277 = arith.addf %broadcast_in_dim3A_269, %add3A_276 : vector<1024x1xf32>
    %concatenate3A = tpu.concatenate %add3A_49, %add3A_106, %add3A_163, %add3A_220, %add3A_277 in 1 : vector<1024x1xf32>, vector<1024x1xf32>, vector<1024x1xf32>, vector<1024x1xf32>, vector<1024x1xf32> -> vector<1024x5xf32>
    %reduce_max3A = arith.constant dense<0xFF800000> : vector<1024xf32>
    %reduce_max3A_278 = vector.multi_reduction <maximumf>, %concatenate3A, %reduce_max3A [1] : vector<1024x5xf32> to vector<1024xf32>
    %broadcast_in_dim3A_279 = vector.shape_cast %reduce_max3A_278 : vector<1024xf32> to vector<1024x1xf32>
    %sub3A = vector.broadcast %broadcast_in_dim3A_279 : vector<1024x1xf32> to vector<1024x5xf32>
    %sub3A_280 = arith.subf %concatenate3A, %sub3A : vector<1024x5xf32>
    %exp3A = math.exp %sub3A_280 : vector<1024x5xf32>
    %reduce_sum3A_281 = arith.constant dense<0.000000e+00> : vector<1024xf32>
    %reduce_sum3A_282 = vector.multi_reduction <add>, %exp3A, %reduce_sum3A_281 [1] : vector<1024x5xf32> to vector<1024xf32>
    %broadcast_in_dim3A_283 = vector.shape_cast %reduce_sum3A_282 : vector<1024xf32> to vector<1024x1xf32>
    %div3A = vector.broadcast %broadcast_in_dim3A_283 : vector<1024x1xf32> to vector<1024x5xf32>
    %div3A_284 = arith.divf %exp3A, %div3A : vector<1024x5xf32>
    %get3A_285 = arith.constant 0 : index
    %get3A_286 = arith.constant 0 : index
    %get3A_287 = arith.constant 0 : index
    %get3A_288 = arith.constant 0 : index
    %get3A_289 = vector.load %arg3[%get3A_285, %get3A_286, %get3A_287, %get3A_288] : memref<1x1024x5x16xf32, #tpu.memory_space<vmem>>, vector<1x1024x5x16xf32>
    %get3A_290 = vector.shape_cast %get3A_289 : vector<1x1024x5x16xf32> to vector<1024x5x16xf32>
    %broadcast_in_dim3A_291 = vector.shape_cast %div3A_284 : vector<1024x5xf32> to vector<1024x5x1xf32>
    %mul3A_292 = vector.broadcast %broadcast_in_dim3A_291 : vector<1024x5x1xf32> to vector<1024x5x16xf32>
    %mul3A_293 = arith.mulf %get3A_290, %mul3A_292 : vector<1024x5x16xf32>
    %swap3A = arith.constant 0 : index
    %swap3A_294 = arith.constant 0 : index
    %swap3A_295 = arith.constant 0 : index
    %swap3A_296 = arith.constant 0 : index
    %swap3A_297 = vector.load %arg9[%swap3A, %swap3A_294, %swap3A_295, %swap3A_296] : memref<1x1024x5x16xf32, #tpu.memory_space<vmem>>, vector<1x1024x5x16xf32>
    %swap3A_298 = vector.shape_cast %swap3A_297 : vector<1x1024x5x16xf32> to vector<1024x5x16xf32>
    %swap3A_299 = vector.shape_cast %mul3A_293 : vector<1024x5x16xf32> to vector<1x1024x5x16xf32>
    tpu.vector_store %arg9[%swap3A, %swap3A_294, %swap3A_295, %swap3A_296], %swap3A_299 {strides = array<i32>} : memref<1x1024x5x16xf32, #tpu.memory_space<vmem>>, vector<1x1024x5x16xf32>,
    return
  }
  func.func @transform_0(%arg0: i32, %arg1: i32) -> (i32, i32, i32, i32) {
    %c0_i32 = arith.constant 0 : i32
    %c0_i32_0 = arith.constant 0 : i32
    %c0_i32_1 = arith.constant 0 : i32
    return %arg0, %arg1, %c0_i32, %c0_i32_0 : i32, i32, i32, i32
  }
  func.func @transform_1(%arg0: i32, %arg1: i32) -> (i32, i32, i32, i32) {
    %c0_i32 = arith.constant 0 : i32
    %c0_i32_0 = arith.constant 0 : i32
    %c0_i32_1 = arith.constant 0 : i32
    return %arg0, %arg1, %c0_i32, %c0_i32_0 : i32, i32, i32, i32
  }
  func.func @transform_2(%arg0: i32, %arg1: i32) -> (i32, i32, i32, i32) {
    %c0_i32 = arith.constant 0 : i32
    %c0_i32_0 = arith.constant 0 : i32
    %c0_i32_1 = arith.constant 0 : i32
    %c0_i32_2 = arith.constant 0 : i32
    return %arg0, %c0_i32, %c0_i32_0, %c0_i32_1 : i32, i32, i32, i32
  }
  func.func @transform_3(%arg0: i32, %arg1: i32) -> (i32, i32, i32, i32) {
    %c0_i32 = arith.constant 0 : i32
    %c0_i32_0 = arith.constant 0 : i32
    %c0_i32_1 = arith.constant 0 : i32
    %c0_i32_2 = arith.constant 0 : i32
    return %arg0, %c0_i32, %c0_i32_0, %c0_i32_1 : i32, i32, i32, i32
  }
  func.func @transform_4(%arg0: i32, %arg1: i32) -> (i32, i32, i32) {
    %c0_i32 = arith.constant 0 : i32
    %c0_i32_0 = arith.constant 0 : i32
    %c0_i32_1 = arith.constant 0 : i32
    return %arg0, %c0_i32, %c0_i32_0 : i32, i32, i32
  }
  func.func @transform_5(%arg0: i32, %arg1: i32) -> (i32, i32, i32) {
    %c0_i32 = arith.constant 0 : i32
    %c0_i32_0 = arith.constant 0 : i32
    %c0_i32_1 = arith.constant 0 : i32
    return %arg0, %c0_i32, %c0_i32_0 : i32, i32, i32
  }
  func.func @transform_6(%arg0: i32, %arg1: i32) -> (i32, i32, i32) {
    %c0_i32 = arith.constant 0 : i32
    %c0_i32_0 = arith.constant 0 : i32
    %c0_i32_1 = arith.constant 0 : i32
    return %arg0, %c0_i32, %c0_i32_0 : i32, i32, i32
  }
  func.func @transform_7(%arg0: i32, %arg1: i32) -> (i32, i32, i32, i32) {
    %c0_i32 = arith.constant 0 : i32
    %c0_i32_0 = arith.constant 0 : i32
    %c0_i32_1 = arith.constant 0 : i32
    return %arg0, %arg1, %c0_i32, %c0_i32_0 : i32, i32, i32, i32
  }
}

module attributes {stable_mosaic.version = 14 : i64} {
  func.func @_node_body(%arg0: i32, %arg1: memref<1000x5x64xf32, #tpu.memory_space<vmem>>, %arg2: memref<1000x5x16xf32, #tpu.memory_space<vmem>>, %arg3: memref<1000x1xf32, #tpu.memory_space<vmem>>, %arg4: memref<5x64x64xf32, #tpu.memory_space<vmem>>, %arg5: memref<5x16x64xf32, #tpu.memory_space<vmem>>, %arg6: memref<5x64xf32, #tpu.memory_space<vmem>>, %arg7: memref<5x64x64xf32, #tpu.memory_space<vmem>>, %arg8: memref<5x64xf32, #tpu.memory_space<vmem>>, %arg9: memref<1000x5x64xf32, #tpu.memory_space<vmem>>) attributes {dimension_semantics = [#tpu.dimension_semantics<arbitrary>], iteration_bounds = array<i64: 50>, scalar_prefetch = 0 : i64, scratch_operands = 0 : i64, tpu.core_type = #tpu.core_type<tc>, window_params = [{transform_indices = @transform_0, window_bounds = array<i64: 1000, 5, 64>}, {transform_indices = @transform_1, window_bounds = array<i64: 1000, 5, 16>}, {transform_indices = @transform_2, window_bounds = array<i64: 1000, 1>}, {pipeline_mode = #tpu.pipeline_mode<synchronous>, transform_indices = @transform_3, window_bounds = array<i64: 5, 64, 64>}, {pipeline_mode = #tpu.pipeline_mode<synchronous>, transform_indices = @transform_4, window_bounds = array<i64: 5, 16, 64>}, {pipeline_mode = #tpu.pipeline_mode<synchronous>, transform_indices = @transform_5, window_bounds = array<i64: 5, 64>}, {pipeline_mode = #tpu.pipeline_mode<synchronous>, transform_indices = @transform_6, window_bounds = array<i64: 5, 64, 64>}, {pipeline_mode = #tpu.pipeline_mode<synchronous>, transform_indices = @transform_7, window_bounds = array<i64: 5, 64>}, {transform_indices = @transform_8, window_bounds = array<i64: 1000, 5, 64>}]} {
    %lt3A = arith.constant 25 : i32
    %lt3A_0 = arith.cmpi slt, %arg0, %lt3A : i32
    %get3A = arith.constant 0 : index
    %get3A_1 = arith.constant 0 : index
    %get3A_2 = vector.load %arg3[%get3A, %get3A_1] : memref<1000x1xf32, #tpu.memory_space<vmem>>, vector<1000x1xf32>
    %max3A = arith.constant 1.000000e+00 : f32
    %max3A_3 = vector.broadcast %max3A : f32 to vector<1000x1xf32>
    %max3A_4 = arith.maximumf %get3A_2, %max3A_3 : vector<1000x1xf32>
    %get3A_5 = arith.constant 0 : index
    %get3A_6 = arith.constant 0 : index
    %get3A_7 = arith.constant 0 : index
    %get3A_8 = vector.load %arg2[%get3A_5, %get3A_6, %get3A_7] : memref<1000x5x16xf32, #tpu.memory_space<vmem>>, vector<1000x1x16xf32>
    %get3A_9 = vector.shape_cast %get3A_8 : vector<1000x1x16xf32> to vector<1000x16xf32>
    %div3A = vector.broadcast %max3A_4 : vector<1000x1xf32> to vector<1000x16xf32>
    %div3A_10 = arith.divf %get3A_9, %div3A : vector<1000x16xf32>
    %jit3A = arith.constant 0.000000e+00 : f32
    %broadcast_in_dim3A = vector.broadcast %jit3A : f32 to vector<1000x16xf32>
    %select_n3A = arith.select %lt3A_0, %div3A_10, %broadcast_in_dim3A : vector<1000x16xf32>
    %get3A_11 = arith.constant 0 : index
    %get3A_12 = arith.constant 0 : index
    %get3A_13 = arith.constant 0 : index
    %get3A_14 = vector.load %arg1[%get3A_11, %get3A_12, %get3A_13] : memref<1000x5x64xf32, #tpu.memory_space<vmem>>, vector<1000x1x64xf32>
    %get3A_15 = vector.shape_cast %get3A_14 : vector<1000x1x64xf32> to vector<1000x64xf32>
    %get3A_16 = arith.constant 0 : index
    %get3A_17 = arith.constant 0 : index
    %get3A_18 = arith.constant 0 : index
    %get3A_19 = vector.load %arg4[%get3A_16, %get3A_17, %get3A_18] : memref<5x64x64xf32, #tpu.memory_space<vmem>>, vector<1x64x64xf32>
    %get3A_20 = vector.shape_cast %get3A_19 : vector<1x64x64xf32> to vector<64x64xf32>
    %dot_general3A = arith.constant dense<0.000000e+00> : vector<1000x64xf32>
    %dot_general3A_21 = tpu.matmul %get3A_15, %get3A_20, %dot_general3A {dimension_numbers = #tpu.dot_dimension_numbers<[1], [0], [0], [1], [0, 0, 1, 1], [], []>, transpose_lhs_hint = false} : vector<1000x64xf32>, vector<64x64xf32>, vector<1000x64xf32> -> vector<1000x64xf32>
    %get3A_22 = arith.constant 0 : index
    %get3A_23 = arith.constant 0 : index
    %get3A_24 = arith.constant 0 : index
    %get3A_25 = vector.load %arg5[%get3A_22, %get3A_23, %get3A_24] : memref<5x16x64xf32, #tpu.memory_space<vmem>>, vector<1x16x64xf32>
    %get3A_26 = vector.shape_cast %get3A_25 : vector<1x16x64xf32> to vector<16x64xf32>
    %dot_general3A_27 = arith.constant dense<0.000000e+00> : vector<1000x64xf32>
    %dot_general3A_28 = tpu.matmul %select_n3A, %get3A_26, %dot_general3A_27 {dimension_numbers = #tpu.dot_dimension_numbers<[1], [0], [0], [1], [0, 0, 1, 1], [], []>, transpose_lhs_hint = false} : vector<1000x16xf32>, vector<16x64xf32>, vector<1000x64xf32> -> vector<1000x64xf32>
    %add3A = arith.addf %dot_general3A_21, %dot_general3A_28 : vector<1000x64xf32>
    %get3A_29 = arith.constant 0 : index
    %get3A_30 = arith.constant 0 : index
    %get3A_31 = vector.load %arg6[%get3A_29, %get3A_30] : memref<5x64xf32, #tpu.memory_space<vmem>>, vector<1x64xf32>
    %get3A_32 = vector.shape_cast %get3A_31 : vector<1x64xf32> to vector<64xf32>
    %broadcast_in_dim3A_33 = vector.shape_cast %get3A_32 : vector<64xf32> to vector<1x64xf32>
    %add3A_34 = vector.broadcast %broadcast_in_dim3A_33 : vector<1x64xf32> to vector<1000x64xf32>
    %add3A_35 = arith.addf %add3A, %add3A_34 : vector<1000x64xf32>
    %tanh3A = math.tanh %add3A_35 : vector<1000x64xf32>
    %get3A_36 = arith.constant 0 : index
    %get3A_37 = arith.constant 0 : index
    %get3A_38 = arith.constant 0 : index
    %get3A_39 = vector.load %arg7[%get3A_36, %get3A_37, %get3A_38] : memref<5x64x64xf32, #tpu.memory_space<vmem>>, vector<1x64x64xf32>
    %get3A_40 = vector.shape_cast %get3A_39 : vector<1x64x64xf32> to vector<64x64xf32>
    %dot_general3A_41 = arith.constant dense<0.000000e+00> : vector<1000x64xf32>
    %dot_general3A_42 = tpu.matmul %tanh3A, %get3A_40, %dot_general3A_41 {dimension_numbers = #tpu.dot_dimension_numbers<[1], [0], [0], [1], [0, 0, 1, 1], [], []>, transpose_lhs_hint = false} : vector<1000x64xf32>, vector<64x64xf32>, vector<1000x64xf32> -> vector<1000x64xf32>
    %get3A_43 = arith.constant 0 : index
    %get3A_44 = arith.constant 0 : index
    %get3A_45 = vector.load %arg8[%get3A_43, %get3A_44] : memref<5x64xf32, #tpu.memory_space<vmem>>, vector<1x64xf32>
    %get3A_46 = vector.shape_cast %get3A_45 : vector<1x64xf32> to vector<64xf32>
    %broadcast_in_dim3A_47 = vector.shape_cast %get3A_46 : vector<64xf32> to vector<1x64xf32>
    %add3A_48 = vector.broadcast %broadcast_in_dim3A_47 : vector<1x64xf32> to vector<1000x64xf32>
    %add3A_49 = arith.addf %dot_general3A_42, %add3A_48 : vector<1000x64xf32>
    %tanh3A_50 = math.tanh %add3A_49 : vector<1000x64xf32>
    %get3A_51 = arith.constant 0 : index
    %get3A_52 = arith.constant 1 : index
    %get3A_53 = arith.constant 0 : index
    %get3A_54 = vector.load %arg2[%get3A_51, %get3A_52, %get3A_53] : memref<1000x5x16xf32, #tpu.memory_space<vmem>>, vector<1000x1x16xf32>
    %get3A_55 = vector.shape_cast %get3A_54 : vector<1000x1x16xf32> to vector<1000x16xf32>
    %div3A_56 = vector.broadcast %max3A_4 : vector<1000x1xf32> to vector<1000x16xf32>
    %div3A_57 = arith.divf %get3A_55, %div3A_56 : vector<1000x16xf32>
    %jit3A_58 = arith.constant 0.000000e+00 : f32
    %broadcast_in_dim3A_59 = vector.broadcast %jit3A_58 : f32 to vector<1000x16xf32>
    %select_n3A_60 = arith.select %lt3A_0, %div3A_57, %broadcast_in_dim3A_59 : vector<1000x16xf32>
    %get3A_61 = arith.constant 0 : index
    %get3A_62 = arith.constant 1 : index
    %get3A_63 = arith.constant 0 : index
    %get3A_64 = vector.load %arg1[%get3A_61, %get3A_62, %get3A_63] : memref<1000x5x64xf32, #tpu.memory_space<vmem>>, vector<1000x1x64xf32>
    %get3A_65 = vector.shape_cast %get3A_64 : vector<1000x1x64xf32> to vector<1000x64xf32>
    %get3A_66 = arith.constant 1 : index
    %get3A_67 = arith.constant 0 : index
    %get3A_68 = arith.constant 0 : index
    %get3A_69 = vector.load %arg4[%get3A_66, %get3A_67, %get3A_68] : memref<5x64x64xf32, #tpu.memory_space<vmem>>, vector<1x64x64xf32>
    %get3A_70 = vector.shape_cast %get3A_69 : vector<1x64x64xf32> to vector<64x64xf32>
    %dot_general3A_71 = arith.constant dense<0.000000e+00> : vector<1000x64xf32>
    %dot_general3A_72 = tpu.matmul %get3A_65, %get3A_70, %dot_general3A_71 {dimension_numbers = #tpu.dot_dimension_numbers<[1], [0], [0], [1], [0, 0, 1, 1], [], []>, transpose_lhs_hint = false} : vector<1000x64xf32>, vector<64x64xf32>, vector<1000x64xf32> -> vector<1000x64xf32>
    %get3A_73 = arith.constant 1 : index
    %get3A_74 = arith.constant 0 : index
    %get3A_75 = arith.constant 0 : index
    %get3A_76 = vector.load %arg5[%get3A_73, %get3A_74, %get3A_75] : memref<5x16x64xf32, #tpu.memory_space<vmem>>, vector<1x16x64xf32>
    %get3A_77 = vector.shape_cast %get3A_76 : vector<1x16x64xf32> to vector<16x64xf32>
    %dot_general3A_78 = arith.constant dense<0.000000e+00> : vector<1000x64xf32>
    %dot_general3A_79 = tpu.matmul %select_n3A_60, %get3A_77, %dot_general3A_78 {dimension_numbers = #tpu.dot_dimension_numbers<[1], [0], [0], [1], [0, 0, 1, 1], [], []>, transpose_lhs_hint = false} : vector<1000x16xf32>, vector<16x64xf32>, vector<1000x64xf32> -> vector<1000x64xf32>
    %add3A_80 = arith.addf %dot_general3A_72, %dot_general3A_79 : vector<1000x64xf32>
    %get3A_81 = arith.constant 1 : index
    %get3A_82 = arith.constant 0 : index
    %get3A_83 = vector.load %arg6[%get3A_81, %get3A_82] : memref<5x64xf32, #tpu.memory_space<vmem>>, vector<1x64xf32>
    %get3A_84 = vector.shape_cast %get3A_83 : vector<1x64xf32> to vector<64xf32>
    %broadcast_in_dim3A_85 = vector.shape_cast %get3A_84 : vector<64xf32> to vector<1x64xf32>
    %add3A_86 = vector.broadcast %broadcast_in_dim3A_85 : vector<1x64xf32> to vector<1000x64xf32>
    %add3A_87 = arith.addf %add3A_80, %add3A_86 : vector<1000x64xf32>
    %tanh3A_88 = math.tanh %add3A_87 : vector<1000x64xf32>
    %get3A_89 = arith.constant 1 : index
    %get3A_90 = arith.constant 0 : index
    %get3A_91 = arith.constant 0 : index
    %get3A_92 = vector.load %arg7[%get3A_89, %get3A_90, %get3A_91] : memref<5x64x64xf32, #tpu.memory_space<vmem>>, vector<1x64x64xf32>
    %get3A_93 = vector.shape_cast %get3A_92 : vector<1x64x64xf32> to vector<64x64xf32>
    %dot_general3A_94 = arith.constant dense<0.000000e+00> : vector<1000x64xf32>
    %dot_general3A_95 = tpu.matmul %tanh3A_88, %get3A_93, %dot_general3A_94 {dimension_numbers = #tpu.dot_dimension_numbers<[1], [0], [0], [1], [0, 0, 1, 1], [], []>, transpose_lhs_hint = false} : vector<1000x64xf32>, vector<64x64xf32>, vector<1000x64xf32> -> vector<1000x64xf32>
    %get3A_96 = arith.constant 1 : index
    %get3A_97 = arith.constant 0 : index
    %get3A_98 = vector.load %arg8[%get3A_96, %get3A_97] : memref<5x64xf32, #tpu.memory_space<vmem>>, vector<1x64xf32>
    %get3A_99 = vector.shape_cast %get3A_98 : vector<1x64xf32> to vector<64xf32>
    %broadcast_in_dim3A_100 = vector.shape_cast %get3A_99 : vector<64xf32> to vector<1x64xf32>
    %add3A_101 = vector.broadcast %broadcast_in_dim3A_100 : vector<1x64xf32> to vector<1000x64xf32>
    %add3A_102 = arith.addf %dot_general3A_95, %add3A_101 : vector<1000x64xf32>
    %tanh3A_103 = math.tanh %add3A_102 : vector<1000x64xf32>
    %get3A_104 = arith.constant 0 : index
    %get3A_105 = arith.constant 2 : index
    %get3A_106 = arith.constant 0 : index
    %get3A_107 = vector.load %arg2[%get3A_104, %get3A_105, %get3A_106] : memref<1000x5x16xf32, #tpu.memory_space<vmem>>, vector<1000x1x16xf32>
    %get3A_108 = vector.shape_cast %get3A_107 : vector<1000x1x16xf32> to vector<1000x16xf32>
    %div3A_109 = vector.broadcast %max3A_4 : vector<1000x1xf32> to vector<1000x16xf32>
    %div3A_110 = arith.divf %get3A_108, %div3A_109 : vector<1000x16xf32>
    %jit3A_111 = arith.constant 0.000000e+00 : f32
    %broadcast_in_dim3A_112 = vector.broadcast %jit3A_111 : f32 to vector<1000x16xf32>
    %select_n3A_113 = arith.select %lt3A_0, %div3A_110, %broadcast_in_dim3A_112 : vector<1000x16xf32>
    %get3A_114 = arith.constant 0 : index
    %get3A_115 = arith.constant 2 : index
    %get3A_116 = arith.constant 0 : index
    %get3A_117 = vector.load %arg1[%get3A_114, %get3A_115, %get3A_116] : memref<1000x5x64xf32, #tpu.memory_space<vmem>>, vector<1000x1x64xf32>
    %get3A_118 = vector.shape_cast %get3A_117 : vector<1000x1x64xf32> to vector<1000x64xf32>
    %get3A_119 = arith.constant 2 : index
    %get3A_120 = arith.constant 0 : index
    %get3A_121 = arith.constant 0 : index
    %get3A_122 = vector.load %arg4[%get3A_119, %get3A_120, %get3A_121] : memref<5x64x64xf32, #tpu.memory_space<vmem>>, vector<1x64x64xf32>
    %get3A_123 = vector.shape_cast %get3A_122 : vector<1x64x64xf32> to vector<64x64xf32>
    %dot_general3A_124 = arith.constant dense<0.000000e+00> : vector<1000x64xf32>
    %dot_general3A_125 = tpu.matmul %get3A_118, %get3A_123, %dot_general3A_124 {dimension_numbers = #tpu.dot_dimension_numbers<[1], [0], [0], [1], [0, 0, 1, 1], [], []>, transpose_lhs_hint = false} : vector<1000x64xf32>, vector<64x64xf32>, vector<1000x64xf32> -> vector<1000x64xf32>
    %get3A_126 = arith.constant 2 : index
    %get3A_127 = arith.constant 0 : index
    %get3A_128 = arith.constant 0 : index
    %get3A_129 = vector.load %arg5[%get3A_126, %get3A_127, %get3A_128] : memref<5x16x64xf32, #tpu.memory_space<vmem>>, vector<1x16x64xf32>
    %get3A_130 = vector.shape_cast %get3A_129 : vector<1x16x64xf32> to vector<16x64xf32>
    %dot_general3A_131 = arith.constant dense<0.000000e+00> : vector<1000x64xf32>
    %dot_general3A_132 = tpu.matmul %select_n3A_113, %get3A_130, %dot_general3A_131 {dimension_numbers = #tpu.dot_dimension_numbers<[1], [0], [0], [1], [0, 0, 1, 1], [], []>, transpose_lhs_hint = false} : vector<1000x16xf32>, vector<16x64xf32>, vector<1000x64xf32> -> vector<1000x64xf32>
    %add3A_133 = arith.addf %dot_general3A_125, %dot_general3A_132 : vector<1000x64xf32>
    %get3A_134 = arith.constant 2 : index
    %get3A_135 = arith.constant 0 : index
    %get3A_136 = vector.load %arg6[%get3A_134, %get3A_135] : memref<5x64xf32, #tpu.memory_space<vmem>>, vector<1x64xf32>
    %get3A_137 = vector.shape_cast %get3A_136 : vector<1x64xf32> to vector<64xf32>
    %broadcast_in_dim3A_138 = vector.shape_cast %get3A_137 : vector<64xf32> to vector<1x64xf32>
    %add3A_139 = vector.broadcast %broadcast_in_dim3A_138 : vector<1x64xf32> to vector<1000x64xf32>
    %add3A_140 = arith.addf %add3A_133, %add3A_139 : vector<1000x64xf32>
    %tanh3A_141 = math.tanh %add3A_140 : vector<1000x64xf32>
    %get3A_142 = arith.constant 2 : index
    %get3A_143 = arith.constant 0 : index
    %get3A_144 = arith.constant 0 : index
    %get3A_145 = vector.load %arg7[%get3A_142, %get3A_143, %get3A_144] : memref<5x64x64xf32, #tpu.memory_space<vmem>>, vector<1x64x64xf32>
    %get3A_146 = vector.shape_cast %get3A_145 : vector<1x64x64xf32> to vector<64x64xf32>
    %dot_general3A_147 = arith.constant dense<0.000000e+00> : vector<1000x64xf32>
    %dot_general3A_148 = tpu.matmul %tanh3A_141, %get3A_146, %dot_general3A_147 {dimension_numbers = #tpu.dot_dimension_numbers<[1], [0], [0], [1], [0, 0, 1, 1], [], []>, transpose_lhs_hint = false} : vector<1000x64xf32>, vector<64x64xf32>, vector<1000x64xf32> -> vector<1000x64xf32>
    %get3A_149 = arith.constant 2 : index
    %get3A_150 = arith.constant 0 : index
    %get3A_151 = vector.load %arg8[%get3A_149, %get3A_150] : memref<5x64xf32, #tpu.memory_space<vmem>>, vector<1x64xf32>
    %get3A_152 = vector.shape_cast %get3A_151 : vector<1x64xf32> to vector<64xf32>
    %broadcast_in_dim3A_153 = vector.shape_cast %get3A_152 : vector<64xf32> to vector<1x64xf32>
    %add3A_154 = vector.broadcast %broadcast_in_dim3A_153 : vector<1x64xf32> to vector<1000x64xf32>
    %add3A_155 = arith.addf %dot_general3A_148, %add3A_154 : vector<1000x64xf32>
    %tanh3A_156 = math.tanh %add3A_155 : vector<1000x64xf32>
    %get3A_157 = arith.constant 0 : index
    %get3A_158 = arith.constant 3 : index
    %get3A_159 = arith.constant 0 : index
    %get3A_160 = vector.load %arg2[%get3A_157, %get3A_158, %get3A_159] : memref<1000x5x16xf32, #tpu.memory_space<vmem>>, vector<1000x1x16xf32>
    %get3A_161 = vector.shape_cast %get3A_160 : vector<1000x1x16xf32> to vector<1000x16xf32>
    %div3A_162 = vector.broadcast %max3A_4 : vector<1000x1xf32> to vector<1000x16xf32>
    %div3A_163 = arith.divf %get3A_161, %div3A_162 : vector<1000x16xf32>
    %jit3A_164 = arith.constant 0.000000e+00 : f32
    %broadcast_in_dim3A_165 = vector.broadcast %jit3A_164 : f32 to vector<1000x16xf32>
    %select_n3A_166 = arith.select %lt3A_0, %div3A_163, %broadcast_in_dim3A_165 : vector<1000x16xf32>
    %get3A_167 = arith.constant 0 : index
    %get3A_168 = arith.constant 3 : index
    %get3A_169 = arith.constant 0 : index
    %get3A_170 = vector.load %arg1[%get3A_167, %get3A_168, %get3A_169] : memref<1000x5x64xf32, #tpu.memory_space<vmem>>, vector<1000x1x64xf32>
    %get3A_171 = vector.shape_cast %get3A_170 : vector<1000x1x64xf32> to vector<1000x64xf32>
    %get3A_172 = arith.constant 3 : index
    %get3A_173 = arith.constant 0 : index
    %get3A_174 = arith.constant 0 : index
    %get3A_175 = vector.load %arg4[%get3A_172, %get3A_173, %get3A_174] : memref<5x64x64xf32, #tpu.memory_space<vmem>>, vector<1x64x64xf32>
    %get3A_176 = vector.shape_cast %get3A_175 : vector<1x64x64xf32> to vector<64x64xf32>
    %dot_general3A_177 = arith.constant dense<0.000000e+00> : vector<1000x64xf32>
    %dot_general3A_178 = tpu.matmul %get3A_171, %get3A_176, %dot_general3A_177 {dimension_numbers = #tpu.dot_dimension_numbers<[1], [0], [0], [1], [0, 0, 1, 1], [], []>, transpose_lhs_hint = false} : vector<1000x64xf32>, vector<64x64xf32>, vector<1000x64xf32> -> vector<1000x64xf32>
    %get3A_179 = arith.constant 3 : index
    %get3A_180 = arith.constant 0 : index
    %get3A_181 = arith.constant 0 : index
    %get3A_182 = vector.load %arg5[%get3A_179, %get3A_180, %get3A_181] : memref<5x16x64xf32, #tpu.memory_space<vmem>>, vector<1x16x64xf32>
    %get3A_183 = vector.shape_cast %get3A_182 : vector<1x16x64xf32> to vector<16x64xf32>
    %dot_general3A_184 = arith.constant dense<0.000000e+00> : vector<1000x64xf32>
    %dot_general3A_185 = tpu.matmul %select_n3A_166, %get3A_183, %dot_general3A_184 {dimension_numbers = #tpu.dot_dimension_numbers<[1], [0], [0], [1], [0, 0, 1, 1], [], []>, transpose_lhs_hint = false} : vector<1000x16xf32>, vector<16x64xf32>, vector<1000x64xf32> -> vector<1000x64xf32>
    %add3A_186 = arith.addf %dot_general3A_178, %dot_general3A_185 : vector<1000x64xf32>
    %get3A_187 = arith.constant 3 : index
    %get3A_188 = arith.constant 0 : index
    %get3A_189 = vector.load %arg6[%get3A_187, %get3A_188] : memref<5x64xf32, #tpu.memory_space<vmem>>, vector<1x64xf32>
    %get3A_190 = vector.shape_cast %get3A_189 : vector<1x64xf32> to vector<64xf32>
    %broadcast_in_dim3A_191 = vector.shape_cast %get3A_190 : vector<64xf32> to vector<1x64xf32>
    %add3A_192 = vector.broadcast %broadcast_in_dim3A_191 : vector<1x64xf32> to vector<1000x64xf32>
    %add3A_193 = arith.addf %add3A_186, %add3A_192 : vector<1000x64xf32>
    %tanh3A_194 = math.tanh %add3A_193 : vector<1000x64xf32>
    %get3A_195 = arith.constant 3 : index
    %get3A_196 = arith.constant 0 : index
    %get3A_197 = arith.constant 0 : index
    %get3A_198 = vector.load %arg7[%get3A_195, %get3A_196, %get3A_197] : memref<5x64x64xf32, #tpu.memory_space<vmem>>, vector<1x64x64xf32>
    %get3A_199 = vector.shape_cast %get3A_198 : vector<1x64x64xf32> to vector<64x64xf32>
    %dot_general3A_200 = arith.constant dense<0.000000e+00> : vector<1000x64xf32>
    %dot_general3A_201 = tpu.matmul %tanh3A_194, %get3A_199, %dot_general3A_200 {dimension_numbers = #tpu.dot_dimension_numbers<[1], [0], [0], [1], [0, 0, 1, 1], [], []>, transpose_lhs_hint = false} : vector<1000x64xf32>, vector<64x64xf32>, vector<1000x64xf32> -> vector<1000x64xf32>
    %get3A_202 = arith.constant 3 : index
    %get3A_203 = arith.constant 0 : index
    %get3A_204 = vector.load %arg8[%get3A_202, %get3A_203] : memref<5x64xf32, #tpu.memory_space<vmem>>, vector<1x64xf32>
    %get3A_205 = vector.shape_cast %get3A_204 : vector<1x64xf32> to vector<64xf32>
    %broadcast_in_dim3A_206 = vector.shape_cast %get3A_205 : vector<64xf32> to vector<1x64xf32>
    %add3A_207 = vector.broadcast %broadcast_in_dim3A_206 : vector<1x64xf32> to vector<1000x64xf32>
    %add3A_208 = arith.addf %dot_general3A_201, %add3A_207 : vector<1000x64xf32>
    %tanh3A_209 = math.tanh %add3A_208 : vector<1000x64xf32>
    %get3A_210 = arith.constant 0 : index
    %get3A_211 = arith.constant 4 : index
    %get3A_212 = arith.constant 0 : index
    %get3A_213 = vector.load %arg2[%get3A_210, %get3A_211, %get3A_212] : memref<1000x5x16xf32, #tpu.memory_space<vmem>>, vector<1000x1x16xf32>
    %get3A_214 = vector.shape_cast %get3A_213 : vector<1000x1x16xf32> to vector<1000x16xf32>
    %div3A_215 = vector.broadcast %max3A_4 : vector<1000x1xf32> to vector<1000x16xf32>
    %div3A_216 = arith.divf %get3A_214, %div3A_215 : vector<1000x16xf32>
    %jit3A_217 = arith.constant 0.000000e+00 : f32
    %broadcast_in_dim3A_218 = vector.broadcast %jit3A_217 : f32 to vector<1000x16xf32>
    %select_n3A_219 = arith.select %lt3A_0, %div3A_216, %broadcast_in_dim3A_218 : vector<1000x16xf32>
    %get3A_220 = arith.constant 0 : index
    %get3A_221 = arith.constant 4 : index
    %get3A_222 = arith.constant 0 : index
    %get3A_223 = vector.load %arg1[%get3A_220, %get3A_221, %get3A_222] : memref<1000x5x64xf32, #tpu.memory_space<vmem>>, vector<1000x1x64xf32>
    %get3A_224 = vector.shape_cast %get3A_223 : vector<1000x1x64xf32> to vector<1000x64xf32>
    %get3A_225 = arith.constant 4 : index
    %get3A_226 = arith.constant 0 : index
    %get3A_227 = arith.constant 0 : index
    %get3A_228 = vector.load %arg4[%get3A_225, %get3A_226, %get3A_227] : memref<5x64x64xf32, #tpu.memory_space<vmem>>, vector<1x64x64xf32>
    %get3A_229 = vector.shape_cast %get3A_228 : vector<1x64x64xf32> to vector<64x64xf32>
    %dot_general3A_230 = arith.constant dense<0.000000e+00> : vector<1000x64xf32>
    %dot_general3A_231 = tpu.matmul %get3A_224, %get3A_229, %dot_general3A_230 {dimension_numbers = #tpu.dot_dimension_numbers<[1], [0], [0], [1], [0, 0, 1, 1], [], []>, transpose_lhs_hint = false} : vector<1000x64xf32>, vector<64x64xf32>, vector<1000x64xf32> -> vector<1000x64xf32>
    %get3A_232 = arith.constant 4 : index
    %get3A_233 = arith.constant 0 : index
    %get3A_234 = arith.constant 0 : index
    %get3A_235 = vector.load %arg5[%get3A_232, %get3A_233, %get3A_234] : memref<5x16x64xf32, #tpu.memory_space<vmem>>, vector<1x16x64xf32>
    %get3A_236 = vector.shape_cast %get3A_235 : vector<1x16x64xf32> to vector<16x64xf32>
    %dot_general3A_237 = arith.constant dense<0.000000e+00> : vector<1000x64xf32>
    %dot_general3A_238 = tpu.matmul %select_n3A_219, %get3A_236, %dot_general3A_237 {dimension_numbers = #tpu.dot_dimension_numbers<[1], [0], [0], [1], [0, 0, 1, 1], [], []>, transpose_lhs_hint = false} : vector<1000x16xf32>, vector<16x64xf32>, vector<1000x64xf32> -> vector<1000x64xf32>
    %add3A_239 = arith.addf %dot_general3A_231, %dot_general3A_238 : vector<1000x64xf32>
    %get3A_240 = arith.constant 4 : index
    %get3A_241 = arith.constant 0 : index
    %get3A_242 = vector.load %arg6[%get3A_240, %get3A_241] : memref<5x64xf32, #tpu.memory_space<vmem>>, vector<1x64xf32>
    %get3A_243 = vector.shape_cast %get3A_242 : vector<1x64xf32> to vector<64xf32>
    %broadcast_in_dim3A_244 = vector.shape_cast %get3A_243 : vector<64xf32> to vector<1x64xf32>
    %add3A_245 = vector.broadcast %broadcast_in_dim3A_244 : vector<1x64xf32> to vector<1000x64xf32>
    %add3A_246 = arith.addf %add3A_239, %add3A_245 : vector<1000x64xf32>
    %tanh3A_247 = math.tanh %add3A_246 : vector<1000x64xf32>
    %get3A_248 = arith.constant 4 : index
    %get3A_249 = arith.constant 0 : index
    %get3A_250 = arith.constant 0 : index
    %get3A_251 = vector.load %arg7[%get3A_248, %get3A_249, %get3A_250] : memref<5x64x64xf32, #tpu.memory_space<vmem>>, vector<1x64x64xf32>
    %get3A_252 = vector.shape_cast %get3A_251 : vector<1x64x64xf32> to vector<64x64xf32>
    %dot_general3A_253 = arith.constant dense<0.000000e+00> : vector<1000x64xf32>
    %dot_general3A_254 = tpu.matmul %tanh3A_247, %get3A_252, %dot_general3A_253 {dimension_numbers = #tpu.dot_dimension_numbers<[1], [0], [0], [1], [0, 0, 1, 1], [], []>, transpose_lhs_hint = false} : vector<1000x64xf32>, vector<64x64xf32>, vector<1000x64xf32> -> vector<1000x64xf32>
    %get3A_255 = arith.constant 4 : index
    %get3A_256 = arith.constant 0 : index
    %get3A_257 = vector.load %arg8[%get3A_255, %get3A_256] : memref<5x64xf32, #tpu.memory_space<vmem>>, vector<1x64xf32>
    %get3A_258 = vector.shape_cast %get3A_257 : vector<1x64xf32> to vector<64xf32>
    %broadcast_in_dim3A_259 = vector.shape_cast %get3A_258 : vector<64xf32> to vector<1x64xf32>
    %add3A_260 = vector.broadcast %broadcast_in_dim3A_259 : vector<1x64xf32> to vector<1000x64xf32>
    %add3A_261 = arith.addf %dot_general3A_254, %add3A_260 : vector<1000x64xf32>
    %tanh3A_262 = math.tanh %add3A_261 : vector<1000x64xf32>
    %stack3A = vector.shape_cast %tanh3A_50 : vector<1000x64xf32> to vector<1000x1x64xf32>
    %stack3A_263 = vector.shape_cast %tanh3A_103 : vector<1000x64xf32> to vector<1000x1x64xf32>
    %stack3A_264 = vector.shape_cast %tanh3A_156 : vector<1000x64xf32> to vector<1000x1x64xf32>
    %stack3A_265 = vector.shape_cast %tanh3A_209 : vector<1000x64xf32> to vector<1000x1x64xf32>
    %stack3A_266 = vector.shape_cast %tanh3A_262 : vector<1000x64xf32> to vector<1000x1x64xf32>
    %stack3A_267 = tpu.concatenate %stack3A, %stack3A_263, %stack3A_264, %stack3A_265, %stack3A_266 in 1 : vector<1000x1x64xf32>, vector<1000x1x64xf32>, vector<1000x1x64xf32>, vector<1000x1x64xf32>, vector<1000x1x64xf32> -> vector<1000x5x64xf32>
    %swap3A = arith.constant 0 : index
    %swap3A_268 = arith.constant 0 : index
    %swap3A_269 = arith.constant 0 : index
    %swap3A_270 = vector.load %arg9[%swap3A, %swap3A_268, %swap3A_269] : memref<1000x5x64xf32, #tpu.memory_space<vmem>>, vector<1000x5x64xf32>
    tpu.vector_store %arg9[%swap3A, %swap3A_268, %swap3A_269], %stack3A_267 {strides = array<i32>} : memref<1000x5x64xf32, #tpu.memory_space<vmem>>, vector<1000x5x64xf32>,
    return
  }
  func.func @transform_0(%arg0: i32) -> (i32, i32, i32) {
    %c0_i32 = arith.constant 0 : i32
    %c0_i32_0 = arith.constant 0 : i32
    %c0_i32_1 = arith.constant 0 : i32
    return %arg0, %c0_i32, %c0_i32_0 : i32, i32, i32
  }
  func.func @transform_1(%arg0: i32) -> (i32, i32, i32) {
    %min3A = arith.constant 24 : i32
    %min3A_0 = arith.minsi %arg0, %min3A : i32
    %c0_i32 = arith.constant 0 : i32
    %c0_i32_1 = arith.constant 0 : i32
    %c0_i32_2 = arith.constant 0 : i32
    return %min3A_0, %c0_i32, %c0_i32_1 : i32, i32, i32
  }
  func.func @transform_2(%arg0: i32) -> (i32, i32) {
    %min3A = arith.constant 24 : i32
    %min3A_0 = arith.minsi %arg0, %min3A : i32
    %c0_i32 = arith.constant 0 : i32
    %c0_i32_1 = arith.constant 0 : i32
    return %min3A_0, %c0_i32 : i32, i32
  }
  func.func @transform_3(%arg0: i32) -> (i32, i32, i32) {
    %c0_i32 = arith.constant 0 : i32
    %c0_i32_0 = arith.constant 0 : i32
    %c0_i32_1 = arith.constant 0 : i32
    %c0_i32_2 = arith.constant 0 : i32
    return %c0_i32, %c0_i32_0, %c0_i32_1 : i32, i32, i32
  }
  func.func @transform_4(%arg0: i32) -> (i32, i32, i32) {
    %c0_i32 = arith.constant 0 : i32
    %c0_i32_0 = arith.constant 0 : i32
    %c0_i32_1 = arith.constant 0 : i32
    %c0_i32_2 = arith.constant 0 : i32
    return %c0_i32, %c0_i32_0, %c0_i32_1 : i32, i32, i32
  }
  func.func @transform_5(%arg0: i32) -> (i32, i32) {
    %c0_i32 = arith.constant 0 : i32
    %c0_i32_0 = arith.constant 0 : i32
    %c0_i32_1 = arith.constant 0 : i32
    return %c0_i32, %c0_i32_0 : i32, i32
  }
  func.func @transform_6(%arg0: i32) -> (i32, i32, i32) {
    %c0_i32 = arith.constant 0 : i32
    %c0_i32_0 = arith.constant 0 : i32
    %c0_i32_1 = arith.constant 0 : i32
    %c0_i32_2 = arith.constant 0 : i32
    return %c0_i32, %c0_i32_0, %c0_i32_1 : i32, i32, i32
  }
  func.func @transform_7(%arg0: i32) -> (i32, i32) {
    %c0_i32 = arith.constant 0 : i32
    %c0_i32_0 = arith.constant 0 : i32
    %c0_i32_1 = arith.constant 0 : i32
    return %c0_i32, %c0_i32_0 : i32, i32
  }
  func.func @transform_8(%arg0: i32) -> (i32, i32, i32) {
    %c0_i32 = arith.constant 0 : i32
    %c0_i32_0 = arith.constant 0 : i32
    %c0_i32_1 = arith.constant 0 : i32
    return %arg0, %c0_i32, %c0_i32_0 : i32, i32, i32
  }
}

</mosaic_0001>

<sc_bundles>
// kernel: gather_offload_async_start.1
scs
__scs_entry_jumppad:
0x0: {  	(pc) =	sbr.rel $0x88, $3  }
0x1: {  	(tag) =	ssettag $0x0;
	lr =	simm.s32 $0x1  }
0x2: {  	[smem:$0x3F8F] =	sst lr;
	_ =	strace $0xD0000000  }
0x3: {  	_ = 	snop  }
0x4: {  	_ = 	snop  }
0x5: {  	_ = 	snop  }
0x6: {  	_ = 	snop  }
0x7: {  	_ = 	snop  }
__scs_overlays_trampoline_lowered:
0x8: {  	[smem:$0x3F9E] =	sst s0  }
0x9: {  	[smem:$0x3F9F] =	sst s1  }
0xa: {  	[smem:$0x3FA0] =	sst s2  }
0xb: {  	[smem:$0x3FA1] =	sst s3  }
0xc: {  	[smem:$0x3FA2] =	sst s4  }
0xd: {  	[smem:$0x3FA3] =	sst s5  }
0xe: {  	[smem:$0x3FA4] =	sst s6  }
0xf: {  	[smem:$0x3FA5] =	sst s7  }
0x10: {  	[smem:$0x3FA6] =	sst s8  }
0x11: {  	[smem:$0x3FA7] =	sst s9;
	s0 =	simm.s32 @!p0 $0x0  }
0x12: {  	s1 =	sld [smem:$0x3F8D];
	s0 =	simm.s32 @p0 $0x1  }
0x13: {  	[smem:$0x3FA8] =	sst s0;
	s0 =	simm.s32 @!p1 $0x0  }
0x14: {  	s2 =	sld [smem:$0x3F8C];
	s0 =	simm.s32 @p1 $0x1  }
0x15: {  	[smem:$0x3FA9] =	sst s0;
	s0 =	simm.s32 @!p2 $0x0  }
0x16: {  	s3 =	sld [smem:$0x3FDB];
	s0 =	simm.s32 @p2 $0x1  }
0x17: {  	s4 =	simm.s32 $0x1BF5;
	[smem:$0x3FAB] =	sst s0  }
0x18: {  	s0 =	sld [smem:$0x3F8E];
	_ =	swait.ge [sflag:s4], $0x0  }
0x19: {  	s7 =	sld [smem:$0x3F8F]  }
0x1a: {  	s8 =	sadd.s32 $0xFFFFE003, lr  }
0x1b: {  	s9 =	sadd.s32 $0xFFFFFEF7, lr;
	s5 =	simm.s32 $0xFFFFFFFF;
	p2 =	slt.u32 s8, $0xFFFFF086  }
0x1c: {  	p1 =	slt.u32 s9, $0xF7A;
	s5 =	simm.s32 @!p2 $0x0  }
0x1d: {  	s5 =	simm.s32 @p1 $0x1;
	p0 =	seq.s32 s7, s2  }
0x1e: {  	s7 =	smul.u32 @!p0 $0xF7A, s2;
	p2 =	seq.s32 @!p0 s5, $0x0  }
0x1f: {  	s9 =	smul.u32 $0xF7A, s1;
	s8 =	simm.s32 @!p0 $0x1BF5;
	p2 =	por !p2, p0  }
0x20: {  	[sflag:s8] =	ssyncset.s32 @!p0 $0xFFFFF086;
	s6 =	sadd.s32 @!p0 s3, s7;
	s7 =	simm.s32 @!p0 $0x108  }
0x21: {  	s3 =	sadd.s32 s3, s9;
	s6 =	sadd.s32 @!p0 $0x88, s6;
	s7 =	simm.s32 @p2 $0x1082  }
0x22: {  	[simem:s7], [sflag:s8] =	dma.local @!p0 [hbm:s6], $0xF7A  }
0x23: {  	s9 =	sor.u32 $0xD0000000, s2;
	s6 =	simm.s32 $0x108;
	_ =	swait.ge @!p0 [sflag:s8], $0x0  }
0x24: {  	s3 =	sadd.s32 $0x88, s3;
	s6 =	simm.s32 @!p1 $0x1082;
	[sflag:s4] =	ssyncset.s32 $0xFFFFF086  }
0x25: {  	[simem:s6], [sflag:s4] =	dma.local [hbm:s3], $0xF7A  }
0x26: {  	[smem:$0x3F8F] =	sst s1;
	(tag) =	ssettag s2;
	_ =	strace s9  }
0x27: {  	s1 =	sld [smem:$0x3F9F]  }
0x28: {  	s2 =	sld [smem:$0x3FA0]  }
0x29: {  	s4 =	sld [smem:$0x3FA2]  }
0x2a: {  	p0 =	seq.s32 s5, $0x0;
	s5 =	sld [smem:$0x3FA3]  }
0x2b: {  	s6 =	sld [smem:$0x3FA4]  }
0x2c: {  	s7 =	sld [smem:$0x3FA5]  }
0x2d: {  	s3 =	simm.s32 $0x108;
	s8 =	sld [smem:$0x3FA6]  }
0x2e: {  	s3 =	simm.s32 @!p0 $0x1082;
	s9 =	sld [smem:$0x3FA7]  }
0x2f: {  	lr =	sadd.s32 s0, s3;
	s0 =	sld [smem:$0x3F9E]  }
0x30: {  	s3 =	sld [smem:$0x3FA1]  }
0x31: {  	[smem:$0x3FAA] =	sst s10  }
0x32: {  	s10 =	sld [smem:$0x3FA8];
	_ =	sdelay $0x3  }
0x33: {  	p0 =	seq.s32 s10, $0x1;
	s10 =	sld [smem:$0x3FAA];
	_ =	sdelay $0x3  }
0x34: {  	[smem:$0x3FAA] =	sst s10  }
0x35: {  	s10 =	sld [smem:$0x3FA9];
	_ =	sdelay $0x3  }
0x36: {  	p1 =	seq.s32 s10, $0x1;
	s10 =	sld [smem:$0x3FAA];
	_ =	sdelay $0x3  }
0x37: {  	[smem:$0x3FAA] =	sst s10  }
0x38: {  	s10 =	sld [smem:$0x3FAB]  }
0x39: {  	_ = 	snop;
	(pc) =	sbr.ind lr, $3  }
0x3a: {  	_ = 	snop  }
0x3b: {  	_ = 	snop  }
0x3c: {  	p2 =	seq.s32 s10, $0x1;
	s10 =	sld [smem:$0x3FAA]  }
0x3d: {  	_ =	shalt  }
0x3e: {  	_ =	shalt  }
0x3f: {  	_ =	shalt  }
0x40: {  	_ =	shalt  }
0x41: {  	_ =	shalt  }
0x42: {  	_ =	shalt  }
0x43: {  	_ =	shalt  }
0x44: {  	_ =	shalt  }
0x45: {  	_ =	shalt  }
0x46: {  	_ =	shalt  }
0x47: {  	_ =	shalt  }
0x48: {  	_ =	shalt  }
0x49: {  	_ =	shalt  }
0x4a: {  	_ =	shalt  }
0x4b: {  	_ =	shalt  }
0x4c: {  	_ =	shalt  }
0x4d: {  	_ =	shalt  }
0x4e: {  	_ =	shalt  }
0x4f: {  	_ =	shalt  }
0x50: {  	_ =	shalt  }
0x51: {  	_ =	shalt  }
0x52: {  	_ =	shalt  }
0x53: {  	_ =	shalt  }
0x54: {  	_ =	shalt  }
0x55: {  	_ =	shalt  }
0x56: {  	_ =	shalt  }
0x57: {  	_ =	shalt  }
0x58: {  	_ =	shalt  }
0x59: {  	_ =	shalt  }
0x5a: {  	_ =	shalt  }
0x5b: {  	_ =	shalt  }
0x5c: {  	_ =	shalt  }
0x5d: {  	_ =	shalt  }
0x5e: {  	_ =	shalt  }
0x5f: {  	_ =	shalt  }
0x60: {  	_ =	shalt  }
0x61: {  	_ =	shalt  }
0x62: {  	_ =	shalt  }
0x63: {  	_ =	shalt  }
0x64: {  	_ =	shalt  }
0x65: {  	_ =	shalt  }
0x66: {  	_ =	shalt  }
0x67: {  	_ =	shalt  }
0x68: {  	_ =	shalt  }
0x69: {  	_ =	shalt  }
0x6a: {  	_ =	shalt  }
0x6b: {  	_ =	shalt  }
0x6c: {  	_ =	shalt  }
0x6d: {  	_ =	shalt  }
0x6e: {  	_ =	shalt  }
0x6f: {  	_ =	shalt  }
0x70: {  	_ =	shalt  }
0x71: {  	_ =	shalt  }
0x72: {  	_ =	shalt  }
0x73: {  	_ =	shalt  }
0x74: {  	_ =	shalt  }
0x75: {  	_ =	shalt  }
0x76: {  	_ =	shalt  }
0x77: {  	_ =	shalt  }
0x78: {  	_ =	shalt  }
0x79: {  	_ =	shalt  }
0x7a: {  	_ =	shalt  }
0x7b: {  	_ =	shalt  }
0x7c: {  	_ =	shalt  }
0x7d: {  	_ =	shalt  }
0x7e: {  	_ =	shalt  }
0x7f: {  	_ =	shalt  }
0x80: {  	_ =	shalt  }
0x81: {  	_ =	shalt  }
0x82: {  	_ =	shalt  }
0x83: {  	_ =	shalt  }
0x84: {  	_ =	shalt  }
0x85: {  	_ =	shalt  }
0x86: {  	_ =	shalt  }
0x87: {  	_ =	shalt  }
.Lfunc_end0:
.L_simem_size_0:
called_computation.4_lowered:
.L_overlay_start_0:
0x88: {  	s2 =	sld [smem:$0x3FD9]  }
0x89: {  	s3 =	sld [smem:$0x3FFE];
	_ =	sdelay $0x1  }
0x8a: {  	s1 =	srdreg.scid  }
0x8b: {  	s0 =	sand.u32 $0x1, s1  }
0x8c: {  	s16 =	sshll.u32 s0, $0xA;
	s2 =	sadd.s32 s3, s2  }
0x8d: {  	s2 =	sadd.s32 s2, s16  }
0x8e: {  	[smem:$0x3FB6] =	sst s2  }
0x8f: {  	_ = 	snop  }
0x90: {  	(tm) =	ssettm $0x1  }
0x91: {  	s17 =	sld [smem:$0x3FFB];
	_ =	sdelay $0x3  }
0x92: {  	_ =	strace s17  }
0x93: {  	s2 =	sld [smem:$0x3FFC];
	_ =	sdelay $0x3  }
0x94: {  	_ =	strace s2  }
0x95: {  	s2 =	sld [smem:$0x3FFD];
	_ =	sdelay $0x3  }
0x96: {  	_ =	strace s2  }
0x97: {  	_ =	strace $0x8FFFFFFF  }
0x98: {  	s18 =	sld [smem:$0x3FDB];
	_ =	sdelay $0x1  }
0x99: {  	s19 =	simm.s32 $_scs_section_size  }
0x9a: {  	s4 =	simm.s32 $_size__tile_overlayer_lowered;
	s5 =	simm.s32 $_tile_overlayer_lowered  }
0x9b: {  	s22 =	simm.s32 $0x1BFF;
	s21 =	sshll.u32 s5, $0x1;
	s2 =	sadd.s32 s19, s18  }
0x9c: {  	s6 =	simm.s32 $0x0;
	s20 =	sshll.u32 s4, $0x1;
	s4 =	sadd.s32 s21, s2  }
0x9d: {  	[timem:s6], [sflag:s22] =	dma.local [hbm:s4], s20  }
0x9e: {  	_ =	swait.ge [sflag:s22], s20  }
0x9f: {  	s3 =	ssub.s32 $0x0, s20;
	[sflag:s22] =	ssyncset.done $0x0  }
0xa0: {  	[sflag:s22] =	ssyncadd.s32 s3;
	_ =	sdelay $0x1  }
0xa1: {  	s23 =	simm.s32 $0x1B8B  }
0xa2: {  	_ =	swait.ge [sflag:s23], $0x1  }
0xa3: {  	[sflag:s23] =	ssyncset.done $0x0  }
0xa4: {  	s25 =	simm.s32 $0x1B8E;
	s24 =	sld [smem:$0x3FFE];
	[sflag:s23] =	ssyncadd.s32 $0xFFFFFFFF  }
0xa5: {  	s26 =	simm.s32 $execute0_lowered;
	[smem:$0x3FD2] =	sst s25  }
0xa6: {  	s4 =	sshll.u32 s26, $0x1;
	_ =	strace $0x80000046;
	[dreg:$0x1] =	wrdreg $0xFFFFFFFF  }
0xa7: {  	s28 =	simm.s32 $_size_execute0_lowered;
	s2 =	sadd.s32 s2, s4;
	[dreg:$0x0] =	wrdreg $0x0  }
0xa8: {  	s4 =	sshll.u32 s28, $0x1;
	[dreg:$0x2] =	wrdreg s2  }
0xa9: {  	[dreg:$0x3] =	wrdreg s4  }
0xaa: {  	[dreg:$0x4] =	wrdreg $0xC0  }
0xab: {  	_ =	task [dreg:s6], $0x5FFFF  }
0xac: {  	[dreg:$0x1] =	wrdreg $0xFFFFFFFF  }
0xad: {  	[dreg:$0x0] =	wrdreg $0x60  }
0xae: {  	[dreg:$0x2] =	wrdreg s24  }
0xaf: {  	[dreg:$0x3] =	wrdreg $0x9  }
0xb0: {  	_ =	task.clear_ibuf [dreg:s6], $0x4FFFF;
	_ =	strace $0x90000046  }
0xb1: {  	s29 =	simm.s32 $0x9;
	_ =	strace $0x80000048  }
0xb2: {  	_ =	swait.ge [sflag:s29], $0x1  }
0xb3: {  	[sflag:s29] =	ssyncadd.s32 $0xFFFFFFFF  }
0xb4: {  	_ =	strace $0x90000048  }
0xb5: {  	_ =	sfence  }
0xb6: {  	s30 =	sld [smem:$0x0];
	_ =	sdelay $0x2  }
0xb7: {  	s31 =	sshll.u32 s1, $0xD;
	s1 =	sshrl.u32 s1, $0x2  }
0xb8: {  	s3 =	sand.u32 $0x4000, s31;
	s1 =	sadd.s32 s1, s30  }
0xb9: {  	s0 =	sor.u32 s3, s0;
	s1 =	sshll.u32 s1, $0x11  }
0xba: {  	s0 =	sor.u32 s1, s0  }
0xbb: {  	s0 =	sadd.s32 $0x8F2B, s0  }
0xbc: {  	[sflag:s0] =	ssyncadd.remote.s32 $0x1  }
0xbd: {  	_ =	sfence.sel $0xFFFF  }
0xbe: {  	[dreg:$0x0] =	wrdreg $0xFFFFFFFF;
	(pc) =	sbr.abs _section_cstart, $3  }
0xbf: {  	[dreg:$0x1] =	wrdreg $0xFFFFFFFF  }
0xc0: {  	_ =	task.clear_ibuf [dreg:s6], $0x2FFFF;
	_ =	strace $0x9FFFFFFF  }
0xc1: {  	(tm) =	ssettm $0x7FFFFFFF  }
tec
execute0_lowered:
.L_overlay_start_1:
0x0: {  	(tag) =	ssettag $0x1  }
0x1: {  	s7 =	rddreg [dreg:$0x0]  }
0x2: {  	s1 =	srdreg.scid;
	s0 =	rddreg [dreg:$0x1]  }
0x3: {  	_ =	strace $0x80000047;
	s3 =	simm.s32 $0x1;
	s5 =	simm.s32 $0x2  }
0x4: {  	s9 =	simm.s32 $0x3;
	s11 =	simm.s32 $0x0;
	s2 =	sshll.u32 s1, $0x4  }
.Ltmp0:
0x5: {  	s1 =	stileid.u32;
	s4 =	sand.u32 $0x10, s2;
	(pc) =	sbr.rel .LBB2_1-.Ltmp0, $4  }
0x6: {  	p0 =	por $0x0, $0x0;
	[sflag:s3] =	ssyncpa.u1 $0x0;
	s4 =	sor.u32 s1, s4  }
0x7: {  	s6 =	sadd.s32 $0x1C400, s7;
	[sflag:s5] =	ssyncpa.u1 $0x0;
	s4 =	smul.u32 $0xC80, s4  }
0x8: {  	s2 =	sadd.s32 $0x978E00, s7;
	s7 =	sadd.s32 $0x18BF200, s7;
	[sflag:s9] =	ssyncpa.u1 $0x0  }
0x9: {  	vm0 =	vmmov $0xffff;
	s9 =	simm.s32 $0x0;
	s8 =	sadd.s32 $0xC80, s4;
	s10 =	smov.u32 s4  }
.LBB2_4:
0xa: {  	[hbm:s15] =	stream.linear.scatter [tilespmem:s11], [sflag:$0x3], $0x400, $0x38;
	[tilespmem:$0x10040] =	vst v63  }
.LBB2_5:
0xb: {  	p1 =	slt.u32 s9, $0x2;
	s11 =	sadd.s32 $0x20, s10  }
0xc: {  	s13 =	smov.u32 s4;
	s9 =	sadd.s32 $0x1, s9;
	p2 =	slt.s32 s11, s8  }
0xd: {  	s13 =	smov.u32 @p2 s11;
	p2 =	sne.s32 s9, $0x66  }
.Ltmp1:
0xe: {  	_ = 	snop;
	(pc) =	sbr.rel @!p2 .LBB2_6-.Ltmp1, $4  }
0xf: {  	s12 =	simm.s32 @!p1 $0x3  }
0x10: {  	_ =	swait.ge @!p1 [sflag:s12], $0x8000  }
0x11: {  	p0 =	por !p0, !p0;
	[sflag:s12] =	ssyncset.done @!p1 $0x0  }
0x12: {  	s11 =	smov.u32 s10;
	s10 =	smov.u32 s13;
	[sflag:s12] =	ssyncadd.s32 @!p1 $0xFFFF8000  }
.LBB2_1:
0x13: {  	p1 =	sgt.u32 s9, $0x63  }
0x14: {  	s12 =	sxor.u32 @!p1 $0xFFFFFFFF, s9  }
0x15: {  	s31 =	sadd.s32 $0xFFFFFFFF, s9;
	s13 =	sshrl.u32 @!p1 s10, $0x3;
	s12 =	sshll.u32 @!p1 s12, $0x5  }
0x16: {  	s14 =	sand.u32 @!p1 $0x7, s10;
	s13 =	sadd.s32 @!p1 s6, s13;
	s12 =	sand.u32 @!p1 $0x20, s12  }
0x17: {  	[tilespmem:s12], [sflag:$0x2] =	stream.linear.gather @!p1 [hbm4b:s13+s14], $0x20, $0x38;
	[tilespmem:$0x10040] =	vst v63  }
0x18: {  	p1 =	sgt.u32 s31, $0x63  }
.Ltmp2:
0x19: {  	_ = 	snop;
	(pc) =	sbr.rel @p1 .LBB2_5-.Ltmp2, $1  }
0x1a: {  	_ =	sdelay $0x3  }
0x1b: {  	_ =	swait.ge [sflag:s5], $0x20  }
0x1c: {  	s12 =	sand.u32 $0x1, s9;
	[sflag:s5] =	ssyncset.done $0x0  }
0x1d: {  	s13 =	sshll.u32 s12, $0x5;
	[sflag:s5] =	ssyncadd.s32 $0xFFFFFFE0  }
0x1e: {  	v0 =	vld.msk [tilespmem:s13+$0x0 ss:$0x1], $0xffff;
	_ =	sdelay $0x4  }
0x1f: {  	vm1 =	vgt.s32 v0, $0x0  }
0x20: {  	v0 =	vnsel vm1, $0x0, v0  }
0x21: {  	v0 =	vmin.u32 v0, $0xC34F  }
0x22: {  	v0 =	vshll.u32 v0, $0x7;
	_ =	sdelay $0x2  }
0x23: {  	s12 =	sshll.u32 s12, $0xF  }
0x24: {  	s14 =	sor.u32 $0x40, s12;
	s13 =	sor.u32 $0x10, s13  }
0x25: {  	[tilespmem:s14], [sflag:$0x1] =	stream.indirect_vreg.gather [hbm:s2], $0x400, v0, vm0, $0x38;
	[tilespmem:$0x10040] =	vst v63  }
0x26: {  	v0 =	vld.msk [tilespmem:s13+$0x0 ss:$0x1], $0xffff;
	_ =	sdelay $0x4  }
0x27: {  	vm1 =	vgt.s32 v0, $0x0  }
0x28: {  	v0 =	vnsel vm1, $0x0, v0  }
0x29: {  	v0 =	vmin.u32 v0, $0xC34F  }
0x2a: {  	v0 =	vshll.u32 v0, $0x7;
	_ =	sdelay $0x2  }
0x2b: {  	s13 =	simm.s32 $0x1  }
0x2c: {  	s31 =	sshll.u32 s11, $0x7;
	s12 =	sor.u32 $0x4040, s12;
	s13 =	simm.s32 @!p0 $0x0  }
0x2d: {  	[tilespmem:s12], [sflag:$0x1] =	stream.indirect_vreg.gather [hbm:s2], $0x400, v0, vm0, $0x38;
	[tilespmem:$0x10040] =	vst v63  }
0x2e: {  	s30 =	sshll.u32 s13, $0xF;
	s13 =	simm.s32 $0x80;
	_ =	swait.ge [sflag:s3], $0x8000  }
0x2f: {  	s11 =	sor.u32 $0x40, s30;
	s12 =	sadd.s32 s31, s7;
	[sflag:s3] =	ssyncset.done $0x0  }
0x30: {  	s14 =	sadd.s32 $0x400, s11;
	s15 =	sadd.s32 $0x0, s12;
	[sflag:s3] =	ssyncadd.s32 $0xFFFF8000  }
.LBB2_3:
0x31: {  	[hbm:s15] =	stream.linear.scatter [tilespmem:s11], [sflag:$0x3], $0x400, $0x38;
	[tilespmem:$0x10040] =	vst v63  }
0x32: {  	s15 =	smov.u32 s13;
	s11 =	smov.u32 s14;
	p1 =	sne.s32 s13, $0xF80  }
.Ltmp3:
0x33: {  	s13 =	sadd.s32 $0x80, s13;
	(pc) =	sbr.rel @p1 .LBB2_3-.Ltmp3, $2  }
0x34: {  	_ =	sdelay $0x2  }
0x35: {  	s14 =	sadd.s32 $0x400, s14;
	s15 =	sadd.s32 s15, s12  }
.Ltmp4:
0x36: {  	_ = 	snop;
	(pc) =	sbr.rel .LBB2_4-.Ltmp4, $1  }
0x37: {  	_ =	sdelay $0x3  }
.LBB2_6:
0x38: {  	_ =	sfence.sel $0x180000  }
0x39: {  	s2 =	simm.s32 $0x2;
	[bflag:$0x0] =	sbarrier.arrive $0xFFFF  }
0x3a: {  	s30 =	simm.s32 $0x3;
	[sflag:s2] =	ssyncpa.u1 $0x1  }
0x3b: {  	s31 =	simm.s32 $0x1;
	[sflag:s30] =	ssyncpa.u1 $0x1  }
0x3c: {  	[sflag:s31] =	ssyncpa.u1 $0x1  }
0x3d: {  	p0 =	sne.s32 s1, $0x0;
	_ =	strace $0x90000047  }
0x3e: {  	s0 =	sadd.s32 @!p0 $0x100000, s0;
	[bflag:$0x2] =	sbarrier.arrive $0xFFFF  }
0x3f: {  	[sflag:s0] =	ssyncadd.tile.s32 @!p0 $0x1;
	_ =	shalt  }
.Lfunc_end2:
_tile_overlayer_lowered:
.L_overlay_start_2:
0x40: {  	(tag) =	ssettag $0x2  }
0x41: {  	s0 =	rddreg [dreg:$0x0];
	s2 =	stileid.u32  }
0x42: {  	s1 =	rddreg [dreg:$0x1];
	p0 =	sne.s32 s2, $0x0  }
0x43: {  	s3 =	rddreg [dreg:$0x2];
	[bflag:$0x3] =	sbarrier.arrive $0xFFFF;
	s2 =	simm.s32 @!p0 $0x1C01  }
0x44: {  	[timem:s3], [sflag:s2] =	dma.local @!p0 [hbm:s0], s1  }
0x45: {  	s0 =	simm.s32 @!p0 $0x1  }
0x46: {  	_ =	swait.ge @!p0 [sflag:s0], s1  }
0x47: {  	s1 =	ssub.s32 @!p0 $0x0, s1;
	[sflag:s0] =	ssyncset.done @!p0 $0x0  }
0x48: {  	[sflag:s0] =	ssyncadd.s32 @!p0 s1  }
0x49: {  	[bflag:$0x3] =	sbarrier.arrive $0xFFFF  }
0x4a: {  	_ =	shalt  }

// kernel: gather_offload_async_start.2
scs
__scs_entry_jumppad:
0x0: {  	(pc) =	sbr.rel $0x88, $3  }
0x1: {  	(tag) =	ssettag $0x0;
	lr =	simm.s32 $0x1  }
0x2: {  	[smem:$0x3F8F] =	sst lr;
	_ =	strace $0xD0000000  }
0x3: {  	_ = 	snop  }
0x4: {  	_ = 	snop  }
0x5: {  	_ = 	snop  }
0x6: {  	_ = 	snop  }
0x7: {  	_ = 	snop  }
__scs_overlays_trampoline_lowered:
0x8: {  	[smem:$0x3F9E] =	sst s0  }
0x9: {  	[smem:$0x3F9F] =	sst s1  }
0xa: {  	[smem:$0x3FA0] =	sst s2  }
0xb: {  	[smem:$0x3FA1] =	sst s3  }
0xc: {  	[smem:$0x3FA2] =	sst s4  }
0xd: {  	[smem:$0x3FA3] =	sst s5  }
0xe: {  	[smem:$0x3FA4] =	sst s6  }
0xf: {  	[smem:$0x3FA5] =	sst s7  }
0x10: {  	[smem:$0x3FA6] =	sst s8  }
0x11: {  	[smem:$0x3FA7] =	sst s9;
	s0 =	simm.s32 @!p0 $0x0  }
0x12: {  	s1 =	sld [smem:$0x3F8D];
	s0 =	simm.s32 @p0 $0x1  }
0x13: {  	[smem:$0x3FA8] =	sst s0;
	s0 =	simm.s32 @!p1 $0x0  }
0x14: {  	s2 =	sld [smem:$0x3F8C];
	s0 =	simm.s32 @p1 $0x1  }
0x15: {  	[smem:$0x3FA9] =	sst s0;
	s0 =	simm.s32 @!p2 $0x0  }
0x16: {  	s3 =	sld [smem:$0x3FDB];
	s0 =	simm.s32 @p2 $0x1  }
0x17: {  	s4 =	simm.s32 $0x1BF5;
	[smem:$0x3FAB] =	sst s0  }
0x18: {  	s0 =	sld [smem:$0x3F8E];
	_ =	swait.ge [sflag:s4], $0x0  }
0x19: {  	s7 =	sld [smem:$0x3F8F]  }
0x1a: {  	s8 =	sadd.s32 $0xFFFFE003, lr  }
0x1b: {  	s9 =	sadd.s32 $0xFFFFFEF7, lr;
	s5 =	simm.s32 $0xFFFFFFFF;
	p2 =	slt.u32 s8, $0xFFFFF086  }
0x1c: {  	p1 =	slt.u32 s9, $0xF7A;
	s5 =	simm.s32 @!p2 $0x0  }
0x1d: {  	s5 =	simm.s32 @p1 $0x1;
	p0 =	seq.s32 s7, s2  }
0x1e: {  	s7 =	smul.u32 @!p0 $0xF7A, s2;
	p2 =	seq.s32 @!p0 s5, $0x0  }
0x1f: {  	s9 =	smul.u32 $0xF7A, s1;
	s8 =	simm.s32 @!p0 $0x1BF5;
	p2 =	por !p2, p0  }
0x20: {  	[sflag:s8] =	ssyncset.s32 @!p0 $0xFFFFF086;
	s6 =	sadd.s32 @!p0 s3, s7;
	s7 =	simm.s32 @!p0 $0x108  }
0x21: {  	s3 =	sadd.s32 s3, s9;
	s6 =	sadd.s32 @!p0 $0x88, s6;
	s7 =	simm.s32 @p2 $0x1082  }
0x22: {  	[simem:s7], [sflag:s8] =	dma.local @!p0 [hbm:s6], $0xF7A  }
0x23: {  	s9 =	sor.u32 $0xD0000000, s2;
	s6 =	simm.s32 $0x108;
	_ =	swait.ge @!p0 [sflag:s8], $0x0  }
0x24: {  	s3 =	sadd.s32 $0x88, s3;
	s6 =	simm.s32 @!p1 $0x1082;
	[sflag:s4] =	ssyncset.s32 $0xFFFFF086  }
0x25: {  	[simem:s6], [sflag:s4] =	dma.local [hbm:s3], $0xF7A  }
0x26: {  	[smem:$0x3F8F] =	sst s1;
	(tag) =	ssettag s2;
	_ =	strace s9  }
0x27: {  	s1 =	sld [smem:$0x3F9F]  }
0x28: {  	s2 =	sld [smem:$0x3FA0]  }
0x29: {  	s4 =	sld [smem:$0x3FA2]  }
0x2a: {  	p0 =	seq.s32 s5, $0x0;
	s5 =	sld [smem:$0x3FA3]  }
0x2b: {  	s6 =	sld [smem:$0x3FA4]  }
0x2c: {  	s7 =	sld [smem:$0x3FA5]  }
0x2d: {  	s3 =	simm.s32 $0x108;
	s8 =	sld [smem:$0x3FA6]  }
0x2e: {  	s3 =	simm.s32 @!p0 $0x1082;
	s9 =	sld [smem:$0x3FA7]  }
0x2f: {  	lr =	sadd.s32 s0, s3;
	s0 =	sld [smem:$0x3F9E]  }
0x30: {  	s3 =	sld [smem:$0x3FA1]  }
0x31: {  	[smem:$0x3FAA] =	sst s10  }
0x32: {  	s10 =	sld [smem:$0x3FA8];
	_ =	sdelay $0x3  }
0x33: {  	p0 =	seq.s32 s10, $0x1;
	s10 =	sld [smem:$0x3FAA];
	_ =	sdelay $0x3  }
0x34: {  	[smem:$0x3FAA] =	sst s10  }
0x35: {  	s10 =	sld [smem:$0x3FA9];
	_ =	sdelay $0x3  }
0x36: {  	p1 =	seq.s32 s10, $0x1;
	s10 =	sld [smem:$0x3FAA];
	_ =	sdelay $0x3  }
0x37: {  	[smem:$0x3FAA] =	sst s10  }
0x38: {  	s10 =	sld [smem:$0x3FAB]  }
0x39: {  	_ = 	snop;
	(pc) =	sbr.ind lr, $3  }
0x3a: {  	_ = 	snop  }
0x3b: {  	_ = 	snop  }
0x3c: {  	p2 =	seq.s32 s10, $0x1;
	s10 =	sld [smem:$0x3FAA]  }
0x3d: {  	_ =	shalt  }
0x3e: {  	_ =	shalt  }
0x3f: {  	_ =	shalt  }
0x40: {  	_ =	shalt  }
0x41: {  	_ =	shalt  }
0x42: {  	_ =	shalt  }
0x43: {  	_ =	shalt  }
0x44: {  	_ =	shalt  }
0x45: {  	_ =	shalt  }
0x46: {  	_ =	shalt  }
0x47: {  	_ =	shalt  }
0x48: {  	_ =	shalt  }
0x49: {  	_ =	shalt  }
0x4a: {  	_ =	shalt  }
0x4b: {  	_ =	shalt  }
0x4c: {  	_ =	shalt  }
0x4d: {  	_ =	shalt  }
0x4e: {  	_ =	shalt  }
0x4f: {  	_ =	shalt  }
0x50: {  	_ =	shalt  }
0x51: {  	_ =	shalt  }
0x52: {  	_ =	shalt  }
0x53: {  	_ =	shalt  }
0x54: {  	_ =	shalt  }
0x55: {  	_ =	shalt  }
0x56: {  	_ =	shalt  }
0x57: {  	_ =	shalt  }
0x58: {  	_ =	shalt  }
0x59: {  	_ =	shalt  }
0x5a: {  	_ =	shalt  }
0x5b: {  	_ =	shalt  }
0x5c: {  	_ =	shalt  }
0x5d: {  	_ =	shalt  }
0x5e: {  	_ =	shalt  }
0x5f: {  	_ =	shalt  }
0x60: {  	_ =	shalt  }
0x61: {  	_ =	shalt  }
0x62: {  	_ =	shalt  }
0x63: {  	_ =	shalt  }
0x64: {  	_ =	shalt  }
0x65: {  	_ =	shalt  }
0x66: {  	_ =	shalt  }
0x67: {  	_ =	shalt  }
0x68: {  	_ =	shalt  }
0x69: {  	_ =	shalt  }
0x6a: {  	_ =	shalt  }
0x6b: {  	_ =	shalt  }
0x6c: {  	_ =	shalt  }
0x6d: {  	_ =	shalt  }
0x6e: {  	_ =	shalt  }
0x6f: {  	_ =	shalt  }
0x70: {  	_ =	shalt  }
0x71: {  	_ =	shalt  }
0x72: {  	_ =	shalt  }
0x73: {  	_ =	shalt  }
0x74: {  	_ =	shalt  }
0x75: {  	_ =	shalt  }
0x76: {  	_ =	shalt  }
0x77: {  	_ =	shalt  }
0x78: {  	_ =	shalt  }
0x79: {  	_ =	shalt  }
0x7a: {  	_ =	shalt  }
0x7b: {  	_ =	shalt  }
0x7c: {  	_ =	shalt  }
0x7d: {  	_ =	shalt  }
0x7e: {  	_ =	shalt  }
0x7f: {  	_ =	shalt  }
0x80: {  	_ =	shalt  }
0x81: {  	_ =	shalt  }
0x82: {  	_ =	shalt  }
0x83: {  	_ =	shalt  }
0x84: {  	_ =	shalt  }
0x85: {  	_ =	shalt  }
0x86: {  	_ =	shalt  }
0x87: {  	_ =	shalt  }
.Lfunc_end0:
.L_simem_size_0:
called_computation.5_lowered:
.L_overlay_start_0:
0x88: {  	s2 =	sld [smem:$0x3FD9]  }
0x89: {  	s3 =	sld [smem:$0x3FFE];
	_ =	sdelay $0x1  }
0x8a: {  	s1 =	srdreg.scid  }
0x8b: {  	s0 =	sand.u32 $0x1, s1  }
0x8c: {  	s15 =	sshll.u32 s0, $0xA;
	s2 =	sadd.s32 s3, s2  }
0x8d: {  	s2 =	sadd.s32 s2, s15  }
0x8e: {  	[smem:$0x3FB6] =	sst s2  }
0x8f: {  	_ = 	snop  }
0x90: {  	s2 =	sld [smem:$0x3FD0];
	_ =	sdelay $0x2  }
0x91: {  	s16 =	simm.s32 $0xF;
	s4 =	simm.s32 $0x10  }
0x92: {  	[smem:s4], [sflag:s16] =	dma.local [hbm:s2], $0x1  }
0x93: {  	_ =	swait.eq [sflag:s16], $0x1  }
0x94: {  	[sflag:s16] =	ssyncset.done $0x0  }
0x95: {  	[sflag:s16] =	ssyncadd.s32 $0xFFFFFFFF  }
0x96: {  	s17 =	sld [smem:$0x10];
	(tm) =	ssettm $0x1  }
0x97: {  	s18 =	sld [smem:$0x3FFB];
	_ =	sdelay $0x3  }
0x98: {  	_ =	strace s18  }
0x99: {  	s2 =	sld [smem:$0x3FFC];
	_ =	sdelay $0x3  }
0x9a: {  	_ =	strace s2  }
0x9b: {  	s2 =	sld [smem:$0x3FFD];
	_ =	sdelay $0x3  }
0x9c: {  	_ =	strace s2  }
0x9d: {  	_ =	strace $0x8FFFFFFF  }
0x9e: {  	s19 =	sld [smem:$0x3FDB];
	_ =	sdelay $0x1  }
0x9f: {  	s20 =	simm.s32 $_scs_section_size  }
0xa0: {  	s5 =	simm.s32 $_size__tile_overlayer_lowered;
	s6 =	simm.s32 $_tile_overlayer_lowered  }
0xa1: {  	s7 =	simm.s32 $0x1BFF;
	s21 =	sshll.u32 s6, $0x1;
	s4 =	sadd.s32 s20, s19  }
0xa2: {  	s22 =	simm.s32 $0x0;
	s5 =	sshll.u32 s5, $0x1;
	s6 =	sadd.s32 s21, s4  }
0xa3: {  	[timem:s22], [sflag:s7] =	dma.local [hbm:s6], s5  }
0xa4: {  	_ =	swait.ge [sflag:s7], s5  }
0xa5: {  	s5 =	ssub.s32 $0x0, s5;
	[sflag:s7] =	ssyncset.done $0x0  }
0xa6: {  	[sflag:s7] =	ssyncadd.s32 s5;
	_ =	sdelay $0x1  }
0xa7: {  	s23 =	simm.s32 $0x1B8B  }
0xa8: {  	_ =	swait.ge [sflag:s23], $0x1  }
0xa9: {  	[sflag:s23] =	ssyncset.done $0x0  }
0xaa: {  	[sflag:s23] =	ssyncadd.s32 $0xFFFFFFFF  }
0xab: {  	s5 =	sld [smem:$0x0]  }
0xac: {  	s6 =	sand.u32 $0xFFFFFFFE, s1  }
0xad: {  	p0 =	sne.s32 s1, s6  }
0xae: {  	s6 =	sshll.u32 @p0 s6, $0xE  }
0xaf: {  	s6 =	sadd.s32 @p0 $0x11B8D, s6;
	s7 =	sshll.u32 @p0 s5, $0x11  }
0xb0: {  	s6 =	sor.u32 @p0 s7, s6  }
0xb1: {  	[sflag:s6] =	ssyncadd.remote.s32 @p0 $0x1;
	_ =	sdelay $0x1  }
0xb2: {  	s6 =	simm.s32 @p0 $0x1B8D  }
0xb3: {  	_ =	swait.eq @p0 [sflag:s6], $0x1  }
0xb4: {  	[sflag:s6] =	ssyncadd.s32 @p0 $0xFFFFFFFF  }
0xb5: {  	s7 =	sshll.u32 @!p0 s1, $0xE  }
0xb6: {  	s7 =	sor.u32 @!p0 $0x4000, s7;
	s6 =	simm.s32 @!p0 $0x1B8D  }
0xb7: {  	s5 =	sshll.u32 @!p0 s5, $0x11;
	s7 =	sadd.s32 @!p0 $0x11B8D, s7;
	_ =	swait.eq @!p0 [sflag:s6], $0x1  }
0xb8: {  	s5 =	sor.u32 @!p0 s5, s7;
	[sflag:s6] =	ssyncadd.s32 @!p0 $0xFFFFFFFF  }
0xb9: {  	s25 =	simm.s32 $0x1B8E;
	s24 =	sld [smem:$0x3FFE];
	[sflag:s5] =	ssyncadd.remote.s32 @!p0 $0x1  }
0xba: {  	s26 =	simm.s32 $execute0_lowered;
	[smem:$0x3FD2] =	sst s25  }
0xbb: {  	s6 =	sshll.u32 s26, $0x1;
	_ =	strace $0x80000049;
	[dreg:$0x1] =	wrdreg $0xFFFFFFFF  }
0xbc: {  	s28 =	simm.s32 $_size_execute0_lowered;
	s4 =	sadd.s32 s4, s6;
	[dreg:$0x0] =	wrdreg $0x0  }
0xbd: {  	s6 =	sshll.u32 s28, $0x1;
	[dreg:$0x2] =	wrdreg s4  }
0xbe: {  	[dreg:$0x3] =	wrdreg s6  }
0xbf: {  	[dreg:$0x4] =	wrdreg $0xC0  }
0xc0: {  	_ =	task [dreg:s22], $0x5FFFF  }
0xc1: {  	[dreg:$0x1] =	wrdreg $0xFFFFFFFF  }
0xc2: {  	[dreg:$0x0] =	wrdreg $0x60  }
0xc3: {  	[dreg:$0x2] =	wrdreg s24  }
0xc4: {  	[dreg:$0x3] =	wrdreg s17  }
0xc5: {  	[dreg:$0x4] =	wrdreg $0xA  }
0xc6: {  	_ =	task.clear_ibuf [dreg:s22], $0x5FFFF;
	_ =	strace $0x90000049  }
0xc7: {  	s29 =	simm.s32 $0xA;
	_ =	strace $0x8000004B  }
0xc8: {  	_ =	swait.ge [sflag:s29], $0x1  }
0xc9: {  	[sflag:s29] =	ssyncadd.s32 $0xFFFFFFFF  }
0xca: {  	_ =	strace $0x9000004B  }
0xcb: {  	_ =	sfence  }
0xcc: {  	s30 =	sld [smem:$0x0];
	_ =	sdelay $0x2  }
0xcd: {  	s31 =	sshll.u32 s1, $0xD;
	s1 =	sshrl.u32 s1, $0x2  }
0xce: {  	s4 =	sand.u32 $0x4000, s31;
	s1 =	sadd.s32 s1, s30  }
0xcf: {  	s0 =	sor.u32 s4, s0;
	s1 =	sshll.u32 s1, $0x11  }
0xd0: {  	s0 =	sor.u32 s1, s0  }
0xd1: {  	s0 =	sadd.s32 $0x8F2B, s0  }
0xd2: {  	[sflag:s0] =	ssyncadd.remote.s32 $0x1  }
0xd3: {  	_ =	sfence.sel $0xFFFF  }
0xd4: {  	[dreg:$0x0] =	wrdreg $0xFFFFFFFF;
	(pc) =	sbr.abs _section_cstart, $3  }
0xd5: {  	[dreg:$0x1] =	wrdreg $0xFFFFFFFF  }
0xd6: {  	_ =	task.clear_ibuf [dreg:s22], $0x2FFFF;
	_ =	strace $0x9FFFFFFF  }
0xd7: {  	(tm) =	ssettm $0x7FFFFFFF  }
tec
execute0_lowered:
.L_overlay_start_1:
0x0: {  	(tag) =	ssettag $0x1  }
0x1: {  	s7 =	rddreg [dreg:$0x0]  }
0x2: {  	s0 =	srdreg.scid;
	s2 =	rddreg [dreg:$0x1]  }
0x3: {  	s1 =	stileid.u32;
	s5 =	simm.s32 $0x2;
	s9 =	simm.s32 $0x3  }
0x4: {  	s3 =	sshll.u32 s0, $0x4;
	s0 =	rddreg [dreg:$0x2];
	_ =	strace $0x8000004A  }
.Ltmp0:
0x5: {  	s4 =	sand.u32 $0x10, s3;
	s3 =	simm.s32 $0x1;
	(pc) =	sbr.rel .LBB2_1-.Ltmp0, $4  }
0x6: {  	s11 =	simm.s32 $0x0;
	s4 =	sor.u32 s1, s4;
	[sflag:s3] =	ssyncpa.u1 $0x0  }
0x7: {  	p0 =	por $0x0, $0x0;
	s4 =	smul.u32 $0xC80, s4;
	[sflag:s5] =	ssyncpa.u1 $0x0  }
0x8: {  	s6 =	sadd.s32 $0x12A4A00, s7;
	s7 =	sadd.s32 $0x253F200, s7;
	[sflag:s9] =	ssyncpa.u1 $0x0  }
0x9: {  	vm0 =	vmmov $0xffff;
	s9 =	simm.s32 $0x0;
	s8 =	sadd.s32 $0xC80, s4;
	s10 =	smov.u32 s4  }
.LBB2_4:
0xa: {  	[hbm:s15] =	stream.linear.scatter [tilespmem:s11], [sflag:$0x3], $0x400, $0x38;
	[tilespmem:$0x10040] =	vst v63  }
.LBB2_5:
0xb: {  	p1 =	slt.u32 s9, $0x2;
	s11 =	sadd.s32 $0x20, s10  }
0xc: {  	s13 =	smov.u32 s4;
	s9 =	sadd.s32 $0x1, s9;
	p2 =	slt.s32 s11, s8  }
0xd: {  	s13 =	smov.u32 @p2 s11;
	p2 =	sne.s32 s9, $0x66  }
.Ltmp1:
0xe: {  	_ = 	snop;
	(pc) =	sbr.rel @!p2 .LBB2_6-.Ltmp1, $4  }
0xf: {  	s12 =	simm.s32 @!p1 $0x3  }
0x10: {  	_ =	swait.ge @!p1 [sflag:s12], $0x8000  }
0x11: {  	p0 =	por !p0, !p0;
	[sflag:s12] =	ssyncset.done @!p1 $0x0  }
0x12: {  	s11 =	smov.u32 s10;
	s10 =	smov.u32 s13;
	[sflag:s12] =	ssyncadd.s32 @!p1 $0xFFFF8000  }
.LBB2_1:
0x13: {  	p1 =	sgt.u32 s9, $0x63  }
0x14: {  	s12 =	sxor.u32 @!p1 $0xFFFFFFFF, s9  }
0x15: {  	s31 =	sadd.s32 $0xFFFFFFFF, s9;
	s13 =	sshrl.u32 @!p1 s10, $0x3;
	s12 =	sshll.u32 @!p1 s12, $0x5  }
0x16: {  	s14 =	sand.u32 @!p1 $0x7, s10;
	s13 =	sadd.s32 @!p1 s2, s13;
	s12 =	sand.u32 @!p1 $0x20, s12  }
0x17: {  	[tilespmem:s12], [sflag:$0x2] =	stream.linear.gather @!p1 [hbm4b:s13+s14], $0x20, $0x38;
	[tilespmem:$0x10040] =	vst v63  }
0x18: {  	p1 =	sgt.u32 s31, $0x63  }
.Ltmp2:
0x19: {  	_ = 	snop;
	(pc) =	sbr.rel @p1 .LBB2_5-.Ltmp2, $1  }
0x1a: {  	_ =	sdelay $0x3  }
0x1b: {  	_ =	swait.ge [sflag:s5], $0x20  }
0x1c: {  	s12 =	sand.u32 $0x1, s9;
	[sflag:s5] =	ssyncset.done $0x0  }
0x1d: {  	s13 =	sshll.u32 s12, $0x5;
	[sflag:s5] =	ssyncadd.s32 $0xFFFFFFE0  }
0x1e: {  	v0 =	vld.msk [tilespmem:s13+$0x0 ss:$0x1], $0xffff;
	_ =	sdelay $0x4  }
0x1f: {  	vm1 =	vgt.s32 v0, $0x0  }
0x20: {  	v0 =	vnsel vm1, $0x0, v0  }
0x21: {  	v0 =	vmin.u32 v0, $0xC34F  }
0x22: {  	v0 =	vshll.u32 v0, $0x7;
	_ =	sdelay $0x2  }
0x23: {  	s12 =	sshll.u32 s12, $0xF  }
0x24: {  	s14 =	sor.u32 $0x40, s12;
	s13 =	sor.u32 $0x10, s13  }
0x25: {  	[tilespmem:s14], [sflag:$0x1] =	stream.indirect_vreg.gather [hbm:s6], $0x400, v0, vm0, $0x38;
	[tilespmem:$0x10040] =	vst v63  }
0x26: {  	v0 =	vld.msk [tilespmem:s13+$0x0 ss:$0x1], $0xffff;
	_ =	sdelay $0x4  }
0x27: {  	vm1 =	vgt.s32 v0, $0x0  }
0x28: {  	v0 =	vnsel vm1, $0x0, v0  }
0x29: {  	v0 =	vmin.u32 v0, $0xC34F  }
0x2a: {  	v0 =	vshll.u32 v0, $0x7;
	_ =	sdelay $0x2  }
0x2b: {  	s13 =	simm.s32 $0x1  }
0x2c: {  	s31 =	sshll.u32 s11, $0x7;
	s12 =	sor.u32 $0x4040, s12;
	s13 =	simm.s32 @!p0 $0x0  }
0x2d: {  	[tilespmem:s12], [sflag:$0x1] =	stream.indirect_vreg.gather [hbm:s6], $0x400, v0, vm0, $0x38;
	[tilespmem:$0x10040] =	vst v63  }
0x2e: {  	s30 =	sshll.u32 s13, $0xF;
	s13 =	simm.s32 $0x80;
	_ =	swait.ge [sflag:s3], $0x8000  }
0x2f: {  	s11 =	sor.u32 $0x40, s30;
	s12 =	sadd.s32 s31, s7;
	[sflag:s3] =	ssyncset.done $0x0  }
0x30: {  	s14 =	sadd.s32 $0x400, s11;
	s15 =	sadd.s32 $0x0, s12;
	[sflag:s3] =	ssyncadd.s32 $0xFFFF8000  }
.LBB2_3:
0x31: {  	[hbm:s15] =	stream.linear.scatter [tilespmem:s11], [sflag:$0x3], $0x400, $0x38;
	[tilespmem:$0x10040] =	vst v63  }
0x32: {  	s15 =	smov.u32 s13;
	s11 =	smov.u32 s14;
	p1 =	sne.s32 s13, $0xF80  }
.Ltmp3:
0x33: {  	s13 =	sadd.s32 $0x80, s13;
	(pc) =	sbr.rel @p1 .LBB2_3-.Ltmp3, $2  }
0x34: {  	_ =	sdelay $0x2  }
0x35: {  	s14 =	sadd.s32 $0x400, s14;
	s15 =	sadd.s32 s15, s12  }
.Ltmp4:
0x36: {  	_ = 	snop;
	(pc) =	sbr.rel .LBB2_4-.Ltmp4, $1  }
0x37: {  	_ =	sdelay $0x3  }
.LBB2_6:
0x38: {  	_ =	sfence.sel $0x180000  }
0x39: {  	s2 =	simm.s32 $0x2;
	[bflag:$0x0] =	sbarrier.arrive $0xFFFF  }
0x3a: {  	s30 =	simm.s32 $0x3;
	[sflag:s2] =	ssyncpa.u1 $0x1  }
0x3b: {  	s31 =	simm.s32 $0x1;
	[sflag:s30] =	ssyncpa.u1 $0x1  }
0x3c: {  	[sflag:s31] =	ssyncpa.u1 $0x1  }
0x3d: {  	p0 =	sne.s32 s1, $0x0;
	_ =	strace $0x9000004A  }
0x3e: {  	s0 =	sadd.s32 @!p0 $0x100000, s0;
	[bflag:$0x2] =	sbarrier.arrive $0xFFFF  }
0x3f: {  	[sflag:s0] =	ssyncadd.tile.s32 @!p0 $0x1;
	_ =	shalt  }
.Lfunc_end2:
_tile_overlayer_lowered:
.L_overlay_start_2:
0x40: {  	(tag) =	ssettag $0x2  }
0x41: {  	s0 =	rddreg [dreg:$0x0];
	s2 =	stileid.u32  }
0x42: {  	s1 =	rddreg [dreg:$0x1];
	p0 =	sne.s32 s2, $0x0  }
0x43: {  	s3 =	rddreg [dreg:$0x2];
	[bflag:$0x3] =	sbarrier.arrive $0xFFFF;
	s2 =	simm.s32 @!p0 $0x1C01  }
0x44: {  	[timem:s3], [sflag:s2] =	dma.local @!p0 [hbm:s0], s1  }
0x45: {  	s0 =	simm.s32 @!p0 $0x1  }
0x46: {  	_ =	swait.ge @!p0 [sflag:s0], s1  }
0x47: {  	s1 =	ssub.s32 @!p0 $0x0, s1;
	[sflag:s0] =	ssyncset.done @!p0 $0x0  }
0x48: {  	[sflag:s0] =	ssyncadd.s32 @!p0 s1  }
0x49: {  	[bflag:$0x3] =	sbarrier.arrive $0xFFFF  }
0x4a: {  	_ =	shalt  }

// kernel: gather_offload_async_start
scs
__scs_entry_jumppad:
0x0: {  	(pc) =	sbr.rel $0x88, $3  }
0x1: {  	(tag) =	ssettag $0x0;
	lr =	simm.s32 $0x1  }
0x2: {  	[smem:$0x3F8F] =	sst lr;
	_ =	strace $0xD0000000  }
0x3: {  	_ = 	snop  }
0x4: {  	_ = 	snop  }
0x5: {  	_ = 	snop  }
0x6: {  	_ = 	snop  }
0x7: {  	_ = 	snop  }
__scs_overlays_trampoline_lowered:
0x8: {  	[smem:$0x3F9E] =	sst s0  }
0x9: {  	[smem:$0x3F9F] =	sst s1  }
0xa: {  	[smem:$0x3FA0] =	sst s2  }
0xb: {  	[smem:$0x3FA1] =	sst s3  }
0xc: {  	[smem:$0x3FA2] =	sst s4  }
0xd: {  	[smem:$0x3FA3] =	sst s5  }
0xe: {  	[smem:$0x3FA4] =	sst s6  }
0xf: {  	[smem:$0x3FA5] =	sst s7  }
0x10: {  	[smem:$0x3FA6] =	sst s8  }
0x11: {  	[smem:$0x3FA7] =	sst s9;
	s0 =	simm.s32 @!p0 $0x0  }
0x12: {  	s1 =	sld [smem:$0x3F8D];
	s0 =	simm.s32 @p0 $0x1  }
0x13: {  	[smem:$0x3FA8] =	sst s0;
	s0 =	simm.s32 @!p1 $0x0  }
0x14: {  	s2 =	sld [smem:$0x3F8C];
	s0 =	simm.s32 @p1 $0x1  }
0x15: {  	[smem:$0x3FA9] =	sst s0;
	s0 =	simm.s32 @!p2 $0x0  }
0x16: {  	s3 =	sld [smem:$0x3FDB];
	s0 =	simm.s32 @p2 $0x1  }
0x17: {  	s4 =	simm.s32 $0x1BF5;
	[smem:$0x3FAB] =	sst s0  }
0x18: {  	s0 =	sld [smem:$0x3F8E];
	_ =	swait.ge [sflag:s4], $0x0  }
0x19: {  	s7 =	sld [smem:$0x3F8F]  }
0x1a: {  	s8 =	sadd.s32 $0xFFFFE003, lr  }
0x1b: {  	s9 =	sadd.s32 $0xFFFFFEF7, lr;
	s5 =	simm.s32 $0xFFFFFFFF;
	p2 =	slt.u32 s8, $0xFFFFF086  }
0x1c: {  	p1 =	slt.u32 s9, $0xF7A;
	s5 =	simm.s32 @!p2 $0x0  }
0x1d: {  	s5 =	simm.s32 @p1 $0x1;
	p0 =	seq.s32 s7, s2  }
0x1e: {  	s7 =	smul.u32 @!p0 $0xF7A, s2;
	p2 =	seq.s32 @!p0 s5, $0x0  }
0x1f: {  	s9 =	smul.u32 $0xF7A, s1;
	s8 =	simm.s32 @!p0 $0x1BF5;
	p2 =	por !p2, p0  }
0x20: {  	[sflag:s8] =	ssyncset.s32 @!p0 $0xFFFFF086;
	s6 =	sadd.s32 @!p0 s3, s7;
	s7 =	simm.s32 @!p0 $0x108  }
0x21: {  	s3 =	sadd.s32 s3, s9;
	s6 =	sadd.s32 @!p0 $0x88, s6;
	s7 =	simm.s32 @p2 $0x1082  }
0x22: {  	[simem:s7], [sflag:s8] =	dma.local @!p0 [hbm:s6], $0xF7A  }
0x23: {  	s9 =	sor.u32 $0xD0000000, s2;
	s6 =	simm.s32 $0x108;
	_ =	swait.ge @!p0 [sflag:s8], $0x0  }
0x24: {  	s3 =	sadd.s32 $0x88, s3;
	s6 =	simm.s32 @!p1 $0x1082;
	[sflag:s4] =	ssyncset.s32 $0xFFFFF086  }
0x25: {  	[simem:s6], [sflag:s4] =	dma.local [hbm:s3], $0xF7A  }
0x26: {  	[smem:$0x3F8F] =	sst s1;
	(tag) =	ssettag s2;
	_ =	strace s9  }
0x27: {  	s1 =	sld [smem:$0x3F9F]  }
0x28: {  	s2 =	sld [smem:$0x3FA0]  }
0x29: {  	s4 =	sld [smem:$0x3FA2]  }
0x2a: {  	p0 =	seq.s32 s5, $0x0;
	s5 =	sld [smem:$0x3FA3]  }
0x2b: {  	s6 =	sld [smem:$0x3FA4]  }
0x2c: {  	s7 =	sld [smem:$0x3FA5]  }
0x2d: {  	s3 =	simm.s32 $0x108;
	s8 =	sld [smem:$0x3FA6]  }
0x2e: {  	s3 =	simm.s32 @!p0 $0x1082;
	s9 =	sld [smem:$0x3FA7]  }
0x2f: {  	lr =	sadd.s32 s0, s3;
	s0 =	sld [smem:$0x3F9E]  }
0x30: {  	s3 =	sld [smem:$0x3FA1]  }
0x31: {  	[smem:$0x3FAA] =	sst s10  }
0x32: {  	s10 =	sld [smem:$0x3FA8];
	_ =	sdelay $0x3  }
0x33: {  	p0 =	seq.s32 s10, $0x1;
	s10 =	sld [smem:$0x3FAA];
	_ =	sdelay $0x3  }
0x34: {  	[smem:$0x3FAA] =	sst s10  }
0x35: {  	s10 =	sld [smem:$0x3FA9];
	_ =	sdelay $0x3  }
0x36: {  	p1 =	seq.s32 s10, $0x1;
	s10 =	sld [smem:$0x3FAA];
	_ =	sdelay $0x3  }
0x37: {  	[smem:$0x3FAA] =	sst s10  }
0x38: {  	s10 =	sld [smem:$0x3FAB]  }
0x39: {  	_ = 	snop;
	(pc) =	sbr.ind lr, $3  }
0x3a: {  	_ = 	snop  }
0x3b: {  	_ = 	snop  }
0x3c: {  	p2 =	seq.s32 s10, $0x1;
	s10 =	sld [smem:$0x3FAA]  }
0x3d: {  	_ =	shalt  }
0x3e: {  	_ =	shalt  }
0x3f: {  	_ =	shalt  }
0x40: {  	_ =	shalt  }
0x41: {  	_ =	shalt  }
0x42: {  	_ =	shalt  }
0x43: {  	_ =	shalt  }
0x44: {  	_ =	shalt  }
0x45: {  	_ =	shalt  }
0x46: {  	_ =	shalt  }
0x47: {  	_ =	shalt  }
0x48: {  	_ =	shalt  }
0x49: {  	_ =	shalt  }
0x4a: {  	_ =	shalt  }
0x4b: {  	_ =	shalt  }
0x4c: {  	_ =	shalt  }
0x4d: {  	_ =	shalt  }
0x4e: {  	_ =	shalt  }
0x4f: {  	_ =	shalt  }
0x50: {  	_ =	shalt  }
0x51: {  	_ =	shalt  }
0x52: {  	_ =	shalt  }
0x53: {  	_ =	shalt  }
0x54: {  	_ =	shalt  }
0x55: {  	_ =	shalt  }
0x56: {  	_ =	shalt  }
0x57: {  	_ =	shalt  }
0x58: {  	_ =	shalt  }
0x59: {  	_ =	shalt  }
0x5a: {  	_ =	shalt  }
0x5b: {  	_ =	shalt  }
0x5c: {  	_ =	shalt  }
0x5d: {  	_ =	shalt  }
0x5e: {  	_ =	shalt  }
0x5f: {  	_ =	shalt  }
0x60: {  	_ =	shalt  }
0x61: {  	_ =	shalt  }
0x62: {  	_ =	shalt  }
0x63: {  	_ =	shalt  }
0x64: {  	_ =	shalt  }
0x65: {  	_ =	shalt  }
0x66: {  	_ =	shalt  }
0x67: {  	_ =	shalt  }
0x68: {  	_ =	shalt  }
0x69: {  	_ =	shalt  }
0x6a: {  	_ =	shalt  }
0x6b: {  	_ =	shalt  }
0x6c: {  	_ =	shalt  }
0x6d: {  	_ =	shalt  }
0x6e: {  	_ =	shalt  }
0x6f: {  	_ =	shalt  }
0x70: {  	_ =	shalt  }
0x71: {  	_ =	shalt  }
0x72: {  	_ =	shalt  }
0x73: {  	_ =	shalt  }
0x74: {  	_ =	shalt  }
0x75: {  	_ =	shalt  }
0x76: {  	_ =	shalt  }
0x77: {  	_ =	shalt  }
0x78: {  	_ =	shalt  }
0x79: {  	_ =	shalt  }
0x7a: {  	_ =	shalt  }
0x7b: {  	_ =	shalt  }
0x7c: {  	_ =	shalt  }
0x7d: {  	_ =	shalt  }
0x7e: {  	_ =	shalt  }
0x7f: {  	_ =	shalt  }
0x80: {  	_ =	shalt  }
0x81: {  	_ =	shalt  }
0x82: {  	_ =	shalt  }
0x83: {  	_ =	shalt  }
0x84: {  	_ =	shalt  }
0x85: {  	_ =	shalt  }
0x86: {  	_ =	shalt  }
0x87: {  	_ =	shalt  }
.Lfunc_end0:
.L_simem_size_0:
called_computation.3_lowered:
.L_overlay_start_0:
0x88: {  	s2 =	sld [smem:$0x3FD9]  }
0x89: {  	s3 =	sld [smem:$0x3FFE];
	_ =	sdelay $0x1  }
0x8a: {  	s1 =	srdreg.scid  }
0x8b: {  	s0 =	sand.u32 $0x1, s1  }
0x8c: {  	s16 =	sshll.u32 s0, $0xA;
	s2 =	sadd.s32 s3, s2  }
0x8d: {  	s2 =	sadd.s32 s2, s16  }
0x8e: {  	[smem:$0x3FB6] =	sst s2  }
0x8f: {  	_ = 	snop  }
0x90: {  	(tm) =	ssettm $0x1  }
0x91: {  	s17 =	sld [smem:$0x3FFB];
	_ =	sdelay $0x3  }
0x92: {  	_ =	strace s17  }
0x93: {  	s2 =	sld [smem:$0x3FFC];
	_ =	sdelay $0x3  }
0x94: {  	_ =	strace s2  }
0x95: {  	s2 =	sld [smem:$0x3FFD];
	_ =	sdelay $0x3  }
0x96: {  	_ =	strace s2  }
0x97: {  	_ =	strace $0x8FFFFFFF  }
0x98: {  	s18 =	sld [smem:$0x3FDB];
	_ =	sdelay $0x1  }
0x99: {  	s19 =	simm.s32 $_scs_section_size  }
0x9a: {  	s4 =	simm.s32 $_size__tile_overlayer_lowered;
	s5 =	simm.s32 $_tile_overlayer_lowered  }
0x9b: {  	s22 =	simm.s32 $0x1BFF;
	s21 =	sshll.u32 s5, $0x1;
	s2 =	sadd.s32 s19, s18  }
0x9c: {  	s6 =	simm.s32 $0x0;
	s20 =	sshll.u32 s4, $0x1;
	s4 =	sadd.s32 s21, s2  }
0x9d: {  	[timem:s6], [sflag:s22] =	dma.local [hbm:s4], s20  }
0x9e: {  	_ =	swait.ge [sflag:s22], s20  }
0x9f: {  	s3 =	ssub.s32 $0x0, s20;
	[sflag:s22] =	ssyncset.done $0x0  }
0xa0: {  	[sflag:s22] =	ssyncadd.s32 s3;
	_ =	sdelay $0x1  }
0xa1: {  	s23 =	simm.s32 $0x1B8B  }
0xa2: {  	_ =	swait.ge [sflag:s23], $0x1  }
0xa3: {  	[sflag:s23] =	ssyncset.done $0x0  }
0xa4: {  	s25 =	simm.s32 $0x1B8E;
	s24 =	sld [smem:$0x3FFE];
	[sflag:s23] =	ssyncadd.s32 $0xFFFFFFFF  }
0xa5: {  	s26 =	simm.s32 $execute0_lowered;
	[smem:$0x3FD2] =	sst s25  }
0xa6: {  	s4 =	sshll.u32 s26, $0x1;
	_ =	strace $0x8000004C;
	[dreg:$0x1] =	wrdreg $0xFFFFFFFF  }
0xa7: {  	s28 =	simm.s32 $_size_execute0_lowered;
	s2 =	sadd.s32 s2, s4;
	[dreg:$0x0] =	wrdreg $0x0  }
0xa8: {  	s4 =	sshll.u32 s28, $0x1;
	[dreg:$0x2] =	wrdreg s2  }
0xa9: {  	[dreg:$0x3] =	wrdreg s4  }
0xaa: {  	[dreg:$0x4] =	wrdreg $0xC0  }
0xab: {  	_ =	task [dreg:s6], $0x5FFFF  }
0xac: {  	[dreg:$0x1] =	wrdreg $0xFFFFFFFF  }
0xad: {  	[dreg:$0x0] =	wrdreg $0x60  }
0xae: {  	[dreg:$0x2] =	wrdreg s24  }
0xaf: {  	[dreg:$0x3] =	wrdreg $0xB  }
0xb0: {  	_ =	task.clear_ibuf [dreg:s6], $0x4FFFF;
	_ =	strace $0x9000004C  }
0xb1: {  	s29 =	simm.s32 $0xB;
	_ =	strace $0x8000004E  }
0xb2: {  	_ =	swait.ge [sflag:s29], $0x1  }
0xb3: {  	[sflag:s29] =	ssyncadd.s32 $0xFFFFFFFF  }
0xb4: {  	_ =	strace $0x9000004E  }
0xb5: {  	_ =	sfence  }
0xb6: {  	s30 =	sld [smem:$0x0];
	_ =	sdelay $0x2  }
0xb7: {  	s31 =	sshll.u32 s1, $0xD;
	s1 =	sshrl.u32 s1, $0x2  }
0xb8: {  	s3 =	sand.u32 $0x4000, s31;
	s1 =	sadd.s32 s1, s30  }
0xb9: {  	s0 =	sor.u32 s3, s0;
	s1 =	sshll.u32 s1, $0x11  }
0xba: {  	s0 =	sor.u32 s1, s0  }
0xbb: {  	s0 =	sadd.s32 $0x8F2B, s0  }
0xbc: {  	[sflag:s0] =	ssyncadd.remote.s32 $0x1  }
0xbd: {  	_ =	sfence.sel $0xFFFF  }
0xbe: {  	[dreg:$0x0] =	wrdreg $0xFFFFFFFF;
	(pc) =	sbr.abs _section_cstart, $3  }
0xbf: {  	[dreg:$0x1] =	wrdreg $0xFFFFFFFF  }
0xc0: {  	_ =	task.clear_ibuf [dreg:s6], $0x2FFFF;
	_ =	strace $0x9FFFFFFF  }
0xc1: {  	(tm) =	ssettm $0x7FFFFFFF  }
tec
execute0_lowered:
.L_overlay_start_1:
0x0: {  	(tag) =	ssettag $0x1  }
0x1: {  	s7 =	rddreg [dreg:$0x0]  }
0x2: {  	s1 =	srdreg.scid;
	s0 =	rddreg [dreg:$0x1]  }
0x3: {  	_ =	strace $0x8000004D;
	s3 =	simm.s32 $0x1;
	s5 =	simm.s32 $0x2  }
0x4: {  	s9 =	simm.s32 $0x3;
	s11 =	simm.s32 $0x0;
	s2 =	sshll.u32 s1, $0x4  }
.Ltmp0:
0x5: {  	s1 =	stileid.u32;
	s4 =	sand.u32 $0x10, s2;
	(pc) =	sbr.rel .LBB2_1-.Ltmp0, $4  }
0x6: {  	p0 =	por $0x0, $0x0;
	[sflag:s3] =	ssyncpa.u1 $0x0;
	s4 =	sor.u32 s1, s4  }
0x7: {  	s6 =	sadd.s32 $0xE000, s7;
	[sflag:s5] =	ssyncpa.u1 $0x0;
	s4 =	smul.u32 $0xC80, s4  }
0x8: {  	s2 =	sadd.s32 $0x4CC00, s7;
	s7 =	sadd.s32 $0x18BF200, s7;
	[sflag:s9] =	ssyncpa.u1 $0x0  }
0x9: {  	vm0 =	vmmov $0xffff;
	s9 =	simm.s32 $0x0;
	s8 =	sadd.s32 $0xC80, s4;
	s10 =	smov.u32 s4  }
.LBB2_4:
0xa: {  	[hbm:s15] =	stream.linear.scatter [tilespmem:s11], [sflag:$0x3], $0x400, $0x38;
	[tilespmem:$0x10040] =	vst v63  }
.LBB2_5:
0xb: {  	p1 =	slt.u32 s9, $0x2;
	s11 =	sadd.s32 $0x20, s10  }
0xc: {  	s13 =	smov.u32 s4;
	s9 =	sadd.s32 $0x1, s9;
	p2 =	slt.s32 s11, s8  }
0xd: {  	s13 =	smov.u32 @p2 s11;
	p2 =	sne.s32 s9, $0x66  }
.Ltmp1:
0xe: {  	_ = 	snop;
	(pc) =	sbr.rel @!p2 .LBB2_6-.Ltmp1, $4  }
0xf: {  	s12 =	simm.s32 @!p1 $0x3  }
0x10: {  	_ =	swait.ge @!p1 [sflag:s12], $0x8000  }
0x11: {  	p0 =	por !p0, !p0;
	[sflag:s12] =	ssyncset.done @!p1 $0x0  }
0x12: {  	s11 =	smov.u32 s10;
	s10 =	smov.u32 s13;
	[sflag:s12] =	ssyncadd.s32 @!p1 $0xFFFF8000  }
.LBB2_1:
0x13: {  	p1 =	sgt.u32 s9, $0x63  }
0x14: {  	s12 =	sxor.u32 @!p1 $0xFFFFFFFF, s9  }
0x15: {  	s31 =	sadd.s32 $0xFFFFFFFF, s9;
	s13 =	sshrl.u32 @!p1 s10, $0x3;
	s12 =	sshll.u32 @!p1 s12, $0x5  }
0x16: {  	s14 =	sand.u32 @!p1 $0x7, s10;
	s13 =	sadd.s32 @!p1 s6, s13;
	s12 =	sand.u32 @!p1 $0x20, s12  }
0x17: {  	[tilespmem:s12], [sflag:$0x2] =	stream.linear.gather @!p1 [hbm4b:s13+s14], $0x20, $0x38;
	[tilespmem:$0x10040] =	vst v63  }
0x18: {  	p1 =	sgt.u32 s31, $0x63  }
.Ltmp2:
0x19: {  	_ = 	snop;
	(pc) =	sbr.rel @p1 .LBB2_5-.Ltmp2, $1  }
0x1a: {  	_ =	sdelay $0x3  }
0x1b: {  	_ =	swait.ge [sflag:s5], $0x20  }
0x1c: {  	s12 =	sand.u32 $0x1, s9;
	[sflag:s5] =	ssyncset.done $0x0  }
0x1d: {  	s13 =	sshll.u32 s12, $0x5;
	[sflag:s5] =	ssyncadd.s32 $0xFFFFFFE0  }
0x1e: {  	v0 =	vld.msk [tilespmem:s13+$0x0 ss:$0x1], $0xffff;
	_ =	sdelay $0x4  }
0x1f: {  	vm1 =	vgt.s32 v0, $0x0  }
0x20: {  	v0 =	vnsel vm1, $0x0, v0  }
0x21: {  	v0 =	vmin.u32 v0, $0xC34F  }
0x22: {  	v0 =	vshll.u32 v0, $0x7;
	_ =	sdelay $0x2  }
0x23: {  	s12 =	sshll.u32 s12, $0xF  }
0x24: {  	s14 =	sor.u32 $0x40, s12;
	s13 =	sor.u32 $0x10, s13  }
0x25: {  	[tilespmem:s14], [sflag:$0x1] =	stream.indirect_vreg.gather [hbm:s2], $0x400, v0, vm0, $0x38;
	[tilespmem:$0x10040] =	vst v63  }
0x26: {  	v0 =	vld.msk [tilespmem:s13+$0x0 ss:$0x1], $0xffff;
	_ =	sdelay $0x4  }
0x27: {  	vm1 =	vgt.s32 v0, $0x0  }
0x28: {  	v0 =	vnsel vm1, $0x0, v0  }
0x29: {  	v0 =	vmin.u32 v0, $0xC34F  }
0x2a: {  	v0 =	vshll.u32 v0, $0x7;
	_ =	sdelay $0x2  }
0x2b: {  	s13 =	simm.s32 $0x1  }
0x2c: {  	s31 =	sshll.u32 s11, $0x7;
	s12 =	sor.u32 $0x4040, s12;
	s13 =	simm.s32 @!p0 $0x0  }
0x2d: {  	[tilespmem:s12], [sflag:$0x1] =	stream.indirect_vreg.gather [hbm:s2], $0x400, v0, vm0, $0x38;
	[tilespmem:$0x10040] =	vst v63  }
0x2e: {  	s30 =	sshll.u32 s13, $0xF;
	s13 =	simm.s32 $0x80;
	_ =	swait.ge [sflag:s3], $0x8000  }
0x2f: {  	s11 =	sor.u32 $0x40, s30;
	s12 =	sadd.s32 s31, s7;
	[sflag:s3] =	ssyncset.done $0x0  }
0x30: {  	s14 =	sadd.s32 $0x400, s11;
	s15 =	sadd.s32 $0x0, s12;
	[sflag:s3] =	ssyncadd.s32 $0xFFFF8000  }
.LBB2_3:
0x31: {  	[hbm:s15] =	stream.linear.scatter [tilespmem:s11], [sflag:$0x3], $0x400, $0x38;
	[tilespmem:$0x10040] =	vst v63  }
0x32: {  	s15 =	smov.u32 s13;
	s11 =	smov.u32 s14;
	p1 =	sne.s32 s13, $0xF80  }
.Ltmp3:
0x33: {  	s13 =	sadd.s32 $0x80, s13;
	(pc) =	sbr.rel @p1 .LBB2_3-.Ltmp3, $2  }
0x34: {  	_ =	sdelay $0x2  }
0x35: {  	s14 =	sadd.s32 $0x400, s14;
	s15 =	sadd.s32 s15, s12  }
.Ltmp4:
0x36: {  	_ = 	snop;
	(pc) =	sbr.rel .LBB2_4-.Ltmp4, $1  }
0x37: {  	_ =	sdelay $0x3  }
.LBB2_6:
0x38: {  	_ =	sfence.sel $0x180000  }
0x39: {  	s2 =	simm.s32 $0x2;
	[bflag:$0x0] =	sbarrier.arrive $0xFFFF  }
0x3a: {  	s30 =	simm.s32 $0x3;
	[sflag:s2] =	ssyncpa.u1 $0x1  }
0x3b: {  	s31 =	simm.s32 $0x1;
	[sflag:s30] =	ssyncpa.u1 $0x1  }
0x3c: {  	[sflag:s31] =	ssyncpa.u1 $0x1  }
0x3d: {  	p0 =	sne.s32 s1, $0x0;
	_ =	strace $0x9000004D  }
0x3e: {  	s0 =	sadd.s32 @!p0 $0x100000, s0;
	[bflag:$0x2] =	sbarrier.arrive $0xFFFF  }
0x3f: {  	[sflag:s0] =	ssyncadd.tile.s32 @!p0 $0x1;
	_ =	shalt  }
.Lfunc_end2:
_tile_overlayer_lowered:
.L_overlay_start_2:
0x40: {  	(tag) =	ssettag $0x2  }
0x41: {  	s0 =	rddreg [dreg:$0x0];
	s2 =	stileid.u32  }
0x42: {  	s1 =	rddreg [dreg:$0x1];
	p0 =	sne.s32 s2, $0x0  }
0x43: {  	s3 =	rddreg [dreg:$0x2];
	[bflag:$0x3] =	sbarrier.arrive $0xFFFF;
	s2 =	simm.s32 @!p0 $0x1C01  }
0x44: {  	[timem:s3], [sflag:s2] =	dma.local @!p0 [hbm:s0], s1  }
0x45: {  	s0 =	simm.s32 @!p0 $0x1  }
0x46: {  	_ =	swait.ge @!p0 [sflag:s0], s1  }
0x47: {  	s1 =	ssub.s32 @!p0 $0x0, s1;
	[sflag:s0] =	ssyncset.done @!p0 $0x0  }
0x48: {  	[sflag:s0] =	ssyncadd.s32 @!p0 s1  }
0x49: {  	[bflag:$0x3] =	sbarrier.arrive $0xFFFF  }
0x4a: {  	_ =	shalt  }

// kernel: scatter_offload_async_start.1
scs
__scs_entry_jumppad:
0x0: {  	(pc) =	sbr.rel $0x88, $3  }
0x1: {  	(tag) =	ssettag $0x0;
	lr =	simm.s32 $0x1  }
0x2: {  	[smem:$0x3F8F] =	sst lr;
	_ =	strace $0xD0000000  }
0x3: {  	_ = 	snop  }
0x4: {  	_ = 	snop  }
0x5: {  	_ = 	snop  }
0x6: {  	_ = 	snop  }
0x7: {  	_ = 	snop  }
__scs_overlays_trampoline_lowered:
0x8: {  	[smem:$0x3F9E] =	sst s0  }
0x9: {  	[smem:$0x3F9F] =	sst s1  }
0xa: {  	[smem:$0x3FA0] =	sst s2  }
0xb: {  	[smem:$0x3FA1] =	sst s3  }
0xc: {  	[smem:$0x3FA2] =	sst s4  }
0xd: {  	[smem:$0x3FA3] =	sst s5  }
0xe: {  	[smem:$0x3FA4] =	sst s6  }
0xf: {  	[smem:$0x3FA5] =	sst s7  }
0x10: {  	[smem:$0x3FA6] =	sst s8  }
0x11: {  	[smem:$0x3FA7] =	sst s9;
	s0 =	simm.s32 @!p0 $0x0  }
0x12: {  	s1 =	sld [smem:$0x3F8D];
	s0 =	simm.s32 @p0 $0x1  }
0x13: {  	[smem:$0x3FA8] =	sst s0;
	s0 =	simm.s32 @!p1 $0x0  }
0x14: {  	s2 =	sld [smem:$0x3F8C];
	s0 =	simm.s32 @p1 $0x1  }
0x15: {  	[smem:$0x3FA9] =	sst s0;
	s0 =	simm.s32 @!p2 $0x0  }
0x16: {  	s3 =	sld [smem:$0x3FDB];
	s0 =	simm.s32 @p2 $0x1  }
0x17: {  	s4 =	simm.s32 $0x1BF5;
	[smem:$0x3FAB] =	sst s0  }
0x18: {  	s0 =	sld [smem:$0x3F8E];
	_ =	swait.ge [sflag:s4], $0x0  }
0x19: {  	s7 =	sld [smem:$0x3F8F]  }
0x1a: {  	s8 =	sadd.s32 $0xFFFFE003, lr  }
0x1b: {  	s9 =	sadd.s32 $0xFFFFFEF7, lr;
	s5 =	simm.s32 $0xFFFFFFFF;
	p2 =	slt.u32 s8, $0xFFFFF086  }
0x1c: {  	p1 =	slt.u32 s9, $0xF7A;
	s5 =	simm.s32 @!p2 $0x0  }
0x1d: {  	s5 =	simm.s32 @p1 $0x1;
	p0 =	seq.s32 s7, s2  }
0x1e: {  	s7 =	smul.u32 @!p0 $0xF7A, s2;
	p2 =	seq.s32 @!p0 s5, $0x0  }
0x1f: {  	s9 =	smul.u32 $0xF7A, s1;
	s8 =	simm.s32 @!p0 $0x1BF5;
	p2 =	por !p2, p0  }
0x20: {  	[sflag:s8] =	ssyncset.s32 @!p0 $0xFFFFF086;
	s6 =	sadd.s32 @!p0 s3, s7;
	s7 =	simm.s32 @!p0 $0x108  }
0x21: {  	s3 =	sadd.s32 s3, s9;
	s6 =	sadd.s32 @!p0 $0x88, s6;
	s7 =	simm.s32 @p2 $0x1082  }
0x22: {  	[simem:s7], [sflag:s8] =	dma.local @!p0 [hbm:s6], $0xF7A  }
0x23: {  	s9 =	sor.u32 $0xD0000000, s2;
	s6 =	simm.s32 $0x108;
	_ =	swait.ge @!p0 [sflag:s8], $0x0  }
0x24: {  	s3 =	sadd.s32 $0x88, s3;
	s6 =	simm.s32 @!p1 $0x1082;
	[sflag:s4] =	ssyncset.s32 $0xFFFFF086  }
0x25: {  	[simem:s6], [sflag:s4] =	dma.local [hbm:s3], $0xF7A  }
0x26: {  	[smem:$0x3F8F] =	sst s1;
	(tag) =	ssettag s2;
	_ =	strace s9  }
0x27: {  	s1 =	sld [smem:$0x3F9F]  }
0x28: {  	s2 =	sld [smem:$0x3FA0]  }
0x29: {  	s4 =	sld [smem:$0x3FA2]  }
0x2a: {  	p0 =	seq.s32 s5, $0x0;
	s5 =	sld [smem:$0x3FA3]  }
0x2b: {  	s6 =	sld [smem:$0x3FA4]  }
0x2c: {  	s7 =	sld [smem:$0x3FA5]  }
0x2d: {  	s3 =	simm.s32 $0x108;
	s8 =	sld [smem:$0x3FA6]  }
0x2e: {  	s3 =	simm.s32 @!p0 $0x1082;
	s9 =	sld [smem:$0x3FA7]  }
0x2f: {  	lr =	sadd.s32 s0, s3;
	s0 =	sld [smem:$0x3F9E]  }
0x30: {  	s3 =	sld [smem:$0x3FA1]  }
0x31: {  	[smem:$0x3FAA] =	sst s10  }
0x32: {  	s10 =	sld [smem:$0x3FA8];
	_ =	sdelay $0x3  }
0x33: {  	p0 =	seq.s32 s10, $0x1;
	s10 =	sld [smem:$0x3FAA];
	_ =	sdelay $0x3  }
0x34: {  	[smem:$0x3FAA] =	sst s10  }
0x35: {  	s10 =	sld [smem:$0x3FA9];
	_ =	sdelay $0x3  }
0x36: {  	p1 =	seq.s32 s10, $0x1;
	s10 =	sld [smem:$0x3FAA];
	_ =	sdelay $0x3  }
0x37: {  	[smem:$0x3FAA] =	sst s10  }
0x38: {  	s10 =	sld [smem:$0x3FAB]  }
0x39: {  	_ = 	snop;
	(pc) =	sbr.ind lr, $3  }
0x3a: {  	_ = 	snop  }
0x3b: {  	_ = 	snop  }
0x3c: {  	p2 =	seq.s32 s10, $0x1;
	s10 =	sld [smem:$0x3FAA]  }
0x3d: {  	_ =	shalt  }
0x3e: {  	_ =	shalt  }
0x3f: {  	_ =	shalt  }
0x40: {  	_ =	shalt  }
0x41: {  	_ =	shalt  }
0x42: {  	_ =	shalt  }
0x43: {  	_ =	shalt  }
0x44: {  	_ =	shalt  }
0x45: {  	_ =	shalt  }
0x46: {  	_ =	shalt  }
0x47: {  	_ =	shalt  }
0x48: {  	_ =	shalt  }
0x49: {  	_ =	shalt  }
0x4a: {  	_ =	shalt  }
0x4b: {  	_ =	shalt  }
0x4c: {  	_ =	shalt  }
0x4d: {  	_ =	shalt  }
0x4e: {  	_ =	shalt  }
0x4f: {  	_ =	shalt  }
0x50: {  	_ =	shalt  }
0x51: {  	_ =	shalt  }
0x52: {  	_ =	shalt  }
0x53: {  	_ =	shalt  }
0x54: {  	_ =	shalt  }
0x55: {  	_ =	shalt  }
0x56: {  	_ =	shalt  }
0x57: {  	_ =	shalt  }
0x58: {  	_ =	shalt  }
0x59: {  	_ =	shalt  }
0x5a: {  	_ =	shalt  }
0x5b: {  	_ =	shalt  }
0x5c: {  	_ =	shalt  }
0x5d: {  	_ =	shalt  }
0x5e: {  	_ =	shalt  }
0x5f: {  	_ =	shalt  }
0x60: {  	_ =	shalt  }
0x61: {  	_ =	shalt  }
0x62: {  	_ =	shalt  }
0x63: {  	_ =	shalt  }
0x64: {  	_ =	shalt  }
0x65: {  	_ =	shalt  }
0x66: {  	_ =	shalt  }
0x67: {  	_ =	shalt  }
0x68: {  	_ =	shalt  }
0x69: {  	_ =	shalt  }
0x6a: {  	_ =	shalt  }
0x6b: {  	_ =	shalt  }
0x6c: {  	_ =	shalt  }
0x6d: {  	_ =	shalt  }
0x6e: {  	_ =	shalt  }
0x6f: {  	_ =	shalt  }
0x70: {  	_ =	shalt  }
0x71: {  	_ =	shalt  }
0x72: {  	_ =	shalt  }
0x73: {  	_ =	shalt  }
0x74: {  	_ =	shalt  }
0x75: {  	_ =	shalt  }
0x76: {  	_ =	shalt  }
0x77: {  	_ =	shalt  }
0x78: {  	_ =	shalt  }
0x79: {  	_ =	shalt  }
0x7a: {  	_ =	shalt  }
0x7b: {  	_ =	shalt  }
0x7c: {  	_ =	shalt  }
0x7d: {  	_ =	shalt  }
0x7e: {  	_ =	shalt  }
0x7f: {  	_ =	shalt  }
0x80: {  	_ =	shalt  }
0x81: {  	_ =	shalt  }
0x82: {  	_ =	shalt  }
0x83: {  	_ =	shalt  }
0x84: {  	_ =	shalt  }
0x85: {  	_ =	shalt  }
0x86: {  	_ =	shalt  }
0x87: {  	_ =	shalt  }
.Lfunc_end0:
.L_simem_size_0:
called_computation.1_lowered:
.L_overlay_start_0:
0x88: {  	s0 =	sld [smem:$0x3FD9]  }
0x89: {  	s1 =	sld [smem:$0x3FFE];
	_ =	sdelay $0x3  }
0x8a: {  	s0 =	sadd.s32 s1, s0  }
0x8b: {  	[smem:$0x3FB6] =	sst s0  }
0x8c: {  	_ = 	snop  }
0x8d: {  	s0 =	sld [smem:$0x3FD0];
	_ =	sdelay $0x2  }
0x8e: {  	s12 =	simm.s32 $0xF;
	s2 =	simm.s32 $0x10  }
0x8f: {  	[smem:s2], [sflag:s12] =	dma.local [hbm:s0], $0x1  }
0x90: {  	_ =	swait.eq [sflag:s12], $0x1  }
0x91: {  	[sflag:s12] =	ssyncset.done $0x0  }
0x92: {  	[sflag:s12] =	ssyncadd.s32 $0xFFFFFFFF  }
0x93: {  	s13 =	sld [smem:$0x10];
	(tm) =	ssettm $0x1  }
0x94: {  	s14 =	sld [smem:$0x3FFB];
	_ =	sdelay $0x3  }
0x95: {  	_ =	strace s14  }
0x96: {  	s0 =	sld [smem:$0x3FFC];
	_ =	sdelay $0x3  }
0x97: {  	_ =	strace s0  }
0x98: {  	s0 =	sld [smem:$0x3FFD];
	_ =	sdelay $0x3  }
0x99: {  	_ =	strace s0  }
0x9a: {  	_ =	strace $0x8FFFFFFF  }
0x9b: {  	s15 =	sld [smem:$0x3FDB];
	_ =	sdelay $0x1  }
0x9c: {  	s16 =	simm.s32 $_scs_section_size  }
0x9d: {  	s3 =	simm.s32 $_size__tile_overlayer_lowered;
	s4 =	simm.s32 $_tile_overlayer_lowered  }
0x9e: {  	s5 =	simm.s32 $0x1BFF;
	s17 =	sshll.u32 s4, $0x1;
	s2 =	sadd.s32 s16, s15  }
0x9f: {  	s18 =	simm.s32 $0x0;
	s3 =	sshll.u32 s3, $0x1;
	s4 =	sadd.s32 s17, s2  }
0xa0: {  	[timem:s18], [sflag:s5] =	dma.local [hbm:s4], s3  }
0xa1: {  	_ =	swait.ge [sflag:s5], s3  }
0xa2: {  	s3 =	ssub.s32 $0x0, s3;
	[sflag:s5] =	ssyncset.done $0x0  }
0xa3: {  	[sflag:s5] =	ssyncadd.s32 s3;
	_ =	sdelay $0x1  }
0xa4: {  	s19 =	simm.s32 $0x1B8B  }
0xa5: {  	_ =	swait.ge [sflag:s19], $0x1  }
0xa6: {  	[sflag:s19] =	ssyncset.done $0x0  }
0xa7: {  	s21 =	simm.s32 $0x1B8E;
	s20 =	sld [smem:$0x3FFE];
	[sflag:s19] =	ssyncadd.s32 $0xFFFFFFFF  }
0xa8: {  	s22 =	simm.s32 $execute0_lowered;
	[smem:$0x3FD2] =	sst s21  }
0xa9: {  	s4 =	sshll.u32 s22, $0x1;
	_ =	strace $0x8000004F;
	[dreg:$0x1] =	wrdreg $0xFFFFFFFF  }
0xaa: {  	s23 =	simm.s32 $_size_execute0_lowered;
	s4 =	sadd.s32 s2, s4;
	[dreg:$0x0] =	wrdreg $0x0  }
0xab: {  	s5 =	sshll.u32 s23, $0x1;
	[dreg:$0x2] =	wrdreg s4  }
0xac: {  	[dreg:$0x3] =	wrdreg s5  }
0xad: {  	[dreg:$0x4] =	wrdreg $0xC0  }
0xae: {  	s24 =	simm.s32 $execute1_lowered;
	_ =	task [dreg:s18], $0x5FFFF  }
0xaf: {  	s4 =	sshll.u32 s24, $0x1;
	[dreg:$0x1] =	wrdreg $0xFFFFFFFF  }
0xb0: {  	s2 =	sadd.s32 s2, s4;
	[dreg:$0x0] =	wrdreg $0x60  }
0xb1: {  	[dreg:$0x2] =	wrdreg s2  }
0xb2: {  	[dreg:$0x3] =	wrdreg s13  }
0xb3: {  	[dreg:$0x4] =	wrdreg s20  }
0xb4: {  	[dreg:$0x5] =	wrdreg $0x9  }
0xb5: {  	_ =	task.clear_ibuf [dreg:s18], $0x6FFFF;
	_ =	strace $0x9000004F  }
0xb6: {  	s25 =	simm.s32 $0x9;
	_ =	strace $0x80000051  }
0xb7: {  	_ =	swait.ge [sflag:s25], $0x1  }
0xb8: {  	[sflag:s25] =	ssyncadd.s32 $0xFFFFFFFF  }
0xb9: {  	_ =	strace $0x90000051  }
0xba: {  	_ =	strace $0x80000052;
	[dreg:$0x1] =	wrdreg $0xFFFFFFFF  }
0xbb: {  	[dreg:$0x0] =	wrdreg $0x2030  }
0xbc: {  	[dreg:$0x2] =	wrdreg s20  }
0xbd: {  	[dreg:$0x3] =	wrdreg $0xA  }
0xbe: {  	_ =	task.clear_ibuf [dreg:s18], $0x4FFFF;
	_ =	strace $0x90000052  }
0xbf: {  	s26 =	simm.s32 $0xA;
	_ =	strace $0x80000054  }
0xc0: {  	_ =	swait.ge [sflag:s26], $0x1  }
0xc1: {  	[sflag:s26] =	ssyncadd.s32 $0xFFFFFFFF  }
0xc2: {  	_ =	strace $0x90000054  }
0xc3: {  	_ =	sfence  }
0xc4: {  	s28 =	sld [smem:$0x0];
	_ =	sdelay $0x1  }
0xc5: {  	s29 =	srdreg.scid  }
0xc6: {  	s30 =	sshll.u32 s29, $0xD;
	s31 =	sshrl.u32 s29, $0x2  }
0xc7: {  	s3 =	sand.u32 $0x4000, s30;
	s2 =	sand.u32 $0x1, s29;
	s1 =	sadd.s32 s31, s28  }
0xc8: {  	s2 =	sor.u32 s3, s2;
	s1 =	sshll.u32 s1, $0x11  }
0xc9: {  	s1 =	sor.u32 s1, s2  }
0xca: {  	s1 =	sadd.s32 $0x8F2B, s1  }
0xcb: {  	[sflag:s1] =	ssyncadd.remote.s32 $0x1  }
0xcc: {  	_ =	sfence.sel $0xFFFF  }
0xcd: {  	[dreg:$0x0] =	wrdreg $0xFFFFFFFF;
	(pc) =	sbr.abs _section_cstart, $3  }
0xce: {  	[dreg:$0x1] =	wrdreg $0xFFFFFFFF  }
0xcf: {  	_ =	task.clear_ibuf [dreg:s18], $0x2FFFF;
	_ =	strace $0x9FFFFFFF  }
0xd0: {  	(tm) =	ssettm $0x7FFFFFFF  }
0xd1: {  	_ =	shalt  }
tec
execute0_lowered:
.L_overlay_start_1:
0x0: {  	(tag) =	ssettag $0x1  }
0x1: {  	s2 =	rddreg [dreg:$0x0]  }
0x2: {  	s5 =	rddreg [dreg:$0x1]  }
0x3: {  	s4 =	rddreg [dreg:$0x2]  }
0x4: {  	s0 =	rddreg [dreg:$0x3];
	s3 =	stileid.u32  }
0x5: {  	[bflag:$0x3] =	sbarrier.arrive $0xFFFF;
	s1 =	simm.s32 $_size_execute1_lowered;
	p0 =	sne.s32 s3, $0x0  }
0x6: {  	s1 =	sshll.u32 s1, $0x1;
	s6 =	simm.s32 @!p0 $0x1C3F;
	s7 =	simm.s32 @!p0 $0x4060  }
0x7: {  	[timem:s7], [sflag:s6] =	dma.local @!p0 [hbm:s2], s1  }
.Ltmp0:
0x8: {  	s30 =	simm.s32 $0x2;
	s8 =	simm.s32 $0x12C0;
	(pc) =	sbr.rel .LBB2_1-.Ltmp0, $4  }
0x9: {  	s10 =	simm.s32 $0x0;
	s9 =	simm.s32 $0x0;
	s2 =	smul.u32 $0x640, s3  }
0xa: {  	s4 =	sadd.s32 $0x15200, s4;
	s3 =	simm.s32 $0x1;
	_ =	strace $0x80000050  }
0xb: {  	s6 =	simm.s32 $0x0;
	[sflag:s3] =	ssyncpa.u1 $0x0;
	s31 =	sshrl.u32 s2, $0x3  }
0xc: {  	s7 =	simm.s32 $0x640;
	[sflag:s30] =	ssyncpa.u1 $0x0;
	s5 =	sadd.s32 s31, s5  }
.LBB2_9:
0xd: {  	p1 =	seq.s32 s9, $0x2  }
.Ltmp1:
0xe: {  	_ = 	snop;
	(pc) =	sbr.rel @p1 .LBB2_11-.Ltmp1, $1  }
0xf: {  	_ =	sdelay $0x3  }
.LBB2_10:
0x10: {  	s9 =	sadd.s32 $0x1, s9;
	s10 =	smov.u32 s2  }
.LBB2_1:
0x11: {  	p1 =	sne.s32 s9, $0x0  }
.Ltmp2:
0x12: {  	_ = 	snop;
	(pc) =	sbr.rel @!p1 .LBB2_2-.Ltmp2, $1  }
0x13: {  	_ =	sdelay $0x3  }
0x14: {  	s11 =	sand.u32 $0x1, s9  }
0x15: {  	p1 =	seq.s32 s11, $0x0  }
.Ltmp3:
0x16: {  	_ = 	snop;
	(pc) =	sbr.rel @p1 .LBB2_9-.Ltmp3, $1  }
0x17: {  	_ =	sdelay $0x3  }
0x18: {  	_ =	swait.ge [sflag:s3], $0x640  }
0x19: {  	[sflag:s3] =	ssyncset.done $0x0  }
0x1a: {  	s16 =	simm.s32 $0x730;
	[sflag:s3] =	ssyncadd.s32 $0xFFFFF9C0  }
0x1b: {  	v0 =	vld [tilespmem:s16+$0x0]  }
0x1c: {  	v1 =	vld [tilespmem:s16+$0xFFFFFF20]  }
0x1d: {  	v2 =	vld [tilespmem:s16+$0xFFFFFF30]  }
0x1e: {  	v3 =	vld [tilespmem:s16+$0xFFFFFF40]  }
0x1f: {  	s11 =	simm.s32 $0x13B0;
	v4 =	vld [tilespmem:s16+$0xFFFFFF50]  }
0x20: {  	v5 =	vld [tilespmem:s16+$0xFFFFFF60];
	[tilespmem:s11+$0x0] =	vst v0  }
0x21: {  	[tilespmem:s11+$0xFFFFFF20] =	vst v1;
	v0 =	vld [tilespmem:s16+$0xFFFFFF70]  }
0x22: {  	[tilespmem:s11+$0xFFFFFF30] =	vst v2;
	v1 =	vld [tilespmem:s16+$0xFFFFFF80]  }
0x23: {  	[tilespmem:s11+$0xFFFFFF40] =	vst v3;
	v2 =	vld [tilespmem:s16+$0xFFFFFF90]  }
0x24: {  	[tilespmem:s11+$0xFFFFFF50] =	vst v4;
	v3 =	vld [tilespmem:s16+$0xFFFFFFA0]  }
0x25: {  	[tilespmem:s11+$0xFFFFFF60] =	vst v5;
	v5 =	vld [tilespmem:s16+$0xFFFFFFB0]  }
0x26: {  	[tilespmem:s11+$0xFFFFFF70] =	vst v0;
	v0 =	vld [tilespmem:s16+$0xFFFFFFC0]  }
0x27: {  	[tilespmem:s11+$0xFFFFFF80] =	vst v1;
	v1 =	vld [tilespmem:s16+$0xFFFFFFD0]  }
0x28: {  	[tilespmem:s11+$0xFFFFFF90] =	vst v2;
	v2 =	vld [tilespmem:s16+$0xFFFFFFE0]  }
0x29: {  	s15 =	simm.s32 $0x0;
	s12 =	simm.s32 $0x5F0;
	[tilespmem:s11+$0xFFFFFFA0] =	vst v3;
	v3 =	vld [tilespmem:s16+$0xFFFFFFF0]  }
0x2a: {  	s13 =	simm.s32 $0x18C0;
	s14 =	simm.s32 $0xC40;
	v4 =	vld [tilespmem:s16+$0xFFFFFF10];
	[tilespmem:s11+$0xFFFFFFB0] =	vst v5;
	s16 =	simm.s32 $0x830  }
.LBB2_5:
0x2b: {  	v5 =	vld [tilespmem:s16+$0x0];
	s15 =	sadd.s32 $0x100, s15;
	[tilespmem:s11+$0xFFFFFFC0] =	vst v0  }
0x2c: {  	v0 =	vld [tilespmem:s16+$0xFFFFFF20];
	p1 =	slt.u32 s15, $0x500;
	[tilespmem:s11+$0xFFFFFFD0] =	vst v1  }
0x2d: {  	v1 =	vld [tilespmem:s16+$0xFFFFFF30];
	[tilespmem:s11+$0xFFFFFFE0] =	vst v2  }
0x2e: {  	v2 =	vld [tilespmem:s16+$0xFFFFFF40];
	[tilespmem:s11+$0xFFFFFFF0] =	vst v3  }
0x2f: {  	v3 =	vld [tilespmem:s16+$0xFFFFFF50];
	[tilespmem:s11+$0xFFFFFF10] =	vst v4;
	s11 =	sadd.s32 $0x100, s11  }
0x30: {  	v4 =	vld [tilespmem:s16+$0xFFFFFF60];
	[tilespmem:s11+$0x0] =	vst v5  }
0x31: {  	[tilespmem:s11+$0xFFFFFF20] =	vst v0;
	v0 =	vld [tilespmem:s16+$0xFFFFFF70]  }
0x32: {  	[tilespmem:s11+$0xFFFFFF30] =	vst v1;
	v1 =	vld [tilespmem:s16+$0xFFFFFF80]  }
0x33: {  	[tilespmem:s11+$0xFFFFFF40] =	vst v2;
	v2 =	vld [tilespmem:s16+$0xFFFFFF90]  }
0x34: {  	[tilespmem:s11+$0xFFFFFF50] =	vst v3;
	v3 =	vld [tilespmem:s16+$0xFFFFFFA0]  }
0x35: {  	[tilespmem:s11+$0xFFFFFF60] =	vst v4;
	v5 =	vld [tilespmem:s16+$0xFFFFFFB0]  }
.Ltmp4:
0x36: {  	[tilespmem:s11+$0xFFFFFF70] =	vst v0;
	v0 =	vld [tilespmem:s16+$0xFFFFFFC0];
	(pc) =	sbr.rel @p1 .LBB2_5-.Ltmp4, $4  }
0x37: {  	[tilespmem:s11+$0xFFFFFF80] =	vst v1;
	v1 =	vld [tilespmem:s16+$0xFFFFFFD0]  }
0x38: {  	[tilespmem:s11+$0xFFFFFF90] =	vst v2;
	v2 =	vld [tilespmem:s16+$0xFFFFFFE0]  }
0x39: {  	[tilespmem:s11+$0xFFFFFFA0] =	vst v3;
	v3 =	vld [tilespmem:s16+$0xFFFFFFF0]  }
0x3a: {  	v4 =	vld [tilespmem:s16+$0xFFFFFF10];
	[tilespmem:s11+$0xFFFFFFB0] =	vst v5;
	s16 =	sadd.s32 $0x100, s16  }
0x3b: {  	[tilespmem:s11+$0xFFFFFFC0] =	vst v0  }
0x3c: {  	[tilespmem:s11+$0xFFFFFFD0] =	vst v1  }
0x3d: {  	[tilespmem:s11+$0xFFFFFFE0] =	vst v2  }
0x3e: {  	[tilespmem:s11+$0xFFFFFFF0] =	vst v3  }
0x3f: {  	[tilespmem:s11+$0xFFFFFF10] =	vst v4  }
.LBB2_7:
0x40: {  	s12 =	sadd.s32 $0x10, s12  }
0x41: {  	v0 =	vld [tilespmem:s14+$0x0];
	p1 =	slt.u32 s12, $0x630  }
.Ltmp5:
0x42: {  	_ = 	snop;
	(pc) =	sbr.rel @p1 .LBB2_7-.Ltmp5, $2  }
0x43: {  	_ =	sdelay $0x2  }
0x44: {  	s14 =	sadd.s32 $0x10, s14;
	[tilespmem:s13+$0x0] =	vst v0;
	s13 =	sadd.s32 $0x10, s13  }
.Ltmp6:
0x45: {  	(pc) =	sbr.rel .LBB2_9-.Ltmp6, $4  }
0x46: {  	_ = 	snop  }
0x47: {  	s10 =	sshrl.u32 s10, $0x3  }
0x48: {  	s10 =	sadd.s32 s4, s10  }
0x49: {  	[hbm4b:s10+s6] =	stream.linear.scatter [tilespmem:s8], [sflag:$0x2], $0x640, $0x38;
	[tilespmem:$0x1900] =	vst v63  }
.LBB2_2:
.Ltmp7:
0x4a: {  	(pc) =	sbr.rel .LBB2_10-.Ltmp7, $2  }
0x4b: {  	_ =	sdelay $0x2  }
0x4c: {  	[tilespmem:s7], [sflag:$0x1] =	stream.linear.gather [hbm4b:s5+s6], $0x640, $0x38;
	[tilespmem:$0x1900] =	vst v63  }
.LBB2_11:
0x4d: {  	s2 =	simm.s32 $0x2  }
0x4e: {  	_ =	swait.ge [sflag:s2], $0x640  }
0x4f: {  	[sflag:s2] =	ssyncset.done $0x0  }
0x50: {  	[sflag:s2] =	ssyncadd.s32 $0xFFFFF9C0  }
0x51: {  	_ =	sfence.sel $0x180000  }
0x52: {  	s3 =	simm.s32 $0x1;
	[bflag:$0x0] =	sbarrier.arrive $0xFFFF  }
0x53: {  	[sflag:s3] =	ssyncpa.u1 $0x1  }
0x54: {  	[sflag:s2] =	ssyncpa.u1 $0x1  }
0x55: {  	_ =	strace $0x90000050  }
0x56: {  	s0 =	sadd.s32 @!p0 $0x100000, s0;
	[bflag:$0x2] =	sbarrier.arrive $0xFFFF  }
0x57: {  	[sflag:s0] =	ssyncadd.tile.s32 @!p0 $0x1;
	s0 =	simm.s32 @!p0 $0x3F  }
0x58: {  	_ =	swait.ge @!p0 [sflag:s0], s1  }
0x59: {  	s1 =	ssub.s32 @!p0 $0x0, s1;
	[sflag:s0] =	ssyncset.done @!p0 $0x0  }
0x5a: {  	[sflag:s0] =	ssyncadd.s32 @!p0 s1  }
0x5b: {  	[bflag:$0x3] =	sbarrier.arrive $0xFFFF  }
0x5c: {  	_ =	shalt  }
.Lfunc_end2:
execute1_lowered:
.L_overlay_start_2:
0x5d: {  	(tag) =	ssettag $0x2  }
0x5e: {  	s0 =	rddreg [dreg:$0x0];
	_ =	strace $0x80000053;
	s3 =	simm.s32 $0x1  }
0x5f: {  	v1 =	vimm.s32 $0xFFFFFFFF;
	[sflag:s3] =	ssyncpa.u1 $0x0  }
0x60: {  	[tilespmem:$0x10] =	vst v1  }
0x61: {  	v0 =	vimm.f32 $0.0e+00;
	[tilespmem:$0x20] =	vst v1  }
0x62: {  	[tilespmem:$0x30] =	vst v0  }
0x63: {  	s2 =	simm.s32 $0x2;
	s26 =	stileid.u32;
	s5 =	simm.s32 $0x7;
	[tilespmem:$0x40] =	vst v0  }
0x64: {  	s7 =	simm.s32 $0x8;
	s31 =	simm.s32 $0x9;
	s14 =	simm.s32 $0x0;
	[tilespmem:$0x50] =	vst v0  }
0x65: {  	s15 =	simm.s32 $0x100;
	s18 =	simm.s32 $0x10;
	s19 =	simm.s32 $0xE200;
	[tilespmem:$0x60] =	vst v1  }
0x66: {  	s20 =	simm.s32 $0xF;
	s21 =	simm.s32 $0x50;
	s22 =	simm.s32 $0x64FF;
	[tilespmem:$0x70] =	vst v1  }
0x67: {  	s23 =	simm.s32 $0x20;
	s24 =	simm.s32 $0x30;
	s25 =	simm.s32 $0xC8FF;
	[tilespmem:$0x80] =	vst v1  }
0x68: {  	s30 =	simm.s32 $0x0;
	s29 =	simm.s32 $0x0;
	s6 =	smul.u32 $0x1900, s26;
	v1 =	vimm.s32 $0x0;
	[tilespmem:$0xB0] =	vst v0  }
.Ltmp8:
0x69: {  	s1 =	sadd.s32 $0x15200, s0;
	s4 =	sadd.s32 $0x36C00, s0;
	[tilespmem:$0x90] =	vst v1;
	(pc) =	sbr.rel .LBB3_1-.Ltmp8, $4  }
0x6a: {  	s8 =	sadd.s32 $0x39E00, s0;
	s10 =	sshll.u32 s26, $0x1;
	[tilespmem:$0xA0] =	vst v1;
	[sflag:s2] =	ssyncpa.u1 $0x0  }
0x6b: {  	s12 =	sshllo.u32 s26, $0x1;
	s26 =	simm.s32 $0x80;
	[sflag:s5] =	ssyncpa.u1 $0x0  }
0x6c: {  	vm0 =	vmmov $0xffff;
	v2 =	vlaneseq.u32;
	s11 =	sor.u32 $0x81, s10;
	s13 =	sor.u32 $0x80, s10;
	[sflag:s7] =	ssyncpa.u1 $0x0  }
0x6d: {  	vm1 =	vmxor vm1, vm1;
	vm2 =	vmmov $0x1;
	vm3 =	vcmask $0x3F3C;
	s9 =	sadd.s32 $0x1900, s6;
	s28 =	smov.u32 s6;
	[sflag:s31] =	ssyncpa.u1 $0x0  }
.LBB3_3:
0x6e: {  	s0 =	sshrl.u32 s28, $0x3  }
0x6f: {  	s2 =	sand.u32 $0x7, s28;
	s0 =	sadd.s32 s4, s0  }
0x70: {  	[tilespmem:s15], [sflag:$0x7] =	stream.linear.gather [hbm4b:s0+s2], $0x1900, $0x38;
	[tilespmem:$0xE220] =	vst v63  }
.LBB3_4:
0x71: {  	s0 =	sadd.s32 $0x1900, s28  }
0x72: {  	s2 =	smov.u32 s6;
	s29 =	sadd.s32 $0x1, s29;
	p0 =	slt.s32 s0, s9  }
0x73: {  	s2 =	smov.u32 @p0 s0;
	p0 =	sne.s32 s29, $0x4  }
.Ltmp9:
0x74: {  	_ = 	snop;
	(pc) =	sbr.rel @!p0 .LBB3_13-.Ltmp9, $2  }
0x75: {  	_ =	sdelay $0x2  }
0x76: {  	s30 =	smov.u32 s28;
	s28 =	smov.u32 s2  }
.LBB3_1:
0x77: {  	p0 =	sgt.s32 s29, $0x1  }
.Ltmp10:
0x78: {  	_ = 	snop;
	(pc) =	sbr.rel @p0 .LBB3_11-.Ltmp10, $1  }
0x79: {  	_ =	sdelay $0x3  }
0x7a: {  	p0 =	seq.s32 s29, $0x0  }
.Ltmp11:
0x7b: {  	_ = 	snop;
	(pc) =	sbr.rel @p0 .LBB3_3-.Ltmp11, $1  }
0x7c: {  	_ =	sdelay $0x3  }
0x7d: {  	_ =	swait.ge [sflag:s5], $0x1900  }
0x7e: {  	[sflag:s5] =	ssyncset.done $0x0  }
0x7f: {  	[sflag:s5] =	ssyncadd.s32 $0xFFFFE700;
	(ifvalue) =	ssetifvalue $0xFFFFFFFF;
	v3 =	vld.msk [tilespmem:s15+$0x0 ss:$0x1], $0xffff;
	_ =	sdelay $0x4  }
0x80: {  	v4 =	vperm.xlane v3, v1  }
0x81: {  	vm4 =	vlt.u32 v3, $0x6400  }
0x82: {  	v3 =	vnsel vm4, $0xFFFFFFFE, v3;
	vm4 =	vlt.u32 v4, $0x6400  }
0x83: {  	[tilespmem:$0x70] =	vst v3;
	v3 =	vnsel vm4, $0xFFFFFFFE, v4  }
0x84: {  	s17 =	simm.s32 $0x19F0;
	[tilespmem:$0x80] =	vst v3  }
0x85: {  	v3 =	vld.msk [tilespmem:s17+$0x0 ss:$0x1], $0xffff;
	_ =	sdelay $0x4  }
0x86: {  	(xrf1) =	vunique.msk.u32 $0xffff, v3;
	_ =	sdelay $0xd  }
0x87: {  	v4 =	vimm.s32 $0xFFFFFFFF;
	v5, _, _ =	vpop (xrf1)  }
0x88: {  	vm5 =	vne.s32 v3, v4;
	vm4 =	veq.s32 v5, v2  }
0x89: {  	vm6 =	vlt.u32 v3, $0x6400;
	vm4 =	vmand vm5, vm4  }
0x8a: {  	vm4 =	vmand vm6, vm4  }
0x8b: {  	v4 =	vnsel vm4, $0xFFFFFFFF, v3;
	_ =	sdelay $0x3  }
0x8c: {  	s0 =	simm.s32 $0x64F0;
	(ifvalue) =	ssetifvalue $0xFFFFFFFF  }
0x8d: {  	v3 =	vperm.xlane v3, v1;
	[tilespmem:s0], [sflag:$0x8] =	stream.indirect_vreg.gather [hbm4b:s1+s14], $0x1, v4, vm0, $0x4038;
	v4 =	vnsel vm6, $0xFFFFFFFE, v4;
	[tilespmem:$0xE220] =	vst v63  }
0x8e: {  	s2 =	simm.s32 $0x0;
	s16 =	simm.s32 $0x19E0;
	[tilespmem:s17+$0x0] =	vst v4  }
.LBB3_6:
0x8f: {  	v4 =	vld.msk [tilespmem:s16+$0x0 ss:$0x1], $0xffff;
	s2 =	sadd.s32 $0x10, s2;
	v5 =	vmov v3;
	s17 =	smov.u32 s16  }
0x90: {  	p0 =	slt.u32 s2, $0x18F0;
	_ =	sdelay $0x4  }
0x91: {  	v3 =	vperm.xlane v4, v1;
	(xrf1) =	vunique.msk.u32 $0xffff, v4;
	_ =	sdelay $0xd  }
0x92: {  	v6, _, _ =	vpop (xrf1)  }
0x93: {  	vm5 =	vne.s32 v4, v5;
	vm4 =	veq.s32 v6, v2  }
0x94: {  	vm6 =	vlt.u32 v4, $0x6400;
	vm4 =	vmand vm5, vm4  }
0x95: {  	vm4 =	vmand vm6, vm4  }
0x96: {  	v4 =	vnsel vm4, $0xFFFFFFFF, v4  }
.Ltmp12:
0x97: {  	v5 =	vnsel vm6, $0xFFFFFFFE, v4;
	(pc) =	sbr.rel @p0 .LBB3_6-.Ltmp12, $3  }
0x98: {  	_ =	sdelay $0x1  }
0x99: {  	s16 =	sadd.s32 $0xFFFFFFF0, s16;
	s0 =	sadd.s32 $0xFFFFFFF0, s0;
	(ifvalue) =	ssetifvalue $0xFFFFFFFF  }
0x9a: {  	[tilespmem:s0], [sflag:$0x8] =	stream.indirect_vreg.gather [hbm4b:s1+s14], $0x1, v4, vm0, $0x4038;
	[tilespmem:s17+$0x0] =	vst v5  }
.Ltmp13:
0x9b: {  	(pc) =	sbr.rel .LBB3_4-.Ltmp13, $4  }
0x9c: {  	_ = 	snop  }
0x9d: {  	s0 =	sshrl.u32 s30, $0x3  }
0x9e: {  	s2 =	simm.s32 $0x7E00;
	s0 =	sadd.s32 s8, s0  }
0x9f: {  	[tilespmem:s2], [sflag:$0x8] =	stream.linear.gather [hbm:s0], $0x1900, $0x38;
	[tilespmem:$0xE220] =	vst v63  }
.LBB3_11:
0xa0: {  	p0 =	seq.s32 s29, $0x2  }
.Ltmp14:
0xa1: {  	_ = 	snop;
	(pc) =	sbr.rel @!p0 .LBB3_12-.Ltmp14, $1  }
0xa2: {  	_ =	sdelay $0x3  }
0xa3: {  	_ =	swait.ge [sflag:s7], $0x3200  }
0xa4: {  	[sflag:s7] =	ssyncset.done $0x0  }
0xa5: {  	s0 =	simm.s32 $0x19FF;
	[sflag:s7] =	ssyncadd.s32 $0xFFFFCE00  }
0xa6: {  	[spmem:s11] =	stream.linear.scatter [tilespmem:s0], [sflag:$0x1], $0x1, $0x38;
	[tilespmem:$0xE220] =	vst v63  }
0xa7: {  	_ =	swait.ge [sflag:s3], $0x1  }
0xa8: {  	[sflag:s3] =	ssyncset.done $0x0  }
0xa9: {  	[sflag:s3] =	ssyncadd.s32 $0xFFFFFFFF  }
0xaa: {  	v4 =	vld [tilespmem:$0x10]  }
0xab: {  	v5 =	vld [tilespmem:$0x70]  }
0xac: {  	v3 =	vld [tilespmem:$0x80];
	_ =	sdelay $0x2  }
0xad: {  	(v2sf) =	vpush v4, $0x0  }
0xae: {  	(v2sf) =	vpush v5, $0x0  }
0xaf: {  	(v2sf) =	vpush v3, $0x0;
	_ =	sdelay $0xc  }
0xb0: {  	s16 =	spop (v2sf)  }
0xb1: {  	s2 =	spop (v2sf)  }
0xb2: {  	s30 =	spop (v2sf)  }
0xb3: {  	p0 =	seq.s32 s16, s2;
	p1 =	seq.s32 s30, s16  }
0xb4: {  	p1 =	por p0, p1  }
0xb5: {  	v4 =	vpsel p1, $0xFFFFFFFF, v4  }
0xb6: {  	[tilespmem:s18+$0x0] =	vst.msk $0x1, v4  }
0xb7: {  	v4 =	vld [tilespmem:$0x30]  }
0xb8: {  	v5 =	vld [tilespmem:$0x7E00]  }
0xb9: {  	v6 =	vld [tilespmem:$0x40];
	_ =	sdelay $0x3  }
0xba: {  	vm4 =	vmmov vm1;
	v5 =	vadd.f32 v5, v4  }
0xbb: {  	vm5 =	vmmov vm2;
	s31 =	simm.s32 $0x7E00;
	vm4 =	vmmov @p0 vm2;
	v4 =	vadd.f32 v6, v4  }
0xbc: {  	vm5 =	vmmov @p1 vm1;
	[tilespmem:s31+$0x0] =	vst.msk vm4, v5  }
0xbd: {  	[tilespmem:s19+$0x0] =	vst.msk vm5, v4  }
0xbe: {  	v4 =	vld [tilespmem:$0x64F0];
	_ =	sdelay $0x3  }
0xbf: {  	v5 =	vimm.f32 $0.0e+00  }
0xc0: {  	v4 =	vshift.insert v4, v5, s20;
	_ =	sdelay $0x1  }
0xc1: {  	[tilespmem:s21+$0x0] =	vst.msk $0x1, v4  }
0xc2: {  	[tilespmem:s22+$0x0] =	vst.msk $0x1, v5  }
0xc3: {  	v4 =	vld [tilespmem:$0x19F0];
	_ =	sdelay $0x4  }
0xc4: {  	v4 =	vshift.insert v4, v1, s20;
	_ =	sdelay $0x1  }
0xc5: {  	[tilespmem:s23+$0x0] =	vst.msk $0x1, v4  }
0xc6: {  	s17 =	simm.s32 $0x100;
	v6 =	vld [tilespmem:s31+$0x0]  }
0xc7: {  	v7 =	vld [tilespmem:s17+$0x0];
	_ =	sdelay $0x3  }
0xc8: {  	v5 =	vadd.f32 v6, v5  }
0xc9: {  	vm4 =	vne.s32 v7, $0xFFFFFFFF  }
0xca: {  	(xrf2) =	vadd.seg.scan.f32 vm4, v5;
	_ =	sdelay $0x3  }
0xcb: {  	s0 =	simm.s32 $0x4C00;
	v5 =	vperm.xlane v4, v1  }
0xcc: {  	v6 =	vld [tilespmem:s0+$0x0]  }
0xcd: {  	vm5 =	veq.s32 v7, v3;
	vm6 =	veq.s32 v7, v5  }
0xce: {  	vm7 =	vgt.u32 v7, $0xFFFFFFFD;
	vm6 =	vmor vm6, vm5  }
0xcf: {  	vm6 =	vmor vm6, vm7  }
0xd0: {  	v9 =	vld [tilespmem:$0xA0];
	v7 =	vsel vm6, $0xFFFFFFFF, v7  }
0xd1: {  	v10 =	vld [tilespmem:$0x90];
	v6 =	vsel vm5, $0x0, v6;
	v8, _, _ =	vpop (xrf2)  }
0xd2: {  	v6 =	vadd.f32 v8, v6  }
0xd3: {  	s2 =	simm.s32 $0xB000  }
0xd4: {  	vm4 =	vmand vm4, vm3;
	[tilespmem:s2+$0x0] =	vst v6;
	(ifvalue) =	ssetifvalue $0xFFFFFFFF  }
0xd5: {  	vm6 =	veq.s32 v9, $0x1;
	[hbm4b:s1+s14] =	stream.indirect_vreg.scatter [tilespmem:s2], [sflag:$0x2], $0x1, v7, vm0, $0x4038;
	v7 =	vsel vm4, $0x0, v8;
	[tilespmem:$0xE220] =	vst v63  }
0xd6: {  	s16 =	simm.s32 $0x0;
	s17 =	simm.s32 $0x110;
	vm4 =	vmor vm6, vm5;
	v6 =	vsel vm5, v8, v10;
	v7 =	vshift.insert v7, v0, s20  }
.LBB3_9:
0xd7: {  	v8 =	vld [tilespmem:s17+$0x0];
	s31 =	sadd.s32 $0x10, s31  }
0xd8: {  	s0 =	sadd.s32 $0x10, s0;
	v9 =	vld [tilespmem:s31+$0x0]  }
0xd9: {  	s16 =	sadd.s32 $0x10, s16;
	v10 =	vld [tilespmem:s0+$0x0]  }
0xda: {  	p0 =	slt.u32 s16, $0x18F0;
	_ =	sdelay $0x2  }
0xdb: {  	v7 =	vadd.f32 v9, v7  }
0xdc: {  	vm5 =	vne.s32 v8, $0xFFFFFFFF  }
0xdd: {  	vm6 =	vmand vm5, vm3;
	(xrf2) =	vadd.seg.scan.f32 vm5, v7;
	_ =	sdelay $0x5  }
0xde: {  	vm7 =	veq.s32 v8, v5;
	vm5 =	veq.s32 v8, v3  }
0xdf: {  	vm8 =	vgt.u32 v8, $0xFFFFFFFD;
	vm4 =	vmor vm4, vm5;
	vm7 =	vmor vm7, vm5  }
0xe0: {  	vm7 =	vmor vm7, vm8  }
0xe1: {  	v8 =	vsel vm7, $0xFFFFFFFF, v8  }
.Ltmp15:
0xe2: {  	v7 =	vsel vm5, $0x0, v10;
	v9, _, _ =	vpop (xrf2);
	(pc) =	sbr.rel @p0 .LBB3_9-.Ltmp15, $4  }
0xe3: {  	v6 =	vsel vm5, v9, v6;
	v10 =	vadd.f32 v9, v7;
	v7 =	vsel vm6, $0x0, v9  }
0xe4: {  	s2 =	sadd.s32 $0x10, s2;
	v7 =	vshift.insert v7, v0, s20  }
0xe5: {  	s17 =	sadd.s32 $0x10, s17;
	[tilespmem:s2+$0x0] =	vst v10;
	(ifvalue) =	ssetifvalue $0xFFFFFFFF  }
0xe6: {  	[hbm4b:s1+s14] =	stream.indirect_vreg.scatter [tilespmem:s2], [sflag:$0x2], $0x1, v8, vm0, $0x4038;
	[tilespmem:$0xE220] =	vst v63  }
0xe7: {  	v3 =	vld [tilespmem:$0xC8F0];
	_ =	sdelay $0x4  }
0xe8: {  	v3 =	vshift.insert v3, v0, s20;
	_ =	sdelay $0x1  }
0xe9: {  	[tilespmem:s24+$0x0] =	vst.msk $0x1, v3  }
0xea: {  	v3 =	vsel vm4, $0x1, v1;
	[tilespmem:$0x90] =	vst v6  }
0xeb: {  	[tilespmem:$0xA0] =	vst v3  }
0xec: {  	[spmem:s12] =	stream.linear.scatter [tilespmem:s25], [sflag:$0x1], $0x1, $0x38;
	[tilespmem:$0xE220] =	vst v63  }
0xed: {  	v3 =	vmctz.xlane vm4;
	_ =	swait.ge [sflag:s3], $0x1  }
0xee: {  	(v2sf) =	vpush v4, $0x0  }
0xef: {  	(v2sf) =	vpush v3, $0x0;
	_ =	sdelay $0xd  }
0xf0: {  	s0 =	spop (v2sf)  }
0xf1: {  	s2 =	spop (v2sf)  }
0xf2: {  	[sflag:s3] =	ssyncset.done $0x0;
	p0 =	sne.s32 s30, s0;
	p1 =	slt.s32 s2, $0xF  }
0xf3: {  	[sflag:s3] =	ssyncadd.s32 $0xFFFFFFFF;
	v3 =	vimm.s32 @!p0 $0xFFFFFFFF;
	s2 =	simm.s32 @!p1 $0xF  }
0xf4: {  	[tilespmem:$0x80] =	vst @!p0 v3;
	s31 =	sadd.s32 $0x90, s2  }
0xf5: {  	[spmem:s10] =	stream.linear.scatter [tilespmem:s31], [sflag:$0x1], $0x1, $0x38;
	[tilespmem:$0xE220] =	vst v63  }
0xf6: {  	_ =	swait.ge [sflag:s3], $0x1  }
0xf7: {  	[sflag:s3] =	ssyncset.done $0x0  }
0xf8: {  	[sflag:s3] =	ssyncadd.s32 $0xFFFFFFFF  }
0xf9: {  	[spmem:s13] =	stream.linear.scatter [tilespmem:s26], [sflag:$0x1], $0x1, $0x38;
	[tilespmem:$0xE220] =	vst v63  }
0xfa: {  	_ =	swait.ge [sflag:s3], $0x1  }
0xfb: {  	[sflag:s3] =	ssyncset.done $0x0  }
0xfc: {  	[sflag:s3] =	ssyncadd.s32 $0xFFFFFFFF;
	(ifvalue) =	ssetifvalue $0xFFFFFFFF;
	v3 =	vld [tilespmem:$0x10];
	_ =	sdelay $0x3  }
.Ltmp16:
0xfd: {  	_ = 	snop;
	(pc) =	sbr.rel .LBB3_4-.Ltmp16, $3  }
0xfe: {  	_ =	sdelay $0x1  }
0xff: {  	(ifvalue) =	ssetifvalue $0xFFFFFFFF  }
0x100: {  	[hbm4b:s1+s14] =	stream.indirect_vreg.scatter [tilespmem:s19], [sflag:$0x9], $0x1, v3, vm0, $0x4038;
	[tilespmem:$0xE220] =	vst v63  }
.LBB3_12:
0x101: {  	s0 =	simm.s32 $0x2  }
0x102: {  	_ =	swait.ge [sflag:s0], $0x1900  }
0x103: {  	[sflag:s0] =	ssyncset.done $0x0  }
0x104: {  	s31 =	simm.s32 $0x9;
	[sflag:s0] =	ssyncadd.s32 $0xFFFFE700  }
0x105: {  	_ =	swait.ge [sflag:s31], $0x10  }
0x106: {  	[sflag:s31] =	ssyncset.done $0x0  }
0x107: {  	[sflag:s31] =	ssyncadd.s32 $0xFFFFFFF0  }
.LBB3_13:
0x108: {  	_ =	sfence.sel $0x180000  }
0x109: {  	s0 =	simm.s32 $0x7;
	[bflag:$0x0] =	sbarrier.arrive $0xFFFF  }
0x10a: {  	s26 =	simm.s32 $0x8;
	[sflag:s0] =	ssyncpa.u1 $0x1  }
0x10b: {  	s28 =	simm.s32 $0x9;
	[sflag:s26] =	ssyncpa.u1 $0x1  }
0x10c: {  	[sflag:s28] =	ssyncpa.u1 $0x1  }
0x10d: {  	_ =	sfence.stream.spmem  }
0x10e: {  	s29 =	simm.s32 $0x3;
	[bflag:$0x0] =	sbarrier.arrive $0xFFFF  }
0x10f: {  	s30 =	simm.s32 $0x4;
	[sflag:s29] =	ssyncpa.u1 $0x1  }
0x110: {  	s31 =	simm.s32 $0x3C;
	s2 =	stileid.u32;
	[sflag:s30] =	ssyncpa.u1 $0x1  }
0x111: {  	p0 =	sne.s32 s2, $0x0;
	[sflag:s31] =	ssyncpa.u1 $0x1  }
0x112: {  	s0 =	simm.s32 @p0 $0x1;
	_ =	sfence @p0  }
0x113: {  	[sflag:s0] =	ssyncpa.u1 @p0 $0x1;
	s0 =	simm.s32 @p0 $0x2  }
0x114: {  	[sflag:s0] =	ssyncpa.u1 @p0 $0x1  }
0x115: {  	_ =	strace @p0 $0x90000053  }
0x116: {  	[bflag:$0x2] =	sbarrier.arrive @p0 $0xFFFF  }
0x117: {  	_ =	shalt @p0  }
.LBB3_14:
0x118: {  	_ =	sfence.stream.spmem;
	s0 =	simm.s32 $0x5  }
0x119: {  	s2 =	simm.s32 $0x80;
	s3 =	simm.s32 $0xC0;
	[sflag:s0] =	ssyncpa.u1 $0x0  }
0x11a: {  	[tilespmem:s3], [sflag:$0x5] =	stream.linear.gather [spmem:s2], $0x20, $0x38;
	[tilespmem:$0xE220] =	vst v63  }
0x11b: {  	s2 =	simm.s32 $0x0;
	s3 =	simm.s32 $0xE0  }
0x11c: {  	[tilespmem:s3], [sflag:$0x5] =	stream.linear.gather [spmem:s2], $0x20, $0x38;
	[tilespmem:$0xE220] =	vst v63  }
.Ltmp17:
0x11d: {  	_ = 	snop;
	(pc) =	sbr.rel .LBB3_15-.Ltmp17, $4  }
0x11e: {  	_ =	swait.ge [sflag:s0], $0x40  }
0x11f: {  	[sflag:s0] =	ssyncset.done $0x0  }
0x120: {  	s31 =	simm.s32 $0x6;
	[sflag:s0] =	ssyncadd.s32 $0xFFFFFFC0  }
0x121: {  	s4 =	simm.s32 $0x0;
	[sflag:s31] =	ssyncpa.u1 $0x0  }
.LBB3_20:
0x122: {  	p0 =	sgt.u32 s0, $0x63FF  }
0x123: {  	s5 =	sshrl.u32 @!p0 s0, $0x3  }
0x124: {  	s0 =	sand.u32 @!p0 $0x7, s0;
	s6 =	simm.s32 @!p0 $0xB0;
	s5 =	sadd.s32 @!p0 s1, s5  }
0x125: {  	[tilespmem:s6], [sflag:$0x6] =	stream.linear.gather @!p0 [hbm4b:s5+s0], $0x1, $0x38;
	[tilespmem:$0xE220] =	vst v63  }
0x126: {  	s0 =	simm.s32 @!p0 $0x6  }
0x127: {  	_ =	swait.ge @!p0 [sflag:s0], $0x1  }
0x128: {  	[sflag:s0] =	ssyncset.done @!p0 $0x0  }
0x129: {  	[sflag:s0] =	ssyncadd.s32 @!p0 $0xFFFFFFFF  }
0x12a: {  	v2 =	vmov @!p0 s4;
	v1 =	vld.msk @!p0 [tilespmem:$0xB0], $0x1;
	_ =	sdelay $0x3  }
0x12b: {  	s0 =	simm.s32 @!p0 $0xE0  }
0x12c: {  	[tilespmem:v2+s0+$0x0], v1 =	vst.idx.ret.add.f32.msk @!p0 $0x1, v1  }
0x12d: {  	[tilespmem:s2+$0xC0] =	vst.msk $0x1, v0  }
0x12e: {  	v0 =	vld.msk [tilespmem:s4+$0xE0], $0x1;
	_ =	sdelay $0x4  }
0x12f: {  	[tilespmem:s2+$0xE0] =	vst.msk $0x1, v0;
	s2 =	sadd.s32 $0x1, s2  }
.LBB3_22:
0x130: {  	s4 =	sadd.s32 $0x1, s4  }
0x131: {  	p0 =	sne.s32 s4, $0x20  }
.Ltmp18:
0x132: {  	_ = 	snop;
	(pc) =	sbr.rel @!p0 .LBB3_23-.Ltmp18, $1  }
0x133: {  	_ =	sdelay $0x3  }
.LBB3_15:
0x134: {  	v0 =	vld.msk [tilespmem:s4+$0xC0], $0x1;
	_ =	sdelay $0x4  }
0x135: {  	(v2sf) =	vpush v0, $0x0;
	_ =	sdelay $0xe  }
0x136: {  	s0 =	spop (v2sf)  }
0x137: {  	p0 =	seq.s32 s0, $0xFFFFFFFF  }
.Ltmp19:
0x138: {  	_ = 	snop;
	(pc) =	sbr.rel @p0 .LBB3_22-.Ltmp19, $1  }
0x139: {  	_ =	sdelay $0x3  }
0x13a: {  	p0 =	slt.s32 s2, $0x1  }
.Ltmp20:
0x13b: {  	_ = 	snop;
	(pc) =	sbr.rel @p0 .LBB3_20-.Ltmp20, $1  }
0x13c: {  	_ =	sdelay $0x3  }
0x13d: {  	s5 =	simm.s32 $0xC0;
	p0 =	por $0x0, $0x0  }
0x13e: {  	v1 =	vld.msk @!p0 [tilespmem:s5+$0x0], $0x1;
	_ =	sdelay $0x4  }
0x13f: {  	(v2sf) =	vpush @!p0 v1, $0x0;
	_ =	sdelay $0xd  }
0x140: {  	p2 =	sne.s32 s2, $0x1  }
.Ltmp21:
0x141: {  	s6 =	spop @!p0 (v2sf);
	(pc) =	sbr.rel @!p2 .LBB3_19-.Ltmp21, $4  }
0x142: {  	p1 =	seq.s32 @!p0 s0, s6  }
0x143: {  	s6 =	simm.s32 $0x0;
	p1 =	por !p1, p0  }
0x144: {  	s8 =	simm.s32 $0xFFFFFFFF;
	s6 =	simm.s32 @p1 $0xFFFFFFFF  }
0x145: {  	s7 =	simm.s32 $0x1;
	s6 =	smov.u32 @p0 s8  }
.LBB3_18:
0x146: {  	s8 =	smov.u32 s6;
	p0 =	sne.s32 s6, $0xFFFFFFFF  }
0x147: {  	s5 =	sadd.s32 $0x1, s5;
	s6 =	smov.u32 s7;
	s7 =	sadd.s32 $0x1, s7  }
0x148: {  	p1 =	sne.s32 s2, s7;
	v1 =	vld.msk @!p0 [tilespmem:s5+$0x0], $0x1;
	_ =	sdelay $0x4  }
0x149: {  	(v2sf) =	vpush @!p0 v1, $0x0;
	_ =	sdelay $0xe  }
.Ltmp22:
0x14a: {  	s9 =	spop @!p0 (v2sf);
	(pc) =	sbr.rel @p1 .LBB3_18-.Ltmp22, $4  }
0x14b: {  	p2 =	seq.s32 @!p0 s0, s9  }
0x14c: {  	p2 =	por !p2, p0  }
0x14d: {  	s6 =	simm.s32 @p2 $0xFFFFFFFF  }
0x14e: {  	s6 =	smov.u32 @p0 s8  }
.LBB3_19:
0x14f: {  	p0 =	sne.s32 s6, $0xFFFFFFFF  }
.Ltmp23:
0x150: {  	_ = 	snop;
	(pc) =	sbr.rel @!p0 .LBB3_20-.Ltmp23, $1  }
0x151: {  	_ =	sdelay $0x3  }
0x152: {  	v0 =	vld.msk [tilespmem:s4+$0xE0], $0x1;
	v1 =	vmov s6  }
.Ltmp24:
0x153: {  	_ = 	snop;
	(pc) =	sbr.rel .LBB3_22-.Ltmp24, $2  }
0x154: {  	_ =	sdelay $0x2  }
0x155: {  	[tilespmem:v1+s3+$0x0], v0 =	vst.idx.ret.add.f32.msk $0x1, v0  }
.LBB3_23:
0x156: {  	p0 =	slt.s32 s2, $0x1  }
.Ltmp25:
0x157: {  	_ = 	snop;
	(pc) =	sbr.rel @p0 .LBB3_27-.Ltmp25, $3  }
0x158: {  	_ =	sdelay $0x1  }
0x159: {  	s0 =	simm.s32 $0x6  }
0x15a: {  	[sflag:s0] =	ssyncpa.u1 $0x1;
	s0 =	simm.s32 $0x0  }
0x15b: {  	s3 =	simm.s32 $0xC0  }
0x15c: {  	v0 =	vld.msk [tilespmem:s3+$0x0], $0x1;
	_ =	sdelay $0x4  }
0x15d: {  	(v2sf) =	vpush v0, $0x0;
	_ =	sdelay $0xe  }
0x15e: {  	s2 =	sadd.s32 $0xFFFFFFFF, s2;
	s4 =	spop (v2sf)  }
0x15f: {  	p1 =	sne.s32 s2, $0x0;
	p0 =	sgt.u32 s4, $0x63FF  }
.Ltmp26:
0x160: {  	s5 =	sshrl.u32 @!p0 s4, $0x3;
	(pc) =	sbr.rel @!p1 .LBB3_26-.Ltmp26, $4  }
0x161: {  	s3 =	simm.s32 $0xE0;
	s4 =	sand.u32 @!p0 $0x7, s4;
	s5 =	sadd.s32 @!p0 s1, s5  }
0x162: {  	[hbm4b:s5+s4] =	stream.linear.scatter @!p0 [tilespmem:s3], [sflag:$0x5], $0x1, $0x38;
	[tilespmem:$0xE220] =	vst v63  }
0x163: {  	s5 =	simm.s32 $0x0  }
0x164: {  	s4 =	simm.s32 $0xC1;
	s5 =	simm.s32 @!p0 $0x4  }
.LBB3_25:
0x165: {  	v0 =	vld.msk [tilespmem:s4+$0x0], $0x1;
	s2 =	sadd.s32 $0xFFFFFFFF, s2;
	s0 =	sadd.s32 s0, s5  }
0x166: {  	p0 =	sne.s32 s2, $0x0;
	_ =	sdelay $0x3  }
0x167: {  	(v2sf) =	vpush v0, $0x0;
	_ =	sdelay $0xe  }
.Ltmp27:
0x168: {  	s6 =	spop (v2sf);
	(pc) =	sbr.rel @p0 .LBB3_25-.Ltmp27, $4  }
0x169: {  	s5 =	simm.s32 $0x0;
	p1 =	sgt.u32 s6, $0x63FF  }
0x16a: {  	s3 =	sadd.s32 $0x1, s3;
	s5 =	simm.s32 @!p1 $0x4;
	s7 =	sshrl.u32 @!p1 s6, $0x3  }
0x16b: {  	s4 =	sadd.s32 $0x1, s4;
	s6 =	sand.u32 @!p1 $0x7, s6;
	s7 =	sadd.s32 @!p1 s1, s7  }
0x16c: {  	[hbm4b:s7+s6] =	stream.linear.scatter @!p1 [tilespmem:s3], [sflag:$0x5], $0x1, $0x38;
	[tilespmem:$0xE220] =	vst v63  }
.LBB3_26:
0x16d: {  	s0 =	sadd.s32 s0, s5  }
0x16e: {  	s0 =	sshrl.u32 s0, $0x2  }
.LBB3_27:
0x16f: {  	s1 =	simm.s32 $0x5  }
0x170: {  	_ =	swait.ge [sflag:s1], s0  }
0x171: {  	s28 =	ssub.s32 $0x0, s0;
	[sflag:s1] =	ssyncset.done $0x0  }
0x172: {  	[sflag:s1] =	ssyncadd.s32 s28  }
0x173: {  	[sflag:s1] =	ssyncpa.u1 $0x1  }
0x174: {  	s29 =	simm.s32 $0x1;
	_ =	sfence  }
0x175: {  	s30 =	simm.s32 $0x2;
	[sflag:s29] =	ssyncpa.u1 $0x1  }
0x176: {  	[sflag:s30] =	ssyncpa.u1 $0x1  }
0x177: {  	_ =	strace $0x90000053  }
0x178: {  	[bflag:$0x2] =	sbarrier.arrive $0xFFFF  }
0x179: {  	s31 =	rddreg [dreg:$0x1]  }
0x17a: {  	s0 =	sadd.s32 $0x100000, s31  }
0x17b: {  	[sflag:s0] =	ssyncadd.tile.s32 $0x1;
	_ =	shalt  }
.Lfunc_end3:
_tile_overlayer_lowered:
.L_overlay_start_3:
0x17c: {  	(tag) =	ssettag $0x3  }
0x17d: {  	s0 =	rddreg [dreg:$0x0];
	s2 =	stileid.u32  }
0x17e: {  	s1 =	rddreg [dreg:$0x1];
	p0 =	sne.s32 s2, $0x0  }
0x17f: {  	s3 =	rddreg [dreg:$0x2];
	[bflag:$0x3] =	sbarrier.arrive $0xFFFF;
	s2 =	simm.s32 @!p0 $0x1C01  }
0x180: {  	[timem:s3], [sflag:s2] =	dma.local @!p0 [hbm:s0], s1  }
0x181: {  	s0 =	simm.s32 @!p0 $0x1  }
0x182: {  	_ =	swait.ge @!p0 [sflag:s0], s1  }
0x183: {  	s1 =	ssub.s32 @!p0 $0x0, s1;
	[sflag:s0] =	ssyncset.done @!p0 $0x0  }
0x184: {  	[sflag:s0] =	ssyncadd.s32 @!p0 s1  }
0x185: {  	[bflag:$0x3] =	sbarrier.arrive $0xFFFF  }
0x186: {  	_ =	shalt  }

// kernel: scatter_offload_async_start.2
scs
__scs_entry_jumppad:
0x0: {  	(pc) =	sbr.rel $0x88, $3  }
0x1: {  	(tag) =	ssettag $0x0;
	lr =	simm.s32 $0x1  }
0x2: {  	[smem:$0x3F8F] =	sst lr;
	_ =	strace $0xD0000000  }
0x3: {  	_ = 	snop  }
0x4: {  	_ = 	snop  }
0x5: {  	_ = 	snop  }
0x6: {  	_ = 	snop  }
0x7: {  	_ = 	snop  }
__scs_overlays_trampoline_lowered:
0x8: {  	[smem:$0x3F9E] =	sst s0  }
0x9: {  	[smem:$0x3F9F] =	sst s1  }
0xa: {  	[smem:$0x3FA0] =	sst s2  }
0xb: {  	[smem:$0x3FA1] =	sst s3  }
0xc: {  	[smem:$0x3FA2] =	sst s4  }
0xd: {  	[smem:$0x3FA3] =	sst s5  }
0xe: {  	[smem:$0x3FA4] =	sst s6  }
0xf: {  	[smem:$0x3FA5] =	sst s7  }
0x10: {  	[smem:$0x3FA6] =	sst s8  }
0x11: {  	[smem:$0x3FA7] =	sst s9;
	s0 =	simm.s32 @!p0 $0x0  }
0x12: {  	s1 =	sld [smem:$0x3F8D];
	s0 =	simm.s32 @p0 $0x1  }
0x13: {  	[smem:$0x3FA8] =	sst s0;
	s0 =	simm.s32 @!p1 $0x0  }
0x14: {  	s2 =	sld [smem:$0x3F8C];
	s0 =	simm.s32 @p1 $0x1  }
0x15: {  	[smem:$0x3FA9] =	sst s0;
	s0 =	simm.s32 @!p2 $0x0  }
0x16: {  	s3 =	sld [smem:$0x3FDB];
	s0 =	simm.s32 @p2 $0x1  }
0x17: {  	s4 =	simm.s32 $0x1BF5;
	[smem:$0x3FAB] =	sst s0  }
0x18: {  	s0 =	sld [smem:$0x3F8E];
	_ =	swait.ge [sflag:s4], $0x0  }
0x19: {  	s7 =	sld [smem:$0x3F8F]  }
0x1a: {  	s8 =	sadd.s32 $0xFFFFE003, lr  }
0x1b: {  	s9 =	sadd.s32 $0xFFFFFEF7, lr;
	s5 =	simm.s32 $0xFFFFFFFF;
	p2 =	slt.u32 s8, $0xFFFFF086  }
0x1c: {  	p1 =	slt.u32 s9, $0xF7A;
	s5 =	simm.s32 @!p2 $0x0  }
0x1d: {  	s5 =	simm.s32 @p1 $0x1;
	p0 =	seq.s32 s7, s2  }
0x1e: {  	s7 =	smul.u32 @!p0 $0xF7A, s2;
	p2 =	seq.s32 @!p0 s5, $0x0  }
0x1f: {  	s9 =	smul.u32 $0xF7A, s1;
	s8 =	simm.s32 @!p0 $0x1BF5;
	p2 =	por !p2, p0  }
0x20: {  	[sflag:s8] =	ssyncset.s32 @!p0 $0xFFFFF086;
	s6 =	sadd.s32 @!p0 s3, s7;
	s7 =	simm.s32 @!p0 $0x108  }
0x21: {  	s3 =	sadd.s32 s3, s9;
	s6 =	sadd.s32 @!p0 $0x88, s6;
	s7 =	simm.s32 @p2 $0x1082  }
0x22: {  	[simem:s7], [sflag:s8] =	dma.local @!p0 [hbm:s6], $0xF7A  }
0x23: {  	s9 =	sor.u32 $0xD0000000, s2;
	s6 =	simm.s32 $0x108;
	_ =	swait.ge @!p0 [sflag:s8], $0x0  }
0x24: {  	s3 =	sadd.s32 $0x88, s3;
	s6 =	simm.s32 @!p1 $0x1082;
	[sflag:s4] =	ssyncset.s32 $0xFFFFF086  }
0x25: {  	[simem:s6], [sflag:s4] =	dma.local [hbm:s3], $0xF7A  }
0x26: {  	[smem:$0x3F8F] =	sst s1;
	(tag) =	ssettag s2;
	_ =	strace s9  }
0x27: {  	s1 =	sld [smem:$0x3F9F]  }
0x28: {  	s2 =	sld [smem:$0x3FA0]  }
0x29: {  	s4 =	sld [smem:$0x3FA2]  }
0x2a: {  	p0 =	seq.s32 s5, $0x0;
	s5 =	sld [smem:$0x3FA3]  }
0x2b: {  	s6 =	sld [smem:$0x3FA4]  }
0x2c: {  	s7 =	sld [smem:$0x3FA5]  }
0x2d: {  	s3 =	simm.s32 $0x108;
	s8 =	sld [smem:$0x3FA6]  }
0x2e: {  	s3 =	simm.s32 @!p0 $0x1082;
	s9 =	sld [smem:$0x3FA7]  }
0x2f: {  	lr =	sadd.s32 s0, s3;
	s0 =	sld [smem:$0x3F9E]  }
0x30: {  	s3 =	sld [smem:$0x3FA1]  }
0x31: {  	[smem:$0x3FAA] =	sst s10  }
0x32: {  	s10 =	sld [smem:$0x3FA8];
	_ =	sdelay $0x3  }
0x33: {  	p0 =	seq.s32 s10, $0x1;
	s10 =	sld [smem:$0x3FAA];
	_ =	sdelay $0x3  }
0x34: {  	[smem:$0x3FAA] =	sst s10  }
0x35: {  	s10 =	sld [smem:$0x3FA9];
	_ =	sdelay $0x3  }
0x36: {  	p1 =	seq.s32 s10, $0x1;
	s10 =	sld [smem:$0x3FAA];
	_ =	sdelay $0x3  }
0x37: {  	[smem:$0x3FAA] =	sst s10  }
0x38: {  	s10 =	sld [smem:$0x3FAB]  }
0x39: {  	_ = 	snop;
	(pc) =	sbr.ind lr, $3  }
0x3a: {  	_ = 	snop  }
0x3b: {  	_ = 	snop  }
0x3c: {  	p2 =	seq.s32 s10, $0x1;
	s10 =	sld [smem:$0x3FAA]  }
0x3d: {  	_ =	shalt  }
0x3e: {  	_ =	shalt  }
0x3f: {  	_ =	shalt  }
0x40: {  	_ =	shalt  }
0x41: {  	_ =	shalt  }
0x42: {  	_ =	shalt  }
0x43: {  	_ =	shalt  }
0x44: {  	_ =	shalt  }
0x45: {  	_ =	shalt  }
0x46: {  	_ =	shalt  }
0x47: {  	_ =	shalt  }
0x48: {  	_ =	shalt  }
0x49: {  	_ =	shalt  }
0x4a: {  	_ =	shalt  }
0x4b: {  	_ =	shalt  }
0x4c: {  	_ =	shalt  }
0x4d: {  	_ =	shalt  }
0x4e: {  	_ =	shalt  }
0x4f: {  	_ =	shalt  }
0x50: {  	_ =	shalt  }
0x51: {  	_ =	shalt  }
0x52: {  	_ =	shalt  }
0x53: {  	_ =	shalt  }
0x54: {  	_ =	shalt  }
0x55: {  	_ =	shalt  }
0x56: {  	_ =	shalt  }
0x57: {  	_ =	shalt  }
0x58: {  	_ =	shalt  }
0x59: {  	_ =	shalt  }
0x5a: {  	_ =	shalt  }
0x5b: {  	_ =	shalt  }
0x5c: {  	_ =	shalt  }
0x5d: {  	_ =	shalt  }
0x5e: {  	_ =	shalt  }
0x5f: {  	_ =	shalt  }
0x60: {  	_ =	shalt  }
0x61: {  	_ =	shalt  }
0x62: {  	_ =	shalt  }
0x63: {  	_ =	shalt  }
0x64: {  	_ =	shalt  }
0x65: {  	_ =	shalt  }
0x66: {  	_ =	shalt  }
0x67: {  	_ =	shalt  }
0x68: {  	_ =	shalt  }
0x69: {  	_ =	shalt  }
0x6a: {  	_ =	shalt  }
0x6b: {  	_ =	shalt  }
0x6c: {  	_ =	shalt  }
0x6d: {  	_ =	shalt  }
0x6e: {  	_ =	shalt  }
0x6f: {  	_ =	shalt  }
0x70: {  	_ =	shalt  }
0x71: {  	_ =	shalt  }
0x72: {  	_ =	shalt  }
0x73: {  	_ =	shalt  }
0x74: {  	_ =	shalt  }
0x75: {  	_ =	shalt  }
0x76: {  	_ =	shalt  }
0x77: {  	_ =	shalt  }
0x78: {  	_ =	shalt  }
0x79: {  	_ =	shalt  }
0x7a: {  	_ =	shalt  }
0x7b: {  	_ =	shalt  }
0x7c: {  	_ =	shalt  }
0x7d: {  	_ =	shalt  }
0x7e: {  	_ =	shalt  }
0x7f: {  	_ =	shalt  }
0x80: {  	_ =	shalt  }
0x81: {  	_ =	shalt  }
0x82: {  	_ =	shalt  }
0x83: {  	_ =	shalt  }
0x84: {  	_ =	shalt  }
0x85: {  	_ =	shalt  }
0x86: {  	_ =	shalt  }
0x87: {  	_ =	shalt  }
.Lfunc_end0:
.L_simem_size_0:
called_computation.2_lowered:
.L_overlay_start_0:
0x88: {  	s0 =	sld [smem:$0x3FD9]  }
0x89: {  	s1 =	sld [smem:$0x3FFE];
	_ =	sdelay $0x3  }
0x8a: {  	s0 =	sadd.s32 s1, s0  }
0x8b: {  	[smem:$0x3FB6] =	sst s0  }
0x8c: {  	_ = 	snop  }
0x8d: {  	s0 =	sld [smem:$0x3FD0];
	_ =	sdelay $0x2  }
0x8e: {  	s12 =	simm.s32 $0xF;
	s2 =	simm.s32 $0x10  }
0x8f: {  	[smem:s2], [sflag:s12] =	dma.local [hbm:s0], $0x1  }
0x90: {  	_ =	swait.eq [sflag:s12], $0x1  }
0x91: {  	[sflag:s12] =	ssyncset.done $0x0  }
0x92: {  	[sflag:s12] =	ssyncadd.s32 $0xFFFFFFFF  }
0x93: {  	s13 =	sld [smem:$0x10];
	(tm) =	ssettm $0x1  }
0x94: {  	s14 =	sld [smem:$0x3FFB];
	_ =	sdelay $0x3  }
0x95: {  	_ =	strace s14  }
0x96: {  	s0 =	sld [smem:$0x3FFC];
	_ =	sdelay $0x3  }
0x97: {  	_ =	strace s0  }
0x98: {  	s0 =	sld [smem:$0x3FFD];
	_ =	sdelay $0x3  }
0x99: {  	_ =	strace s0  }
0x9a: {  	_ =	strace $0x8FFFFFFF  }
0x9b: {  	s15 =	sld [smem:$0x3FDB];
	_ =	sdelay $0x1  }
0x9c: {  	s16 =	simm.s32 $_scs_section_size  }
0x9d: {  	s3 =	simm.s32 $_size__tile_overlayer_lowered;
	s4 =	simm.s32 $_tile_overlayer_lowered  }
0x9e: {  	s5 =	simm.s32 $0x1BFF;
	s17 =	sshll.u32 s4, $0x1;
	s2 =	sadd.s32 s16, s15  }
0x9f: {  	s18 =	simm.s32 $0x0;
	s3 =	sshll.u32 s3, $0x1;
	s4 =	sadd.s32 s17, s2  }
0xa0: {  	[timem:s18], [sflag:s5] =	dma.local [hbm:s4], s3  }
0xa1: {  	_ =	swait.ge [sflag:s5], s3  }
0xa2: {  	s3 =	ssub.s32 $0x0, s3;
	[sflag:s5] =	ssyncset.done $0x0  }
0xa3: {  	[sflag:s5] =	ssyncadd.s32 s3;
	_ =	sdelay $0x1  }
0xa4: {  	s19 =	simm.s32 $0x1B8B  }
0xa5: {  	_ =	swait.ge [sflag:s19], $0x1  }
0xa6: {  	[sflag:s19] =	ssyncset.done $0x0  }
0xa7: {  	s21 =	simm.s32 $0x1B8E;
	s20 =	sld [smem:$0x3FFE];
	[sflag:s19] =	ssyncadd.s32 $0xFFFFFFFF  }
0xa8: {  	s22 =	simm.s32 $execute0_lowered;
	[smem:$0x3FD2] =	sst s21  }
0xa9: {  	s4 =	sshll.u32 s22, $0x1;
	_ =	strace $0x80000055;
	[dreg:$0x1] =	wrdreg $0xFFFFFFFF  }
0xaa: {  	s23 =	simm.s32 $_size_execute0_lowered;
	s4 =	sadd.s32 s2, s4;
	[dreg:$0x0] =	wrdreg $0x0  }
0xab: {  	s5 =	sshll.u32 s23, $0x1;
	[dreg:$0x2] =	wrdreg s4  }
0xac: {  	[dreg:$0x3] =	wrdreg s5  }
0xad: {  	[dreg:$0x4] =	wrdreg $0xC0  }
0xae: {  	s24 =	simm.s32 $execute1_lowered;
	_ =	task [dreg:s18], $0x5FFFF  }
0xaf: {  	s4 =	sshll.u32 s24, $0x1;
	[dreg:$0x1] =	wrdreg $0xFFFFFFFF  }
0xb0: {  	s2 =	sadd.s32 s2, s4;
	[dreg:$0x0] =	wrdreg $0x60  }
0xb1: {  	[dreg:$0x2] =	wrdreg s2  }
0xb2: {  	[dreg:$0x3] =	wrdreg s13  }
0xb3: {  	[dreg:$0x4] =	wrdreg s20  }
0xb4: {  	[dreg:$0x5] =	wrdreg $0xD  }
0xb5: {  	_ =	task.clear_ibuf [dreg:s18], $0x6FFFF;
	_ =	strace $0x90000055  }
0xb6: {  	s25 =	simm.s32 $0xD;
	_ =	strace $0x80000057  }
0xb7: {  	_ =	swait.ge [sflag:s25], $0x1  }
0xb8: {  	[sflag:s25] =	ssyncadd.s32 $0xFFFFFFFF  }
0xb9: {  	_ =	strace $0x90000057  }
0xba: {  	_ =	strace $0x80000058;
	[dreg:$0x1] =	wrdreg $0xFFFFFFFF  }
0xbb: {  	[dreg:$0x0] =	wrdreg $0x2030  }
0xbc: {  	[dreg:$0x2] =	wrdreg s20  }
0xbd: {  	[dreg:$0x3] =	wrdreg $0xE  }
0xbe: {  	_ =	task.clear_ibuf [dreg:s18], $0x4FFFF;
	_ =	strace $0x90000058  }
0xbf: {  	s26 =	simm.s32 $0xE;
	_ =	strace $0x8000005A  }
0xc0: {  	_ =	swait.ge [sflag:s26], $0x1  }
0xc1: {  	[sflag:s26] =	ssyncadd.s32 $0xFFFFFFFF  }
0xc2: {  	_ =	strace $0x9000005A  }
0xc3: {  	_ =	sfence  }
0xc4: {  	s28 =	sld [smem:$0x0];
	_ =	sdelay $0x1  }
0xc5: {  	s29 =	srdreg.scid  }
0xc6: {  	s30 =	sshll.u32 s29, $0xD;
	s31 =	sshrl.u32 s29, $0x2  }
0xc7: {  	s3 =	sand.u32 $0x4000, s30;
	s2 =	sand.u32 $0x1, s29;
	s1 =	sadd.s32 s31, s28  }
0xc8: {  	s2 =	sor.u32 s3, s2;
	s1 =	sshll.u32 s1, $0x11  }
0xc9: {  	s1 =	sor.u32 s1, s2  }
0xca: {  	s1 =	sadd.s32 $0x8F2B, s1  }
0xcb: {  	[sflag:s1] =	ssyncadd.remote.s32 $0x1  }
0xcc: {  	_ =	sfence.sel $0xFFFF  }
0xcd: {  	[dreg:$0x0] =	wrdreg $0xFFFFFFFF;
	(pc) =	sbr.abs _section_cstart, $3  }
0xce: {  	[dreg:$0x1] =	wrdreg $0xFFFFFFFF  }
0xcf: {  	_ =	task.clear_ibuf [dreg:s18], $0x2FFFF;
	_ =	strace $0x9FFFFFFF  }
0xd0: {  	(tm) =	ssettm $0x7FFFFFFF  }
0xd1: {  	_ =	shalt  }
tec
execute0_lowered:
.L_overlay_start_1:
0x0: {  	(tag) =	ssettag $0x1  }
0x1: {  	s2 =	rddreg [dreg:$0x0]  }
0x2: {  	s5 =	rddreg [dreg:$0x1]  }
0x3: {  	s4 =	rddreg [dreg:$0x2]  }
0x4: {  	s0 =	rddreg [dreg:$0x3];
	s3 =	stileid.u32  }
0x5: {  	[bflag:$0x3] =	sbarrier.arrive $0xFFFF;
	s1 =	simm.s32 $_size_execute1_lowered;
	p0 =	sne.s32 s3, $0x0  }
0x6: {  	s1 =	sshll.u32 s1, $0x1;
	s6 =	simm.s32 @!p0 $0x1C3F;
	s7 =	simm.s32 @!p0 $0x4060  }
0x7: {  	[timem:s7], [sflag:s6] =	dma.local @!p0 [hbm:s2], s1  }
.Ltmp0:
0x8: {  	s30 =	simm.s32 $0x2;
	s8 =	simm.s32 $0x12C0;
	(pc) =	sbr.rel .LBB2_1-.Ltmp0, $4  }
0x9: {  	s10 =	simm.s32 $0x0;
	s9 =	simm.s32 $0x0;
	s2 =	smul.u32 $0x640, s3  }
0xa: {  	s4 =	sadd.s32 $0x12000, s4;
	s3 =	simm.s32 $0x1;
	_ =	strace $0x80000056  }
0xb: {  	s6 =	simm.s32 $0x0;
	[sflag:s3] =	ssyncpa.u1 $0x0;
	s31 =	sshrl.u32 s2, $0x3  }
0xc: {  	s7 =	simm.s32 $0x640;
	[sflag:s30] =	ssyncpa.u1 $0x0;
	s5 =	sadd.s32 s31, s5  }
.LBB2_9:
0xd: {  	p1 =	seq.s32 s9, $0x2  }
.Ltmp1:
0xe: {  	_ = 	snop;
	(pc) =	sbr.rel @p1 .LBB2_11-.Ltmp1, $1  }
0xf: {  	_ =	sdelay $0x3  }
.LBB2_10:
0x10: {  	s9 =	sadd.s32 $0x1, s9;
	s10 =	smov.u32 s2  }
.LBB2_1:
0x11: {  	p1 =	sne.s32 s9, $0x0  }
.Ltmp2:
0x12: {  	_ = 	snop;
	(pc) =	sbr.rel @!p1 .LBB2_2-.Ltmp2, $1  }
0x13: {  	_ =	sdelay $0x3  }
0x14: {  	s11 =	sand.u32 $0x1, s9  }
0x15: {  	p1 =	seq.s32 s11, $0x0  }
.Ltmp3:
0x16: {  	_ = 	snop;
	(pc) =	sbr.rel @p1 .LBB2_9-.Ltmp3, $1  }
0x17: {  	_ =	sdelay $0x3  }
0x18: {  	_ =	swait.ge [sflag:s3], $0x640  }
0x19: {  	[sflag:s3] =	ssyncset.done $0x0  }
0x1a: {  	s16 =	simm.s32 $0x730;
	[sflag:s3] =	ssyncadd.s32 $0xFFFFF9C0  }
0x1b: {  	v0 =	vld [tilespmem:s16+$0x0]  }
0x1c: {  	v1 =	vld [tilespmem:s16+$0xFFFFFF20]  }
0x1d: {  	v2 =	vld [tilespmem:s16+$0xFFFFFF30]  }
0x1e: {  	v3 =	vld [tilespmem:s16+$0xFFFFFF40]  }
0x1f: {  	s11 =	simm.s32 $0x13B0;
	v4 =	vld [tilespmem:s16+$0xFFFFFF50]  }
0x20: {  	v5 =	vld [tilespmem:s16+$0xFFFFFF60];
	[tilespmem:s11+$0x0] =	vst v0  }
0x21: {  	[tilespmem:s11+$0xFFFFFF20] =	vst v1;
	v0 =	vld [tilespmem:s16+$0xFFFFFF70]  }
0x22: {  	[tilespmem:s11+$0xFFFFFF30] =	vst v2;
	v1 =	vld [tilespmem:s16+$0xFFFFFF80]  }
0x23: {  	[tilespmem:s11+$0xFFFFFF40] =	vst v3;
	v2 =	vld [tilespmem:s16+$0xFFFFFF90]  }
0x24: {  	[tilespmem:s11+$0xFFFFFF50] =	vst v4;
	v3 =	vld [tilespmem:s16+$0xFFFFFFA0]  }
0x25: {  	[tilespmem:s11+$0xFFFFFF60] =	vst v5;
	v5 =	vld [tilespmem:s16+$0xFFFFFFB0]  }
0x26: {  	[tilespmem:s11+$0xFFFFFF70] =	vst v0;
	v0 =	vld [tilespmem:s16+$0xFFFFFFC0]  }
0x27: {  	[tilespmem:s11+$0xFFFFFF80] =	vst v1;
	v1 =	vld [tilespmem:s16+$0xFFFFFFD0]  }
0x28: {  	[tilespmem:s11+$0xFFFFFF90] =	vst v2;
	v2 =	vld [tilespmem:s16+$0xFFFFFFE0]  }
0x29: {  	s15 =	simm.s32 $0x0;
	s12 =	simm.s32 $0x5F0;
	[tilespmem:s11+$0xFFFFFFA0] =	vst v3;
	v3 =	vld [tilespmem:s16+$0xFFFFFFF0]  }
0x2a: {  	s13 =	simm.s32 $0x18C0;
	s14 =	simm.s32 $0xC40;
	v4 =	vld [tilespmem:s16+$0xFFFFFF10];
	[tilespmem:s11+$0xFFFFFFB0] =	vst v5;
	s16 =	simm.s32 $0x830  }
.LBB2_5:
0x2b: {  	v5 =	vld [tilespmem:s16+$0x0];
	s15 =	sadd.s32 $0x100, s15;
	[tilespmem:s11+$0xFFFFFFC0] =	vst v0  }
0x2c: {  	v0 =	vld [tilespmem:s16+$0xFFFFFF20];
	p1 =	slt.u32 s15, $0x500;
	[tilespmem:s11+$0xFFFFFFD0] =	vst v1  }
0x2d: {  	v1 =	vld [tilespmem:s16+$0xFFFFFF30];
	[tilespmem:s11+$0xFFFFFFE0] =	vst v2  }
0x2e: {  	v2 =	vld [tilespmem:s16+$0xFFFFFF40];
	[tilespmem:s11+$0xFFFFFFF0] =	vst v3  }
0x2f: {  	v3 =	vld [tilespmem:s16+$0xFFFFFF50];
	[tilespmem:s11+$0xFFFFFF10] =	vst v4;
	s11 =	sadd.s32 $0x100, s11  }
0x30: {  	v4 =	vld [tilespmem:s16+$0xFFFFFF60];
	[tilespmem:s11+$0x0] =	vst v5  }
0x31: {  	[tilespmem:s11+$0xFFFFFF20] =	vst v0;
	v0 =	vld [tilespmem:s16+$0xFFFFFF70]  }
0x32: {  	[tilespmem:s11+$0xFFFFFF30] =	vst v1;
	v1 =	vld [tilespmem:s16+$0xFFFFFF80]  }
0x33: {  	[tilespmem:s11+$0xFFFFFF40] =	vst v2;
	v2 =	vld [tilespmem:s16+$0xFFFFFF90]  }
0x34: {  	[tilespmem:s11+$0xFFFFFF50] =	vst v3;
	v3 =	vld [tilespmem:s16+$0xFFFFFFA0]  }
0x35: {  	[tilespmem:s11+$0xFFFFFF60] =	vst v4;
	v5 =	vld [tilespmem:s16+$0xFFFFFFB0]  }
.Ltmp4:
0x36: {  	[tilespmem:s11+$0xFFFFFF70] =	vst v0;
	v0 =	vld [tilespmem:s16+$0xFFFFFFC0];
	(pc) =	sbr.rel @p1 .LBB2_5-.Ltmp4, $4  }
0x37: {  	[tilespmem:s11+$0xFFFFFF80] =	vst v1;
	v1 =	vld [tilespmem:s16+$0xFFFFFFD0]  }
0x38: {  	[tilespmem:s11+$0xFFFFFF90] =	vst v2;
	v2 =	vld [tilespmem:s16+$0xFFFFFFE0]  }
0x39: {  	[tilespmem:s11+$0xFFFFFFA0] =	vst v3;
	v3 =	vld [tilespmem:s16+$0xFFFFFFF0]  }
0x3a: {  	v4 =	vld [tilespmem:s16+$0xFFFFFF10];
	[tilespmem:s11+$0xFFFFFFB0] =	vst v5;
	s16 =	sadd.s32 $0x100, s16  }
0x3b: {  	[tilespmem:s11+$0xFFFFFFC0] =	vst v0  }
0x3c: {  	[tilespmem:s11+$0xFFFFFFD0] =	vst v1  }
0x3d: {  	[tilespmem:s11+$0xFFFFFFE0] =	vst v2  }
0x3e: {  	[tilespmem:s11+$0xFFFFFFF0] =	vst v3  }
0x3f: {  	[tilespmem:s11+$0xFFFFFF10] =	vst v4  }
.LBB2_7:
0x40: {  	s12 =	sadd.s32 $0x10, s12  }
0x41: {  	v0 =	vld [tilespmem:s14+$0x0];
	p1 =	slt.u32 s12, $0x630  }
.Ltmp5:
0x42: {  	_ = 	snop;
	(pc) =	sbr.rel @p1 .LBB2_7-.Ltmp5, $2  }
0x43: {  	_ =	sdelay $0x2  }
0x44: {  	s14 =	sadd.s32 $0x10, s14;
	[tilespmem:s13+$0x0] =	vst v0;
	s13 =	sadd.s32 $0x10, s13  }
.Ltmp6:
0x45: {  	(pc) =	sbr.rel .LBB2_9-.Ltmp6, $4  }
0x46: {  	_ = 	snop  }
0x47: {  	s10 =	sshrl.u32 s10, $0x3  }
0x48: {  	s10 =	sadd.s32 s4, s10  }
0x49: {  	[hbm4b:s10+s6] =	stream.linear.scatter [tilespmem:s8], [sflag:$0x2], $0x640, $0x38;
	[tilespmem:$0x1900] =	vst v63  }
.LBB2_2:
.Ltmp7:
0x4a: {  	(pc) =	sbr.rel .LBB2_10-.Ltmp7, $2  }
0x4b: {  	_ =	sdelay $0x2  }
0x4c: {  	[tilespmem:s7], [sflag:$0x1] =	stream.linear.gather [hbm4b:s5+s6], $0x640, $0x38;
	[tilespmem:$0x1900] =	vst v63  }
.LBB2_11:
0x4d: {  	s2 =	simm.s32 $0x2  }
0x4e: {  	_ =	swait.ge [sflag:s2], $0x640  }
0x4f: {  	[sflag:s2] =	ssyncset.done $0x0  }
0x50: {  	[sflag:s2] =	ssyncadd.s32 $0xFFFFF9C0  }
0x51: {  	_ =	sfence.sel $0x180000  }
0x52: {  	s3 =	simm.s32 $0x1;
	[bflag:$0x0] =	sbarrier.arrive $0xFFFF  }
0x53: {  	[sflag:s3] =	ssyncpa.u1 $0x1  }
0x54: {  	[sflag:s2] =	ssyncpa.u1 $0x1  }
0x55: {  	_ =	strace $0x90000056  }
0x56: {  	s0 =	sadd.s32 @!p0 $0x100000, s0;
	[bflag:$0x2] =	sbarrier.arrive $0xFFFF  }
0x57: {  	[sflag:s0] =	ssyncadd.tile.s32 @!p0 $0x1;
	s0 =	simm.s32 @!p0 $0x3F  }
0x58: {  	_ =	swait.ge @!p0 [sflag:s0], s1  }
0x59: {  	s1 =	ssub.s32 @!p0 $0x0, s1;
	[sflag:s0] =	ssyncset.done @!p0 $0x0  }
0x5a: {  	[sflag:s0] =	ssyncadd.s32 @!p0 s1  }
0x5b: {  	[bflag:$0x3] =	sbarrier.arrive $0xFFFF  }
0x5c: {  	_ =	shalt  }
.Lfunc_end2:
execute1_lowered:
.L_overlay_start_2:
0x5d: {  	(tag) =	ssettag $0x2  }
0x5e: {  	s0 =	rddreg [dreg:$0x0];
	_ =	strace $0x80000059;
	s3 =	simm.s32 $0x1  }
0x5f: {  	v1 =	vimm.s32 $0xFFFFFFFF;
	[sflag:s3] =	ssyncpa.u1 $0x0  }
0x60: {  	[tilespmem:$0x10] =	vst v1  }
0x61: {  	v0 =	vimm.f32 $0.0e+00;
	[tilespmem:$0x20] =	vst v1  }
0x62: {  	[tilespmem:$0x30] =	vst v0  }
0x63: {  	s2 =	simm.s32 $0x2;
	s26 =	stileid.u32;
	s5 =	simm.s32 $0x7;
	[tilespmem:$0x40] =	vst v0  }
0x64: {  	s7 =	simm.s32 $0x8;
	s31 =	simm.s32 $0x9;
	s14 =	simm.s32 $0x0;
	[tilespmem:$0x50] =	vst v0  }
0x65: {  	s15 =	simm.s32 $0x100;
	s18 =	simm.s32 $0x10;
	s19 =	simm.s32 $0xE200;
	[tilespmem:$0x60] =	vst v1  }
0x66: {  	s20 =	simm.s32 $0xF;
	s21 =	simm.s32 $0x50;
	s22 =	simm.s32 $0x64FF;
	[tilespmem:$0x70] =	vst v1  }
0x67: {  	s23 =	simm.s32 $0x20;
	s24 =	simm.s32 $0x30;
	s25 =	simm.s32 $0xC8FF;
	[tilespmem:$0x80] =	vst v1  }
0x68: {  	s30 =	simm.s32 $0x0;
	s29 =	simm.s32 $0x0;
	s6 =	smul.u32 $0x1900, s26;
	v1 =	vimm.s32 $0x0;
	[tilespmem:$0xB0] =	vst v0  }
.Ltmp8:
0x69: {  	s1 =	sadd.s32 $0x12000, s0;
	s4 =	sadd.s32 $0x3D000, s0;
	[tilespmem:$0x90] =	vst v1;
	(pc) =	sbr.rel .LBB3_1-.Ltmp8, $4  }
0x6a: {  	s8 =	sadd.s32 $0x40200, s0;
	s10 =	sshll.u32 s26, $0x1;
	[tilespmem:$0xA0] =	vst v1;
	[sflag:s2] =	ssyncpa.u1 $0x0  }
0x6b: {  	s12 =	sshllo.u32 s26, $0x1;
	s26 =	simm.s32 $0x80;
	[sflag:s5] =	ssyncpa.u1 $0x0  }
0x6c: {  	vm0 =	vmmov $0xffff;
	v2 =	vlaneseq.u32;
	s11 =	sor.u32 $0x81, s10;
	s13 =	sor.u32 $0x80, s10;
	[sflag:s7] =	ssyncpa.u1 $0x0  }
0x6d: {  	vm1 =	vmxor vm1, vm1;
	vm2 =	vmmov $0x1;
	vm3 =	vcmask $0x3F3C;
	s9 =	sadd.s32 $0x1900, s6;
	s28 =	smov.u32 s6;
	[sflag:s31] =	ssyncpa.u1 $0x0  }
.LBB3_3:
0x6e: {  	s0 =	sshrl.u32 s28, $0x3  }
0x6f: {  	s2 =	sand.u32 $0x7, s28;
	s0 =	sadd.s32 s4, s0  }
0x70: {  	[tilespmem:s15], [sflag:$0x7] =	stream.linear.gather [hbm4b:s0+s2], $0x1900, $0x38;
	[tilespmem:$0xE220] =	vst v63  }
.LBB3_4:
0x71: {  	s0 =	sadd.s32 $0x1900, s28  }
0x72: {  	s2 =	smov.u32 s6;
	s29 =	sadd.s32 $0x1, s29;
	p0 =	slt.s32 s0, s9  }
0x73: {  	s2 =	smov.u32 @p0 s0;
	p0 =	sne.s32 s29, $0x4  }
.Ltmp9:
0x74: {  	_ = 	snop;
	(pc) =	sbr.rel @!p0 .LBB3_13-.Ltmp9, $2  }
0x75: {  	_ =	sdelay $0x2  }
0x76: {  	s30 =	smov.u32 s28;
	s28 =	smov.u32 s2  }
.LBB3_1:
0x77: {  	p0 =	sgt.s32 s29, $0x1  }
.Ltmp10:
0x78: {  	_ = 	snop;
	(pc) =	sbr.rel @p0 .LBB3_11-.Ltmp10, $1  }
0x79: {  	_ =	sdelay $0x3  }
0x7a: {  	p0 =	seq.s32 s29, $0x0  }
.Ltmp11:
0x7b: {  	_ = 	snop;
	(pc) =	sbr.rel @p0 .LBB3_3-.Ltmp11, $1  }
0x7c: {  	_ =	sdelay $0x3  }
0x7d: {  	_ =	swait.ge [sflag:s5], $0x1900  }
0x7e: {  	[sflag:s5] =	ssyncset.done $0x0  }
0x7f: {  	[sflag:s5] =	ssyncadd.s32 $0xFFFFE700;
	(ifvalue) =	ssetifvalue $0xFFFFFFFF;
	v3 =	vld.msk [tilespmem:s15+$0x0 ss:$0x1], $0xffff;
	_ =	sdelay $0x4  }
0x80: {  	v4 =	vperm.xlane v3, v1  }
0x81: {  	vm4 =	vlt.u32 v3, $0x6400  }
0x82: {  	v3 =	vnsel vm4, $0xFFFFFFFE, v3;
	vm4 =	vlt.u32 v4, $0x6400  }
0x83: {  	[tilespmem:$0x70] =	vst v3;
	v3 =	vnsel vm4, $0xFFFFFFFE, v4  }
0x84: {  	s17 =	simm.s32 $0x19F0;
	[tilespmem:$0x80] =	vst v3  }
0x85: {  	v3 =	vld.msk [tilespmem:s17+$0x0 ss:$0x1], $0xffff;
	_ =	sdelay $0x4  }
0x86: {  	(xrf1) =	vunique.msk.u32 $0xffff, v3;
	_ =	sdelay $0xd  }
0x87: {  	v4 =	vimm.s32 $0xFFFFFFFF;
	v5, _, _ =	vpop (xrf1)  }
0x88: {  	vm5 =	vne.s32 v3, v4;
	vm4 =	veq.s32 v5, v2  }
0x89: {  	vm6 =	vlt.u32 v3, $0x6400;
	vm4 =	vmand vm5, vm4  }
0x8a: {  	vm4 =	vmand vm6, vm4  }
0x8b: {  	v4 =	vnsel vm4, $0xFFFFFFFF, v3;
	_ =	sdelay $0x3  }
0x8c: {  	s0 =	simm.s32 $0x64F0;
	(ifvalue) =	ssetifvalue $0xFFFFFFFF  }
0x8d: {  	v3 =	vperm.xlane v3, v1;
	[tilespmem:s0], [sflag:$0x8] =	stream.indirect_vreg.gather [hbm4b:s1+s14], $0x1, v4, vm0, $0x4038;
	v4 =	vnsel vm6, $0xFFFFFFFE, v4;
	[tilespmem:$0xE220] =	vst v63  }
0x8e: {  	s2 =	simm.s32 $0x0;
	s16 =	simm.s32 $0x19E0;
	[tilespmem:s17+$0x0] =	vst v4  }
.LBB3_6:
0x8f: {  	v4 =	vld.msk [tilespmem:s16+$0x0 ss:$0x1], $0xffff;
	s2 =	sadd.s32 $0x10, s2;
	v5 =	vmov v3;
	s17 =	smov.u32 s16  }
0x90: {  	p0 =	slt.u32 s2, $0x18F0;
	_ =	sdelay $0x4  }
0x91: {  	v3 =	vperm.xlane v4, v1;
	(xrf1) =	vunique.msk.u32 $0xffff, v4;
	_ =	sdelay $0xd  }
0x92: {  	v6, _, _ =	vpop (xrf1)  }
0x93: {  	vm5 =	vne.s32 v4, v5;
	vm4 =	veq.s32 v6, v2  }
0x94: {  	vm6 =	vlt.u32 v4, $0x6400;
	vm4 =	vmand vm5, vm4  }
0x95: {  	vm4 =	vmand vm6, vm4  }
0x96: {  	v4 =	vnsel vm4, $0xFFFFFFFF, v4  }
.Ltmp12:
0x97: {  	v5 =	vnsel vm6, $0xFFFFFFFE, v4;
	(pc) =	sbr.rel @p0 .LBB3_6-.Ltmp12, $3  }
0x98: {  	_ =	sdelay $0x1  }
0x99: {  	s16 =	sadd.s32 $0xFFFFFFF0, s16;
	s0 =	sadd.s32 $0xFFFFFFF0, s0;
	(ifvalue) =	ssetifvalue $0xFFFFFFFF  }
0x9a: {  	[tilespmem:s0], [sflag:$0x8] =	stream.indirect_vreg.gather [hbm4b:s1+s14], $0x1, v4, vm0, $0x4038;
	[tilespmem:s17+$0x0] =	vst v5  }
.Ltmp13:
0x9b: {  	(pc) =	sbr.rel .LBB3_4-.Ltmp13, $4  }
0x9c: {  	_ = 	snop  }
0x9d: {  	s0 =	sshrl.u32 s30, $0x3  }
0x9e: {  	s2 =	simm.s32 $0x7E00;
	s0 =	sadd.s32 s8, s0  }
0x9f: {  	[tilespmem:s2], [sflag:$0x8] =	stream.linear.gather [hbm:s0], $0x1900, $0x38;
	[tilespmem:$0xE220] =	vst v63  }
.LBB3_11:
0xa0: {  	p0 =	seq.s32 s29, $0x2  }
.Ltmp14:
0xa1: {  	_ = 	snop;
	(pc) =	sbr.rel @!p0 .LBB3_12-.Ltmp14, $1  }
0xa2: {  	_ =	sdelay $0x3  }
0xa3: {  	_ =	swait.ge [sflag:s7], $0x3200  }
0xa4: {  	[sflag:s7] =	ssyncset.done $0x0  }
0xa5: {  	s0 =	simm.s32 $0x19FF;
	[sflag:s7] =	ssyncadd.s32 $0xFFFFCE00  }
0xa6: {  	[spmem:s11] =	stream.linear.scatter [tilespmem:s0], [sflag:$0x1], $0x1, $0x38;
	[tilespmem:$0xE220] =	vst v63  }
0xa7: {  	_ =	swait.ge [sflag:s3], $0x1  }
0xa8: {  	[sflag:s3] =	ssyncset.done $0x0  }
0xa9: {  	[sflag:s3] =	ssyncadd.s32 $0xFFFFFFFF  }
0xaa: {  	v4 =	vld [tilespmem:$0x10]  }
0xab: {  	v5 =	vld [tilespmem:$0x70]  }
0xac: {  	v3 =	vld [tilespmem:$0x80];
	_ =	sdelay $0x2  }
0xad: {  	(v2sf) =	vpush v4, $0x0  }
0xae: {  	(v2sf) =	vpush v5, $0x0  }
0xaf: {  	(v2sf) =	vpush v3, $0x0;
	_ =	sdelay $0xc  }
0xb0: {  	s16 =	spop (v2sf)  }
0xb1: {  	s2 =	spop (v2sf)  }
0xb2: {  	s30 =	spop (v2sf)  }
0xb3: {  	p0 =	seq.s32 s16, s2;
	p1 =	seq.s32 s30, s16  }
0xb4: {  	p1 =	por p0, p1  }
0xb5: {  	v4 =	vpsel p1, $0xFFFFFFFF, v4  }
0xb6: {  	[tilespmem:s18+$0x0] =	vst.msk $0x1, v4  }
0xb7: {  	v4 =	vld [tilespmem:$0x30]  }
0xb8: {  	v5 =	vld [tilespmem:$0x7E00]  }
0xb9: {  	v6 =	vld [tilespmem:$0x40];
	_ =	sdelay $0x3  }
0xba: {  	vm4 =	vmmov vm1;
	v5 =	vadd.f32 v5, v4  }
0xbb: {  	vm5 =	vmmov vm2;
	s31 =	simm.s32 $0x7E00;
	vm4 =	vmmov @p0 vm2;
	v4 =	vadd.f32 v6, v4  }
0xbc: {  	vm5 =	vmmov @p1 vm1;
	[tilespmem:s31+$0x0] =	vst.msk vm4, v5  }
0xbd: {  	[tilespmem:s19+$0x0] =	vst.msk vm5, v4  }
0xbe: {  	v4 =	vld [tilespmem:$0x64F0];
	_ =	sdelay $0x3  }
0xbf: {  	v5 =	vimm.f32 $0.0e+00  }
0xc0: {  	v4 =	vshift.insert v4, v5, s20;
	_ =	sdelay $0x1  }
0xc1: {  	[tilespmem:s21+$0x0] =	vst.msk $0x1, v4  }
0xc2: {  	[tilespmem:s22+$0x0] =	vst.msk $0x1, v5  }
0xc3: {  	v4 =	vld [tilespmem:$0x19F0];
	_ =	sdelay $0x4  }
0xc4: {  	v4 =	vshift.insert v4, v1, s20;
	_ =	sdelay $0x1  }
0xc5: {  	[tilespmem:s23+$0x0] =	vst.msk $0x1, v4  }
0xc6: {  	s17 =	simm.s32 $0x100;
	v6 =	vld [tilespmem:s31+$0x0]  }
0xc7: {  	v7 =	vld [tilespmem:s17+$0x0];
	_ =	sdelay $0x3  }
0xc8: {  	v5 =	vadd.f32 v6, v5  }
0xc9: {  	vm4 =	vne.s32 v7, $0xFFFFFFFF  }
0xca: {  	(xrf2) =	vadd.seg.scan.f32 vm4, v5;
	_ =	sdelay $0x3  }
0xcb: {  	s0 =	simm.s32 $0x4C00;
	v5 =	vperm.xlane v4, v1  }
0xcc: {  	v6 =	vld [tilespmem:s0+$0x0]  }
0xcd: {  	vm5 =	veq.s32 v7, v3;
	vm6 =	veq.s32 v7, v5  }
0xce: {  	vm7 =	vgt.u32 v7, $0xFFFFFFFD;
	vm6 =	vmor vm6, vm5  }
0xcf: {  	vm6 =	vmor vm6, vm7  }
0xd0: {  	v9 =	vld [tilespmem:$0xA0];
	v7 =	vsel vm6, $0xFFFFFFFF, v7  }
0xd1: {  	v10 =	vld [tilespmem:$0x90];
	v6 =	vsel vm5, $0x0, v6;
	v8, _, _ =	vpop (xrf2)  }
0xd2: {  	v6 =	vadd.f32 v8, v6  }
0xd3: {  	s2 =	simm.s32 $0xB000  }
0xd4: {  	vm4 =	vmand vm4, vm3;
	[tilespmem:s2+$0x0] =	vst v6;
	(ifvalue) =	ssetifvalue $0xFFFFFFFF  }
0xd5: {  	vm6 =	veq.s32 v9, $0x1;
	[hbm4b:s1+s14] =	stream.indirect_vreg.scatter [tilespmem:s2], [sflag:$0x2], $0x1, v7, vm0, $0x4038;
	v7 =	vsel vm4, $0x0, v8;
	[tilespmem:$0xE220] =	vst v63  }
0xd6: {  	s16 =	simm.s32 $0x0;
	s17 =	simm.s32 $0x110;
	vm4 =	vmor vm6, vm5;
	v6 =	vsel vm5, v8, v10;
	v7 =	vshift.insert v7, v0, s20  }
.LBB3_9:
0xd7: {  	v8 =	vld [tilespmem:s17+$0x0];
	s31 =	sadd.s32 $0x10, s31  }
0xd8: {  	s0 =	sadd.s32 $0x10, s0;
	v9 =	vld [tilespmem:s31+$0x0]  }
0xd9: {  	s16 =	sadd.s32 $0x10, s16;
	v10 =	vld [tilespmem:s0+$0x0]  }
0xda: {  	p0 =	slt.u32 s16, $0x18F0;
	_ =	sdelay $0x2  }
0xdb: {  	v7 =	vadd.f32 v9, v7  }
0xdc: {  	vm5 =	vne.s32 v8, $0xFFFFFFFF  }
0xdd: {  	vm6 =	vmand vm5, vm3;
	(xrf2) =	vadd.seg.scan.f32 vm5, v7;
	_ =	sdelay $0x5  }
0xde: {  	vm7 =	veq.s32 v8, v5;
	vm5 =	veq.s32 v8, v3  }
0xdf: {  	vm8 =	vgt.u32 v8, $0xFFFFFFFD;
	vm4 =	vmor vm4, vm5;
	vm7 =	vmor vm7, vm5  }
0xe0: {  	vm7 =	vmor vm7, vm8  }
0xe1: {  	v8 =	vsel vm7, $0xFFFFFFFF, v8  }
.Ltmp15:
0xe2: {  	v7 =	vsel vm5, $0x0, v10;
	v9, _, _ =	vpop (xrf2);
	(pc) =	sbr.rel @p0 .LBB3_9-.Ltmp15, $4  }
0xe3: {  	v6 =	vsel vm5, v9, v6;
	v10 =	vadd.f32 v9, v7;
	v7 =	vsel vm6, $0x0, v9  }
0xe4: {  	s2 =	sadd.s32 $0x10, s2;
	v7 =	vshift.insert v7, v0, s20  }
0xe5: {  	s17 =	sadd.s32 $0x10, s17;
	[tilespmem:s2+$0x0] =	vst v10;
	(ifvalue) =	ssetifvalue $0xFFFFFFFF  }
0xe6: {  	[hbm4b:s1+s14] =	stream.indirect_vreg.scatter [tilespmem:s2], [sflag:$0x2], $0x1, v8, vm0, $0x4038;
	[tilespmem:$0xE220] =	vst v63  }
0xe7: {  	v3 =	vld [tilespmem:$0xC8F0];
	_ =	sdelay $0x4  }
0xe8: {  	v3 =	vshift.insert v3, v0, s20;
	_ =	sdelay $0x1  }
0xe9: {  	[tilespmem:s24+$0x0] =	vst.msk $0x1, v3  }
0xea: {  	v3 =	vsel vm4, $0x1, v1;
	[tilespmem:$0x90] =	vst v6  }
0xeb: {  	[tilespmem:$0xA0] =	vst v3  }
0xec: {  	[spmem:s12] =	stream.linear.scatter [tilespmem:s25], [sflag:$0x1], $0x1, $0x38;
	[tilespmem:$0xE220] =	vst v63  }
0xed: {  	v3 =	vmctz.xlane vm4;
	_ =	swait.ge [sflag:s3], $0x1  }
0xee: {  	(v2sf) =	vpush v4, $0x0  }
0xef: {  	(v2sf) =	vpush v3, $0x0;
	_ =	sdelay $0xd  }
0xf0: {  	s0 =	spop (v2sf)  }
0xf1: {  	s2 =	spop (v2sf)  }
0xf2: {  	[sflag:s3] =	ssyncset.done $0x0;
	p0 =	sne.s32 s30, s0;
	p1 =	slt.s32 s2, $0xF  }
0xf3: {  	[sflag:s3] =	ssyncadd.s32 $0xFFFFFFFF;
	v3 =	vimm.s32 @!p0 $0xFFFFFFFF;
	s2 =	simm.s32 @!p1 $0xF  }
0xf4: {  	[tilespmem:$0x80] =	vst @!p0 v3;
	s31 =	sadd.s32 $0x90, s2  }
0xf5: {  	[spmem:s10] =	stream.linear.scatter [tilespmem:s31], [sflag:$0x1], $0x1, $0x38;
	[tilespmem:$0xE220] =	vst v63  }
0xf6: {  	_ =	swait.ge [sflag:s3], $0x1  }
0xf7: {  	[sflag:s3] =	ssyncset.done $0x0  }
0xf8: {  	[sflag:s3] =	ssyncadd.s32 $0xFFFFFFFF  }
0xf9: {  	[spmem:s13] =	stream.linear.scatter [tilespmem:s26], [sflag:$0x1], $0x1, $0x38;
	[tilespmem:$0xE220] =	vst v63  }
0xfa: {  	_ =	swait.ge [sflag:s3], $0x1  }
0xfb: {  	[sflag:s3] =	ssyncset.done $0x0  }
0xfc: {  	[sflag:s3] =	ssyncadd.s32 $0xFFFFFFFF;
	(ifvalue) =	ssetifvalue $0xFFFFFFFF;
	v3 =	vld [tilespmem:$0x10];
	_ =	sdelay $0x3  }
.Ltmp16:
0xfd: {  	_ = 	snop;
	(pc) =	sbr.rel .LBB3_4-.Ltmp16, $3  }
0xfe: {  	_ =	sdelay $0x1  }
0xff: {  	(ifvalue) =	ssetifvalue $0xFFFFFFFF  }
0x100: {  	[hbm4b:s1+s14] =	stream.indirect_vreg.scatter [tilespmem:s19], [sflag:$0x9], $0x1, v3, vm0, $0x4038;
	[tilespmem:$0xE220] =	vst v63  }
.LBB3_12:
0x101: {  	s0 =	simm.s32 $0x2  }
0x102: {  	_ =	swait.ge [sflag:s0], $0x1900  }
0x103: {  	[sflag:s0] =	ssyncset.done $0x0  }
0x104: {  	s31 =	simm.s32 $0x9;
	[sflag:s0] =	ssyncadd.s32 $0xFFFFE700  }
0x105: {  	_ =	swait.ge [sflag:s31], $0x10  }
0x106: {  	[sflag:s31] =	ssyncset.done $0x0  }
0x107: {  	[sflag:s31] =	ssyncadd.s32 $0xFFFFFFF0  }
.LBB3_13:
0x108: {  	_ =	sfence.sel $0x180000  }
0x109: {  	s0 =	simm.s32 $0x7;
	[bflag:$0x0] =	sbarrier.arrive $0xFFFF  }
0x10a: {  	s26 =	simm.s32 $0x8;
	[sflag:s0] =	ssyncpa.u1 $0x1  }
0x10b: {  	s28 =	simm.s32 $0x9;
	[sflag:s26] =	ssyncpa.u1 $0x1  }
0x10c: {  	[sflag:s28] =	ssyncpa.u1 $0x1  }
0x10d: {  	_ =	sfence.stream.spmem  }
0x10e: {  	s29 =	simm.s32 $0x3;
	[bflag:$0x0] =	sbarrier.arrive $0xFFFF  }
0x10f: {  	s30 =	simm.s32 $0x4;
	[sflag:s29] =	ssyncpa.u1 $0x1  }
0x110: {  	s31 =	simm.s32 $0x3C;
	s2 =	stileid.u32;
	[sflag:s30] =	ssyncpa.u1 $0x1  }
0x111: {  	p0 =	sne.s32 s2, $0x0;
	[sflag:s31] =	ssyncpa.u1 $0x1  }
0x112: {  	s0 =	simm.s32 @p0 $0x1;
	_ =	sfence @p0  }
0x113: {  	[sflag:s0] =	ssyncpa.u1 @p0 $0x1;
	s0 =	simm.s32 @p0 $0x2  }
0x114: {  	[sflag:s0] =	ssyncpa.u1 @p0 $0x1  }
0x115: {  	_ =	strace @p0 $0x90000059  }
0x116: {  	[bflag:$0x2] =	sbarrier.arrive @p0 $0xFFFF  }
0x117: {  	_ =	shalt @p0  }
.LBB3_14:
0x118: {  	_ =	sfence.stream.spmem;
	s0 =	simm.s32 $0x5  }
0x119: {  	s2 =	simm.s32 $0x80;
	s3 =	simm.s32 $0xC0;
	[sflag:s0] =	ssyncpa.u1 $0x0  }
0x11a: {  	[tilespmem:s3], [sflag:$0x5] =	stream.linear.gather [spmem:s2], $0x20, $0x38;
	[tilespmem:$0xE220] =	vst v63  }
0x11b: {  	s2 =	simm.s32 $0x0;
	s3 =	simm.s32 $0xE0  }
0x11c: {  	[tilespmem:s3], [sflag:$0x5] =	stream.linear.gather [spmem:s2], $0x20, $0x38;
	[tilespmem:$0xE220] =	vst v63  }
.Ltmp17:
0x11d: {  	_ = 	snop;
	(pc) =	sbr.rel .LBB3_15-.Ltmp17, $4  }
0x11e: {  	_ =	swait.ge [sflag:s0], $0x40  }
0x11f: {  	[sflag:s0] =	ssyncset.done $0x0  }
0x120: {  	s31 =	simm.s32 $0x6;
	[sflag:s0] =	ssyncadd.s32 $0xFFFFFFC0  }
0x121: {  	s4 =	simm.s32 $0x0;
	[sflag:s31] =	ssyncpa.u1 $0x0  }
.LBB3_20:
0x122: {  	p0 =	sgt.u32 s0, $0x63FF  }
0x123: {  	s5 =	sshrl.u32 @!p0 s0, $0x3  }
0x124: {  	s0 =	sand.u32 @!p0 $0x7, s0;
	s6 =	simm.s32 @!p0 $0xB0;
	s5 =	sadd.s32 @!p0 s1, s5  }
0x125: {  	[tilespmem:s6], [sflag:$0x6] =	stream.linear.gather @!p0 [hbm4b:s5+s0], $0x1, $0x38;
	[tilespmem:$0xE220] =	vst v63  }
0x126: {  	s0 =	simm.s32 @!p0 $0x6  }
0x127: {  	_ =	swait.ge @!p0 [sflag:s0], $0x1  }
0x128: {  	[sflag:s0] =	ssyncset.done @!p0 $0x0  }
0x129: {  	[sflag:s0] =	ssyncadd.s32 @!p0 $0xFFFFFFFF  }
0x12a: {  	v2 =	vmov @!p0 s4;
	v1 =	vld.msk @!p0 [tilespmem:$0xB0], $0x1;
	_ =	sdelay $0x3  }
0x12b: {  	s0 =	simm.s32 @!p0 $0xE0  }
0x12c: {  	[tilespmem:v2+s0+$0x0], v1 =	vst.idx.ret.add.f32.msk @!p0 $0x1, v1  }
0x12d: {  	[tilespmem:s2+$0xC0] =	vst.msk $0x1, v0  }
0x12e: {  	v0 =	vld.msk [tilespmem:s4+$0xE0], $0x1;
	_ =	sdelay $0x4  }
0x12f: {  	[tilespmem:s2+$0xE0] =	vst.msk $0x1, v0;
	s2 =	sadd.s32 $0x1, s2  }
.LBB3_22:
0x130: {  	s4 =	sadd.s32 $0x1, s4  }
0x131: {  	p0 =	sne.s32 s4, $0x20  }
.Ltmp18:
0x132: {  	_ = 	snop;
	(pc) =	sbr.rel @!p0 .LBB3_23-.Ltmp18, $1  }
0x133: {  	_ =	sdelay $0x3  }
.LBB3_15:
0x134: {  	v0 =	vld.msk [tilespmem:s4+$0xC0], $0x1;
	_ =	sdelay $0x4  }
0x135: {  	(v2sf) =	vpush v0, $0x0;
	_ =	sdelay $0xe  }
0x136: {  	s0 =	spop (v2sf)  }
0x137: {  	p0 =	seq.s32 s0, $0xFFFFFFFF  }
.Ltmp19:
0x138: {  	_ = 	snop;
	(pc) =	sbr.rel @p0 .LBB3_22-.Ltmp19, $1  }
0x139: {  	_ =	sdelay $0x3  }
0x13a: {  	p0 =	slt.s32 s2, $0x1  }
.Ltmp20:
0x13b: {  	_ = 	snop;
	(pc) =	sbr.rel @p0 .LBB3_20-.Ltmp20, $1  }
0x13c: {  	_ =	sdelay $0x3  }
0x13d: {  	s5 =	simm.s32 $0xC0;
	p0 =	por $0x0, $0x0  }
0x13e: {  	v1 =	vld.msk @!p0 [tilespmem:s5+$0x0], $0x1;
	_ =	sdelay $0x4  }
0x13f: {  	(v2sf) =	vpush @!p0 v1, $0x0;
	_ =	sdelay $0xd  }
0x140: {  	p2 =	sne.s32 s2, $0x1  }
.Ltmp21:
0x141: {  	s6 =	spop @!p0 (v2sf);
	(pc) =	sbr.rel @!p2 .LBB3_19-.Ltmp21, $4  }
0x142: {  	p1 =	seq.s32 @!p0 s0, s6  }
0x143: {  	s6 =	simm.s32 $0x0;
	p1 =	por !p1, p0  }
0x144: {  	s8 =	simm.s32 $0xFFFFFFFF;
	s6 =	simm.s32 @p1 $0xFFFFFFFF  }
0x145: {  	s7 =	simm.s32 $0x1;
	s6 =	smov.u32 @p0 s8  }
.LBB3_18:
0x146: {  	s8 =	smov.u32 s6;
	p0 =	sne.s32 s6, $0xFFFFFFFF  }
0x147: {  	s5 =	sadd.s32 $0x1, s5;
	s6 =	smov.u32 s7;
	s7 =	sadd.s32 $0x1, s7  }
0x148: {  	p1 =	sne.s32 s2, s7;
	v1 =	vld.msk @!p0 [tilespmem:s5+$0x0], $0x1;
	_ =	sdelay $0x4  }
0x149: {  	(v2sf) =	vpush @!p0 v1, $0x0;
	_ =	sdelay $0xe  }
.Ltmp22:
0x14a: {  	s9 =	spop @!p0 (v2sf);
	(pc) =	sbr.rel @p1 .LBB3_18-.Ltmp22, $4  }
0x14b: {  	p2 =	seq.s32 @!p0 s0, s9  }
0x14c: {  	p2 =	por !p2, p0  }
0x14d: {  	s6 =	simm.s32 @p2 $0xFFFFFFFF  }
0x14e: {  	s6 =	smov.u32 @p0 s8  }
.LBB3_19:
0x14f: {  	p0 =	sne.s32 s6, $0xFFFFFFFF  }
.Ltmp23:
0x150: {  	_ = 	snop;
	(pc) =	sbr.rel @!p0 .LBB3_20-.Ltmp23, $1  }
0x151: {  	_ =	sdelay $0x3  }
0x152: {  	v0 =	vld.msk [tilespmem:s4+$0xE0], $0x1;
	v1 =	vmov s6  }
.Ltmp24:
0x153: {  	_ = 	snop;
	(pc) =	sbr.rel .LBB3_22-.Ltmp24, $2  }
0x154: {  	_ =	sdelay $0x2  }
0x155: {  	[tilespmem:v1+s3+$0x0], v0 =	vst.idx.ret.add.f32.msk $0x1, v0  }
.LBB3_23:
0x156: {  	p0 =	slt.s32 s2, $0x1  }
.Ltmp25:
0x157: {  	_ = 	snop;
	(pc) =	sbr.rel @p0 .LBB3_27-.Ltmp25, $3  }
0x158: {  	_ =	sdelay $0x1  }
0x159: {  	s0 =	simm.s32 $0x6  }
0x15a: {  	[sflag:s0] =	ssyncpa.u1 $0x1;
	s0 =	simm.s32 $0x0  }
0x15b: {  	s3 =	simm.s32 $0xC0  }
0x15c: {  	v0 =	vld.msk [tilespmem:s3+$0x0], $0x1;
	_ =	sdelay $0x4  }
0x15d: {  	(v2sf) =	vpush v0, $0x0;
	_ =	sdelay $0xe  }
0x15e: {  	s2 =	sadd.s32 $0xFFFFFFFF, s2;
	s4 =	spop (v2sf)  }
0x15f: {  	p1 =	sne.s32 s2, $0x0;
	p0 =	sgt.u32 s4, $0x63FF  }
.Ltmp26:
0x160: {  	s5 =	sshrl.u32 @!p0 s4, $0x3;
	(pc) =	sbr.rel @!p1 .LBB3_26-.Ltmp26, $4  }
0x161: {  	s3 =	simm.s32 $0xE0;
	s4 =	sand.u32 @!p0 $0x7, s4;
	s5 =	sadd.s32 @!p0 s1, s5  }
0x162: {  	[hbm4b:s5+s4] =	stream.linear.scatter @!p0 [tilespmem:s3], [sflag:$0x5], $0x1, $0x38;
	[tilespmem:$0xE220] =	vst v63  }
0x163: {  	s5 =	simm.s32 $0x0  }
0x164: {  	s4 =	simm.s32 $0xC1;
	s5 =	simm.s32 @!p0 $0x4  }
.LBB3_25:
0x165: {  	v0 =	vld.msk [tilespmem:s4+$0x0], $0x1;
	s2 =	sadd.s32 $0xFFFFFFFF, s2;
	s0 =	sadd.s32 s0, s5  }
0x166: {  	p0 =	sne.s32 s2, $0x0;
	_ =	sdelay $0x3  }
0x167: {  	(v2sf) =	vpush v0, $0x0;
	_ =	sdelay $0xe  }
.Ltmp27:
0x168: {  	s6 =	spop (v2sf);
	(pc) =	sbr.rel @p0 .LBB3_25-.Ltmp27, $4  }
0x169: {  	s5 =	simm.s32 $0x0;
	p1 =	sgt.u32 s6, $0x63FF  }
0x16a: {  	s3 =	sadd.s32 $0x1, s3;
	s5 =	simm.s32 @!p1 $0x4;
	s7 =	sshrl.u32 @!p1 s6, $0x3  }
0x16b: {  	s4 =	sadd.s32 $0x1, s4;
	s6 =	sand.u32 @!p1 $0x7, s6;
	s7 =	sadd.s32 @!p1 s1, s7  }
0x16c: {  	[hbm4b:s7+s6] =	stream.linear.scatter @!p1 [tilespmem:s3], [sflag:$0x5], $0x1, $0x38;
	[tilespmem:$0xE220] =	vst v63  }
.LBB3_26:
0x16d: {  	s0 =	sadd.s32 s0, s5  }
0x16e: {  	s0 =	sshrl.u32 s0, $0x2  }
.LBB3_27:
0x16f: {  	s1 =	simm.s32 $0x5  }
0x170: {  	_ =	swait.ge [sflag:s1], s0  }
0x171: {  	s28 =	ssub.s32 $0x0, s0;
	[sflag:s1] =	ssyncset.done $0x0  }
0x172: {  	[sflag:s1] =	ssyncadd.s32 s28  }
0x173: {  	[sflag:s1] =	ssyncpa.u1 $0x1  }
0x174: {  	s29 =	simm.s32 $0x1;
	_ =	sfence  }
0x175: {  	s30 =	simm.s32 $0x2;
	[sflag:s29] =	ssyncpa.u1 $0x1  }
0x176: {  	[sflag:s30] =	ssyncpa.u1 $0x1  }
0x177: {  	_ =	strace $0x90000059  }
0x178: {  	[bflag:$0x2] =	sbarrier.arrive $0xFFFF  }
0x179: {  	s31 =	rddreg [dreg:$0x1]  }
0x17a: {  	s0 =	sadd.s32 $0x100000, s31  }
0x17b: {  	[sflag:s0] =	ssyncadd.tile.s32 $0x1;
	_ =	shalt  }
.Lfunc_end3:
_tile_overlayer_lowered:
.L_overlay_start_3:
0x17c: {  	(tag) =	ssettag $0x3  }
0x17d: {  	s0 =	rddreg [dreg:$0x0];
	s2 =	stileid.u32  }
0x17e: {  	s1 =	rddreg [dreg:$0x1];
	p0 =	sne.s32 s2, $0x0  }
0x17f: {  	s3 =	rddreg [dreg:$0x2];
	[bflag:$0x3] =	sbarrier.arrive $0xFFFF;
	s2 =	simm.s32 @!p0 $0x1C01  }
0x180: {  	[timem:s3], [sflag:s2] =	dma.local @!p0 [hbm:s0], s1  }
0x181: {  	s0 =	simm.s32 @!p0 $0x1  }
0x182: {  	_ =	swait.ge @!p0 [sflag:s0], s1  }
0x183: {  	s1 =	ssub.s32 @!p0 $0x0, s1;
	[sflag:s0] =	ssyncset.done @!p0 $0x0  }
0x184: {  	[sflag:s0] =	ssyncadd.s32 @!p0 s1  }
0x185: {  	[bflag:$0x3] =	sbarrier.arrive $0xFFFF  }
0x186: {  	_ =	shalt  }

// kernel: scatter_offload_async_start
scs
__scs_entry_jumppad:
0x0: {  	(pc) =	sbr.rel $0x88, $3  }
0x1: {  	(tag) =	ssettag $0x0;
	lr =	simm.s32 $0x1  }
0x2: {  	[smem:$0x3F8F] =	sst lr;
	_ =	strace $0xD0000000  }
0x3: {  	_ = 	snop  }
0x4: {  	_ = 	snop  }
0x5: {  	_ = 	snop  }
0x6: {  	_ = 	snop  }
0x7: {  	_ = 	snop  }
__scs_overlays_trampoline_lowered:
0x8: {  	[smem:$0x3F9E] =	sst s0  }
0x9: {  	[smem:$0x3F9F] =	sst s1  }
0xa: {  	[smem:$0x3FA0] =	sst s2  }
0xb: {  	[smem:$0x3FA1] =	sst s3  }
0xc: {  	[smem:$0x3FA2] =	sst s4  }
0xd: {  	[smem:$0x3FA3] =	sst s5  }
0xe: {  	[smem:$0x3FA4] =	sst s6  }
0xf: {  	[smem:$0x3FA5] =	sst s7  }
0x10: {  	[smem:$0x3FA6] =	sst s8  }
0x11: {  	[smem:$0x3FA7] =	sst s9;
	s0 =	simm.s32 @!p0 $0x0  }
0x12: {  	s1 =	sld [smem:$0x3F8D];
	s0 =	simm.s32 @p0 $0x1  }
0x13: {  	[smem:$0x3FA8] =	sst s0;
	s0 =	simm.s32 @!p1 $0x0  }
0x14: {  	s2 =	sld [smem:$0x3F8C];
	s0 =	simm.s32 @p1 $0x1  }
0x15: {  	[smem:$0x3FA9] =	sst s0;
	s0 =	simm.s32 @!p2 $0x0  }
0x16: {  	s3 =	sld [smem:$0x3FDB];
	s0 =	simm.s32 @p2 $0x1  }
0x17: {  	s4 =	simm.s32 $0x1BF5;
	[smem:$0x3FAB] =	sst s0  }
0x18: {  	s0 =	sld [smem:$0x3F8E];
	_ =	swait.ge [sflag:s4], $0x0  }
0x19: {  	s7 =	sld [smem:$0x3F8F]  }
0x1a: {  	s8 =	sadd.s32 $0xFFFFE003, lr  }
0x1b: {  	s9 =	sadd.s32 $0xFFFFFEF7, lr;
	s5 =	simm.s32 $0xFFFFFFFF;
	p2 =	slt.u32 s8, $0xFFFFF086  }
0x1c: {  	p1 =	slt.u32 s9, $0xF7A;
	s5 =	simm.s32 @!p2 $0x0  }
0x1d: {  	s5 =	simm.s32 @p1 $0x1;
	p0 =	seq.s32 s7, s2  }
0x1e: {  	s7 =	smul.u32 @!p0 $0xF7A, s2;
	p2 =	seq.s32 @!p0 s5, $0x0  }
0x1f: {  	s9 =	smul.u32 $0xF7A, s1;
	s8 =	simm.s32 @!p0 $0x1BF5;
	p2 =	por !p2, p0  }
0x20: {  	[sflag:s8] =	ssyncset.s32 @!p0 $0xFFFFF086;
	s6 =	sadd.s32 @!p0 s3, s7;
	s7 =	simm.s32 @!p0 $0x108  }
0x21: {  	s3 =	sadd.s32 s3, s9;
	s6 =	sadd.s32 @!p0 $0x88, s6;
	s7 =	simm.s32 @p2 $0x1082  }
0x22: {  	[simem:s7], [sflag:s8] =	dma.local @!p0 [hbm:s6], $0xF7A  }
0x23: {  	s9 =	sor.u32 $0xD0000000, s2;
	s6 =	simm.s32 $0x108;
	_ =	swait.ge @!p0 [sflag:s8], $0x0  }
0x24: {  	s3 =	sadd.s32 $0x88, s3;
	s6 =	simm.s32 @!p1 $0x1082;
	[sflag:s4] =	ssyncset.s32 $0xFFFFF086  }
0x25: {  	[simem:s6], [sflag:s4] =	dma.local [hbm:s3], $0xF7A  }
0x26: {  	[smem:$0x3F8F] =	sst s1;
	(tag) =	ssettag s2;
	_ =	strace s9  }
0x27: {  	s1 =	sld [smem:$0x3F9F]  }
0x28: {  	s2 =	sld [smem:$0x3FA0]  }
0x29: {  	s4 =	sld [smem:$0x3FA2]  }
0x2a: {  	p0 =	seq.s32 s5, $0x0;
	s5 =	sld [smem:$0x3FA3]  }
0x2b: {  	s6 =	sld [smem:$0x3FA4]  }
0x2c: {  	s7 =	sld [smem:$0x3FA5]  }
0x2d: {  	s3 =	simm.s32 $0x108;
	s8 =	sld [smem:$0x3FA6]  }
0x2e: {  	s3 =	simm.s32 @!p0 $0x1082;
	s9 =	sld [smem:$0x3FA7]  }
0x2f: {  	lr =	sadd.s32 s0, s3;
	s0 =	sld [smem:$0x3F9E]  }
0x30: {  	s3 =	sld [smem:$0x3FA1]  }
0x31: {  	[smem:$0x3FAA] =	sst s10  }
0x32: {  	s10 =	sld [smem:$0x3FA8];
	_ =	sdelay $0x3  }
0x33: {  	p0 =	seq.s32 s10, $0x1;
	s10 =	sld [smem:$0x3FAA];
	_ =	sdelay $0x3  }
0x34: {  	[smem:$0x3FAA] =	sst s10  }
0x35: {  	s10 =	sld [smem:$0x3FA9];
	_ =	sdelay $0x3  }
0x36: {  	p1 =	seq.s32 s10, $0x1;
	s10 =	sld [smem:$0x3FAA];
	_ =	sdelay $0x3  }
0x37: {  	[smem:$0x3FAA] =	sst s10  }
0x38: {  	s10 =	sld [smem:$0x3FAB]  }
0x39: {  	_ = 	snop;
	(pc) =	sbr.ind lr, $3  }
0x3a: {  	_ = 	snop  }
0x3b: {  	_ = 	snop  }
0x3c: {  	p2 =	seq.s32 s10, $0x1;
	s10 =	sld [smem:$0x3FAA]  }
0x3d: {  	_ =	shalt  }
0x3e: {  	_ =	shalt  }
0x3f: {  	_ =	shalt  }
0x40: {  	_ =	shalt  }
0x41: {  	_ =	shalt  }
0x42: {  	_ =	shalt  }
0x43: {  	_ =	shalt  }
0x44: {  	_ =	shalt  }
0x45: {  	_ =	shalt  }
0x46: {  	_ =	shalt  }
0x47: {  	_ =	shalt  }
0x48: {  	_ =	shalt  }
0x49: {  	_ =	shalt  }
0x4a: {  	_ =	shalt  }
0x4b: {  	_ =	shalt  }
0x4c: {  	_ =	shalt  }
0x4d: {  	_ =	shalt  }
0x4e: {  	_ =	shalt  }
0x4f: {  	_ =	shalt  }
0x50: {  	_ =	shalt  }
0x51: {  	_ =	shalt  }
0x52: {  	_ =	shalt  }
0x53: {  	_ =	shalt  }
0x54: {  	_ =	shalt  }
0x55: {  	_ =	shalt  }
0x56: {  	_ =	shalt  }
0x57: {  	_ =	shalt  }
0x58: {  	_ =	shalt  }
0x59: {  	_ =	shalt  }
0x5a: {  	_ =	shalt  }
0x5b: {  	_ =	shalt  }
0x5c: {  	_ =	shalt  }
0x5d: {  	_ =	shalt  }
0x5e: {  	_ =	shalt  }
0x5f: {  	_ =	shalt  }
0x60: {  	_ =	shalt  }
0x61: {  	_ =	shalt  }
0x62: {  	_ =	shalt  }
0x63: {  	_ =	shalt  }
0x64: {  	_ =	shalt  }
0x65: {  	_ =	shalt  }
0x66: {  	_ =	shalt  }
0x67: {  	_ =	shalt  }
0x68: {  	_ =	shalt  }
0x69: {  	_ =	shalt  }
0x6a: {  	_ =	shalt  }
0x6b: {  	_ =	shalt  }
0x6c: {  	_ =	shalt  }
0x6d: {  	_ =	shalt  }
0x6e: {  	_ =	shalt  }
0x6f: {  	_ =	shalt  }
0x70: {  	_ =	shalt  }
0x71: {  	_ =	shalt  }
0x72: {  	_ =	shalt  }
0x73: {  	_ =	shalt  }
0x74: {  	_ =	shalt  }
0x75: {  	_ =	shalt  }
0x76: {  	_ =	shalt  }
0x77: {  	_ =	shalt  }
0x78: {  	_ =	shalt  }
0x79: {  	_ =	shalt  }
0x7a: {  	_ =	shalt  }
0x7b: {  	_ =	shalt  }
0x7c: {  	_ =	shalt  }
0x7d: {  	_ =	shalt  }
0x7e: {  	_ =	shalt  }
0x7f: {  	_ =	shalt  }
0x80: {  	_ =	shalt  }
0x81: {  	_ =	shalt  }
0x82: {  	_ =	shalt  }
0x83: {  	_ =	shalt  }
0x84: {  	_ =	shalt  }
0x85: {  	_ =	shalt  }
0x86: {  	_ =	shalt  }
0x87: {  	_ =	shalt  }
.Lfunc_end0:
.L_simem_size_0:
called_computation_lowered:
.L_overlay_start_0:
0x88: {  	s0 =	sld [smem:$0x3FD9]  }
0x89: {  	s1 =	sld [smem:$0x3FFE];
	_ =	sdelay $0x3  }
0x8a: {  	s0 =	sadd.s32 s1, s0  }
0x8b: {  	[smem:$0x3FB6] =	sst s0  }
0x8c: {  	_ = 	snop  }
0x8d: {  	s0 =	sld [smem:$0x3FD0];
	_ =	sdelay $0x2  }
0x8e: {  	s12 =	simm.s32 $0xF;
	s2 =	simm.s32 $0x10  }
0x8f: {  	[smem:s2], [sflag:s12] =	dma.local [hbm:s0], $0x1  }
0x90: {  	_ =	swait.eq [sflag:s12], $0x1  }
0x91: {  	[sflag:s12] =	ssyncset.done $0x0  }
0x92: {  	[sflag:s12] =	ssyncadd.s32 $0xFFFFFFFF  }
0x93: {  	s13 =	sld [smem:$0x10];
	(tm) =	ssettm $0x1  }
0x94: {  	s14 =	sld [smem:$0x3FFB];
	_ =	sdelay $0x3  }
0x95: {  	_ =	strace s14  }
0x96: {  	s0 =	sld [smem:$0x3FFC];
	_ =	sdelay $0x3  }
0x97: {  	_ =	strace s0  }
0x98: {  	s0 =	sld [smem:$0x3FFD];
	_ =	sdelay $0x3  }
0x99: {  	_ =	strace s0  }
0x9a: {  	_ =	strace $0x8FFFFFFF  }
0x9b: {  	s15 =	sld [smem:$0x3FDB];
	_ =	sdelay $0x1  }
0x9c: {  	s16 =	simm.s32 $_scs_section_size  }
0x9d: {  	s3 =	simm.s32 $_size__tile_overlayer_lowered;
	s4 =	simm.s32 $_tile_overlayer_lowered  }
0x9e: {  	s5 =	simm.s32 $0x1BFF;
	s17 =	sshll.u32 s4, $0x1;
	s2 =	sadd.s32 s16, s15  }
0x9f: {  	s18 =	simm.s32 $0x0;
	s3 =	sshll.u32 s3, $0x1;
	s4 =	sadd.s32 s17, s2  }
0xa0: {  	[timem:s18], [sflag:s5] =	dma.local [hbm:s4], s3  }
0xa1: {  	_ =	swait.ge [sflag:s5], s3  }
0xa2: {  	s3 =	ssub.s32 $0x0, s3;
	[sflag:s5] =	ssyncset.done $0x0  }
0xa3: {  	[sflag:s5] =	ssyncadd.s32 s3;
	_ =	sdelay $0x1  }
0xa4: {  	s19 =	simm.s32 $0x1B8B  }
0xa5: {  	_ =	swait.ge [sflag:s19], $0x1  }
0xa6: {  	[sflag:s19] =	ssyncset.done $0x0  }
0xa7: {  	s21 =	simm.s32 $0x1B8E;
	s20 =	sld [smem:$0x3FFE];
	[sflag:s19] =	ssyncadd.s32 $0xFFFFFFFF  }
0xa8: {  	s22 =	simm.s32 $execute0_lowered;
	[smem:$0x3FD2] =	sst s21  }
0xa9: {  	s4 =	sshll.u32 s22, $0x1;
	_ =	strace $0x8000005B;
	[dreg:$0x1] =	wrdreg $0xFFFFFFFF  }
0xaa: {  	s23 =	simm.s32 $_size_execute0_lowered;
	s4 =	sadd.s32 s2, s4;
	[dreg:$0x0] =	wrdreg $0x0  }
0xab: {  	s5 =	sshll.u32 s23, $0x1;
	[dreg:$0x2] =	wrdreg s4  }
0xac: {  	[dreg:$0x3] =	wrdreg s5  }
0xad: {  	[dreg:$0x4] =	wrdreg $0xC0  }
0xae: {  	s24 =	simm.s32 $execute1_lowered;
	_ =	task [dreg:s18], $0x5FFFF  }
0xaf: {  	s4 =	sshll.u32 s24, $0x1;
	[dreg:$0x1] =	wrdreg $0xFFFFFFFF  }
0xb0: {  	s2 =	sadd.s32 s2, s4;
	[dreg:$0x0] =	wrdreg $0x60  }
0xb1: {  	[dreg:$0x2] =	wrdreg s2  }
0xb2: {  	[dreg:$0x3] =	wrdreg s13  }
0xb3: {  	[dreg:$0x4] =	wrdreg s20  }
0xb4: {  	[dreg:$0x5] =	wrdreg $0xB  }
0xb5: {  	_ =	task.clear_ibuf [dreg:s18], $0x6FFFF;
	_ =	strace $0x9000005B  }
0xb6: {  	s25 =	simm.s32 $0xB;
	_ =	strace $0x8000005D  }
0xb7: {  	_ =	swait.ge [sflag:s25], $0x1  }
0xb8: {  	[sflag:s25] =	ssyncadd.s32 $0xFFFFFFFF  }
0xb9: {  	_ =	strace $0x9000005D  }
0xba: {  	_ =	strace $0x8000005E;
	[dreg:$0x1] =	wrdreg $0xFFFFFFFF  }
0xbb: {  	[dreg:$0x0] =	wrdreg $0x2030  }
0xbc: {  	[dreg:$0x2] =	wrdreg s20  }
0xbd: {  	[dreg:$0x3] =	wrdreg $0xC  }
0xbe: {  	_ =	task.clear_ibuf [dreg:s18], $0x4FFFF;
	_ =	strace $0x9000005E  }
0xbf: {  	s26 =	simm.s32 $0xC;
	_ =	strace $0x80000060  }
0xc0: {  	_ =	swait.ge [sflag:s26], $0x1  }
0xc1: {  	[sflag:s26] =	ssyncadd.s32 $0xFFFFFFFF  }
0xc2: {  	_ =	strace $0x90000060  }
0xc3: {  	_ =	sfence  }
0xc4: {  	s28 =	sld [smem:$0x0];
	_ =	sdelay $0x1  }
0xc5: {  	s29 =	srdreg.scid  }
0xc6: {  	s30 =	sshll.u32 s29, $0xD;
	s31 =	sshrl.u32 s29, $0x2  }
0xc7: {  	s3 =	sand.u32 $0x4000, s30;
	s2 =	sand.u32 $0x1, s29;
	s1 =	sadd.s32 s31, s28  }
0xc8: {  	s2 =	sor.u32 s3, s2;
	s1 =	sshll.u32 s1, $0x11  }
0xc9: {  	s1 =	sor.u32 s1, s2  }
0xca: {  	s1 =	sadd.s32 $0x8F2B, s1  }
0xcb: {  	[sflag:s1] =	ssyncadd.remote.s32 $0x1  }
0xcc: {  	_ =	sfence.sel $0xFFFF  }
0xcd: {  	[dreg:$0x0] =	wrdreg $0xFFFFFFFF;
	(pc) =	sbr.abs _section_cstart, $3  }
0xce: {  	[dreg:$0x1] =	wrdreg $0xFFFFFFFF  }
0xcf: {  	_ =	task.clear_ibuf [dreg:s18], $0x2FFFF;
	_ =	strace $0x9FFFFFFF  }
0xd0: {  	(tm) =	ssettm $0x7FFFFFFF  }
0xd1: {  	_ =	shalt  }
tec
execute0_lowered:
.L_overlay_start_1:
0x0: {  	(tag) =	ssettag $0x1  }
0x1: {  	s2 =	rddreg [dreg:$0x0]  }
0x2: {  	s5 =	rddreg [dreg:$0x1]  }
0x3: {  	s4 =	rddreg [dreg:$0x2]  }
0x4: {  	s0 =	rddreg [dreg:$0x3];
	s3 =	stileid.u32  }
0x5: {  	[bflag:$0x3] =	sbarrier.arrive $0xFFFF;
	s1 =	simm.s32 $_size_execute1_lowered;
	p0 =	sne.s32 s3, $0x0  }
0x6: {  	s1 =	sshll.u32 s1, $0x1;
	s6 =	simm.s32 @!p0 $0x1C3F;
	s7 =	simm.s32 @!p0 $0x4060  }
0x7: {  	[timem:s7], [sflag:s6] =	dma.local @!p0 [hbm:s2], s1  }
.Ltmp0:
0x8: {  	s30 =	simm.s32 $0x2;
	s8 =	simm.s32 $0x12C0;
	(pc) =	sbr.rel .LBB2_1-.Ltmp0, $4  }
0x9: {  	s10 =	simm.s32 $0x0;
	s9 =	simm.s32 $0x0;
	s2 =	smul.u32 $0x640, s3  }
0xa: {  	s4 =	sadd.s32 $0x12E00, s4;
	s3 =	simm.s32 $0x1;
	_ =	strace $0x8000005C  }
0xb: {  	s6 =	simm.s32 $0x0;
	[sflag:s3] =	ssyncpa.u1 $0x0;
	s31 =	sshrl.u32 s2, $0x3  }
0xc: {  	s7 =	simm.s32 $0x640;
	[sflag:s30] =	ssyncpa.u1 $0x0;
	s5 =	sadd.s32 s31, s5  }
.LBB2_9:
0xd: {  	p1 =	seq.s32 s9, $0x2  }
.Ltmp1:
0xe: {  	_ = 	snop;
	(pc) =	sbr.rel @p1 .LBB2_11-.Ltmp1, $1  }
0xf: {  	_ =	sdelay $0x3  }
.LBB2_10:
0x10: {  	s9 =	sadd.s32 $0x1, s9;
	s10 =	smov.u32 s2  }
.LBB2_1:
0x11: {  	p1 =	sne.s32 s9, $0x0  }
.Ltmp2:
0x12: {  	_ = 	snop;
	(pc) =	sbr.rel @!p1 .LBB2_2-.Ltmp2, $1  }
0x13: {  	_ =	sdelay $0x3  }
0x14: {  	s11 =	sand.u32 $0x1, s9  }
0x15: {  	p1 =	seq.s32 s11, $0x0  }
.Ltmp3:
0x16: {  	_ = 	snop;
	(pc) =	sbr.rel @p1 .LBB2_9-.Ltmp3, $1  }
0x17: {  	_ =	sdelay $0x3  }
0x18: {  	_ =	swait.ge [sflag:s3], $0x640  }
0x19: {  	[sflag:s3] =	ssyncset.done $0x0  }
0x1a: {  	s16 =	simm.s32 $0x730;
	[sflag:s3] =	ssyncadd.s32 $0xFFFFF9C0  }
0x1b: {  	v0 =	vld [tilespmem:s16+$0x0]  }
0x1c: {  	v1 =	vld [tilespmem:s16+$0xFFFFFF20]  }
0x1d: {  	v2 =	vld [tilespmem:s16+$0xFFFFFF30]  }
0x1e: {  	v3 =	vld [tilespmem:s16+$0xFFFFFF40]  }
0x1f: {  	s11 =	simm.s32 $0x13B0;
	v4 =	vld [tilespmem:s16+$0xFFFFFF50]  }
0x20: {  	v5 =	vld [tilespmem:s16+$0xFFFFFF60];
	[tilespmem:s11+$0x0] =	vst v0  }
0x21: {  	[tilespmem:s11+$0xFFFFFF20] =	vst v1;
	v0 =	vld [tilespmem:s16+$0xFFFFFF70]  }
0x22: {  	[tilespmem:s11+$0xFFFFFF30] =	vst v2;
	v1 =	vld [tilespmem:s16+$0xFFFFFF80]  }
0x23: {  	[tilespmem:s11+$0xFFFFFF40] =	vst v3;
	v2 =	vld [tilespmem:s16+$0xFFFFFF90]  }
0x24: {  	[tilespmem:s11+$0xFFFFFF50] =	vst v4;
	v3 =	vld [tilespmem:s16+$0xFFFFFFA0]  }
0x25: {  	[tilespmem:s11+$0xFFFFFF60] =	vst v5;
	v5 =	vld [tilespmem:s16+$0xFFFFFFB0]  }
0x26: {  	[tilespmem:s11+$0xFFFFFF70] =	vst v0;
	v0 =	vld [tilespmem:s16+$0xFFFFFFC0]  }
0x27: {  	[tilespmem:s11+$0xFFFFFF80] =	vst v1;
	v1 =	vld [tilespmem:s16+$0xFFFFFFD0]  }
0x28: {  	[tilespmem:s11+$0xFFFFFF90] =	vst v2;
	v2 =	vld [tilespmem:s16+$0xFFFFFFE0]  }
0x29: {  	s15 =	simm.s32 $0x0;
	s12 =	simm.s32 $0x5F0;
	[tilespmem:s11+$0xFFFFFFA0] =	vst v3;
	v3 =	vld [tilespmem:s16+$0xFFFFFFF0]  }
0x2a: {  	s13 =	simm.s32 $0x18C0;
	s14 =	simm.s32 $0xC40;
	v4 =	vld [tilespmem:s16+$0xFFFFFF10];
	[tilespmem:s11+$0xFFFFFFB0] =	vst v5;
	s16 =	simm.s32 $0x830  }
.LBB2_5:
0x2b: {  	v5 =	vld [tilespmem:s16+$0x0];
	s15 =	sadd.s32 $0x100, s15;
	[tilespmem:s11+$0xFFFFFFC0] =	vst v0  }
0x2c: {  	v0 =	vld [tilespmem:s16+$0xFFFFFF20];
	p1 =	slt.u32 s15, $0x500;
	[tilespmem:s11+$0xFFFFFFD0] =	vst v1  }
0x2d: {  	v1 =	vld [tilespmem:s16+$0xFFFFFF30];
	[tilespmem:s11+$0xFFFFFFE0] =	vst v2  }
0x2e: {  	v2 =	vld [tilespmem:s16+$0xFFFFFF40];
	[tilespmem:s11+$0xFFFFFFF0] =	vst v3  }
0x2f: {  	v3 =	vld [tilespmem:s16+$0xFFFFFF50];
	[tilespmem:s11+$0xFFFFFF10] =	vst v4;
	s11 =	sadd.s32 $0x100, s11  }
0x30: {  	v4 =	vld [tilespmem:s16+$0xFFFFFF60];
	[tilespmem:s11+$0x0] =	vst v5  }
0x31: {  	[tilespmem:s11+$0xFFFFFF20] =	vst v0;
	v0 =	vld [tilespmem:s16+$0xFFFFFF70]  }
0x32: {  	[tilespmem:s11+$0xFFFFFF30] =	vst v1;
	v1 =	vld [tilespmem:s16+$0xFFFFFF80]  }
0x33: {  	[tilespmem:s11+$0xFFFFFF40] =	vst v2;
	v2 =	vld [tilespmem:s16+$0xFFFFFF90]  }
0x34: {  	[tilespmem:s11+$0xFFFFFF50] =	vst v3;
	v3 =	vld [tilespmem:s16+$0xFFFFFFA0]  }
0x35: {  	[tilespmem:s11+$0xFFFFFF60] =	vst v4;
	v5 =	vld [tilespmem:s16+$0xFFFFFFB0]  }
.Ltmp4:
0x36: {  	[tilespmem:s11+$0xFFFFFF70] =	vst v0;
	v0 =	vld [tilespmem:s16+$0xFFFFFFC0];
	(pc) =	sbr.rel @p1 .LBB2_5-.Ltmp4, $4  }
0x37: {  	[tilespmem:s11+$0xFFFFFF80] =	vst v1;
	v1 =	vld [tilespmem:s16+$0xFFFFFFD0]  }
0x38: {  	[tilespmem:s11+$0xFFFFFF90] =	vst v2;
	v2 =	vld [tilespmem:s16+$0xFFFFFFE0]  }
0x39: {  	[tilespmem:s11+$0xFFFFFFA0] =	vst v3;
	v3 =	vld [tilespmem:s16+$0xFFFFFFF0]  }
0x3a: {  	v4 =	vld [tilespmem:s16+$0xFFFFFF10];
	[tilespmem:s11+$0xFFFFFFB0] =	vst v5;
	s16 =	sadd.s32 $0x100, s16  }
0x3b: {  	[tilespmem:s11+$0xFFFFFFC0] =	vst v0  }
0x3c: {  	[tilespmem:s11+$0xFFFFFFD0] =	vst v1  }
0x3d: {  	[tilespmem:s11+$0xFFFFFFE0] =	vst v2  }
0x3e: {  	[tilespmem:s11+$0xFFFFFFF0] =	vst v3  }
0x3f: {  	[tilespmem:s11+$0xFFFFFF10] =	vst v4  }
.LBB2_7:
0x40: {  	s12 =	sadd.s32 $0x10, s12  }
0x41: {  	v0 =	vld [tilespmem:s14+$0x0];
	p1 =	slt.u32 s12, $0x630  }
.Ltmp5:
0x42: {  	_ = 	snop;
	(pc) =	sbr.rel @p1 .LBB2_7-.Ltmp5, $2  }
0x43: {  	_ =	sdelay $0x2  }
0x44: {  	s14 =	sadd.s32 $0x10, s14;
	[tilespmem:s13+$0x0] =	vst v0;
	s13 =	sadd.s32 $0x10, s13  }
.Ltmp6:
0x45: {  	(pc) =	sbr.rel .LBB2_9-.Ltmp6, $4  }
0x46: {  	_ = 	snop  }
0x47: {  	s10 =	sshrl.u32 s10, $0x3  }
0x48: {  	s10 =	sadd.s32 s4, s10  }
0x49: {  	[hbm4b:s10+s6] =	stream.linear.scatter [tilespmem:s8], [sflag:$0x2], $0x640, $0x38;
	[tilespmem:$0x1900] =	vst v63  }
.LBB2_2:
.Ltmp7:
0x4a: {  	(pc) =	sbr.rel .LBB2_10-.Ltmp7, $2  }
0x4b: {  	_ =	sdelay $0x2  }
0x4c: {  	[tilespmem:s7], [sflag:$0x1] =	stream.linear.gather [hbm4b:s5+s6], $0x640, $0x38;
	[tilespmem:$0x1900] =	vst v63  }
.LBB2_11:
0x4d: {  	s2 =	simm.s32 $0x2  }
0x4e: {  	_ =	swait.ge [sflag:s2], $0x640  }
0x4f: {  	[sflag:s2] =	ssyncset.done $0x0  }
0x50: {  	[sflag:s2] =	ssyncadd.s32 $0xFFFFF9C0  }
0x51: {  	_ =	sfence.sel $0x180000  }
0x52: {  	s3 =	simm.s32 $0x1;
	[bflag:$0x0] =	sbarrier.arrive $0xFFFF  }
0x53: {  	[sflag:s3] =	ssyncpa.u1 $0x1  }
0x54: {  	[sflag:s2] =	ssyncpa.u1 $0x1  }
0x55: {  	_ =	strace $0x9000005C  }
0x56: {  	s0 =	sadd.s32 @!p0 $0x100000, s0;
	[bflag:$0x2] =	sbarrier.arrive $0xFFFF  }
0x57: {  	[sflag:s0] =	ssyncadd.tile.s32 @!p0 $0x1;
	s0 =	simm.s32 @!p0 $0x3F  }
0x58: {  	_ =	swait.ge @!p0 [sflag:s0], s1  }
0x59: {  	s1 =	ssub.s32 @!p0 $0x0, s1;
	[sflag:s0] =	ssyncset.done @!p0 $0x0  }
0x5a: {  	[sflag:s0] =	ssyncadd.s32 @!p0 s1  }
0x5b: {  	[bflag:$0x3] =	sbarrier.arrive $0xFFFF  }
0x5c: {  	_ =	shalt  }
.Lfunc_end2:
execute1_lowered:
.L_overlay_start_2:
0x5d: {  	(tag) =	ssettag $0x2  }
0x5e: {  	s0 =	rddreg [dreg:$0x0];
	_ =	strace $0x8000005F;
	s3 =	simm.s32 $0x1  }
0x5f: {  	v1 =	vimm.s32 $0xFFFFFFFF;
	[sflag:s3] =	ssyncpa.u1 $0x0  }
0x60: {  	[tilespmem:$0x10] =	vst v1  }
0x61: {  	v0 =	vimm.f32 $0.0e+00;
	[tilespmem:$0x20] =	vst v1  }
0x62: {  	[tilespmem:$0x30] =	vst v0  }
0x63: {  	s2 =	simm.s32 $0x2;
	s26 =	stileid.u32;
	s5 =	simm.s32 $0x7;
	[tilespmem:$0x40] =	vst v0  }
0x64: {  	s7 =	simm.s32 $0x8;
	s31 =	simm.s32 $0x9;
	s14 =	simm.s32 $0x0;
	[tilespmem:$0x50] =	vst v0  }
0x65: {  	s15 =	simm.s32 $0x100;
	s18 =	simm.s32 $0x10;
	s19 =	simm.s32 $0xE200;
	[tilespmem:$0x60] =	vst v1  }
0x66: {  	s20 =	simm.s32 $0xF;
	s21 =	simm.s32 $0x50;
	s22 =	simm.s32 $0x64FF;
	[tilespmem:$0x70] =	vst v1  }
0x67: {  	s23 =	simm.s32 $0x20;
	s24 =	simm.s32 $0x30;
	s25 =	simm.s32 $0xC8FF;
	[tilespmem:$0x80] =	vst v1  }
0x68: {  	s30 =	simm.s32 $0x0;
	s29 =	simm.s32 $0x0;
	s6 =	smul.u32 $0x1900, s26;
	v1 =	vimm.s32 $0x0;
	[tilespmem:$0xB0] =	vst v0  }
.Ltmp8:
0x69: {  	s1 =	sadd.s32 $0x12E00, s0;
	s4 =	sadd.s32 $0x44E00, s0;
	[tilespmem:$0x90] =	vst v1;
	(pc) =	sbr.rel .LBB3_1-.Ltmp8, $4  }
0x6a: {  	s8 =	sadd.s32 $0x48000, s0;
	s10 =	sshll.u32 s26, $0x1;
	[tilespmem:$0xA0] =	vst v1;
	[sflag:s2] =	ssyncpa.u1 $0x0  }
0x6b: {  	s12 =	sshllo.u32 s26, $0x1;
	s26 =	simm.s32 $0x80;
	[sflag:s5] =	ssyncpa.u1 $0x0  }
0x6c: {  	vm0 =	vmmov $0xffff;
	v2 =	vlaneseq.u32;
	s11 =	sor.u32 $0x81, s10;
	s13 =	sor.u32 $0x80, s10;
	[sflag:s7] =	ssyncpa.u1 $0x0  }
0x6d: {  	vm1 =	vmxor vm1, vm1;
	vm2 =	vmmov $0x1;
	vm3 =	vcmask $0x3F3C;
	s9 =	sadd.s32 $0x1900, s6;
	s28 =	smov.u32 s6;
	[sflag:s31] =	ssyncpa.u1 $0x0  }
.LBB3_3:
0x6e: {  	s0 =	sshrl.u32 s28, $0x3  }
0x6f: {  	s2 =	sand.u32 $0x7, s28;
	s0 =	sadd.s32 s4, s0  }
0x70: {  	[tilespmem:s15], [sflag:$0x7] =	stream.linear.gather [hbm4b:s0+s2], $0x1900, $0x38;
	[tilespmem:$0xE220] =	vst v63  }
.LBB3_4:
0x71: {  	s0 =	sadd.s32 $0x1900, s28  }
0x72: {  	s2 =	smov.u32 s6;
	s29 =	sadd.s32 $0x1, s29;
	p0 =	slt.s32 s0, s9  }
0x73: {  	s2 =	smov.u32 @p0 s0;
	p0 =	sne.s32 s29, $0x4  }
.Ltmp9:
0x74: {  	_ = 	snop;
	(pc) =	sbr.rel @!p0 .LBB3_13-.Ltmp9, $2  }
0x75: {  	_ =	sdelay $0x2  }
0x76: {  	s30 =	smov.u32 s28;
	s28 =	smov.u32 s2  }
.LBB3_1:
0x77: {  	p0 =	sgt.s32 s29, $0x1  }
.Ltmp10:
0x78: {  	_ = 	snop;
	(pc) =	sbr.rel @p0 .LBB3_11-.Ltmp10, $1  }
0x79: {  	_ =	sdelay $0x3  }
0x7a: {  	p0 =	seq.s32 s29, $0x0  }
.Ltmp11:
0x7b: {  	_ = 	snop;
	(pc) =	sbr.rel @p0 .LBB3_3-.Ltmp11, $1  }
0x7c: {  	_ =	sdelay $0x3  }
0x7d: {  	_ =	swait.ge [sflag:s5], $0x1900  }
0x7e: {  	[sflag:s5] =	ssyncset.done $0x0  }
0x7f: {  	[sflag:s5] =	ssyncadd.s32 $0xFFFFE700;
	(ifvalue) =	ssetifvalue $0xFFFFFFFF;
	v3 =	vld.msk [tilespmem:s15+$0x0 ss:$0x1], $0xffff;
	_ =	sdelay $0x4  }
0x80: {  	v4 =	vperm.xlane v3, v1  }
0x81: {  	vm4 =	vlt.u32 v3, $0x6400  }
0x82: {  	v3 =	vnsel vm4, $0xFFFFFFFE, v3;
	vm4 =	vlt.u32 v4, $0x6400  }
0x83: {  	[tilespmem:$0x70] =	vst v3;
	v3 =	vnsel vm4, $0xFFFFFFFE, v4  }
0x84: {  	s17 =	simm.s32 $0x19F0;
	[tilespmem:$0x80] =	vst v3  }
0x85: {  	v3 =	vld.msk [tilespmem:s17+$0x0 ss:$0x1], $0xffff;
	_ =	sdelay $0x4  }
0x86: {  	(xrf1) =	vunique.msk.u32 $0xffff, v3;
	_ =	sdelay $0xd  }
0x87: {  	v4 =	vimm.s32 $0xFFFFFFFF;
	v5, _, _ =	vpop (xrf1)  }
0x88: {  	vm5 =	vne.s32 v3, v4;
	vm4 =	veq.s32 v5, v2  }
0x89: {  	vm6 =	vlt.u32 v3, $0x6400;
	vm4 =	vmand vm5, vm4  }
0x8a: {  	vm4 =	vmand vm6, vm4  }
0x8b: {  	v4 =	vnsel vm4, $0xFFFFFFFF, v3;
	_ =	sdelay $0x3  }
0x8c: {  	s0 =	simm.s32 $0x64F0;
	(ifvalue) =	ssetifvalue $0xFFFFFFFF  }
0x8d: {  	v3 =	vperm.xlane v3, v1;
	[tilespmem:s0], [sflag:$0x8] =	stream.indirect_vreg.gather [hbm4b:s1+s14], $0x1, v4, vm0, $0x4038;
	v4 =	vnsel vm6, $0xFFFFFFFE, v4;
	[tilespmem:$0xE220] =	vst v63  }
0x8e: {  	s2 =	simm.s32 $0x0;
	s16 =	simm.s32 $0x19E0;
	[tilespmem:s17+$0x0] =	vst v4  }
.LBB3_6:
0x8f: {  	v4 =	vld.msk [tilespmem:s16+$0x0 ss:$0x1], $0xffff;
	s2 =	sadd.s32 $0x10, s2;
	v5 =	vmov v3;
	s17 =	smov.u32 s16  }
0x90: {  	p0 =	slt.u32 s2, $0x18F0;
	_ =	sdelay $0x4  }
0x91: {  	v3 =	vperm.xlane v4, v1;
	(xrf1) =	vunique.msk.u32 $0xffff, v4;
	_ =	sdelay $0xd  }
0x92: {  	v6, _, _ =	vpop (xrf1)  }
0x93: {  	vm5 =	vne.s32 v4, v5;
	vm4 =	veq.s32 v6, v2  }
0x94: {  	vm6 =	vlt.u32 v4, $0x6400;
	vm4 =	vmand vm5, vm4  }
0x95: {  	vm4 =	vmand vm6, vm4  }
0x96: {  	v4 =	vnsel vm4, $0xFFFFFFFF, v4  }
.Ltmp12:
0x97: {  	v5 =	vnsel vm6, $0xFFFFFFFE, v4;
	(pc) =	sbr.rel @p0 .LBB3_6-.Ltmp12, $3  }
0x98: {  	_ =	sdelay $0x1  }
0x99: {  	s16 =	sadd.s32 $0xFFFFFFF0, s16;
	s0 =	sadd.s32 $0xFFFFFFF0, s0;
	(ifvalue) =	ssetifvalue $0xFFFFFFFF  }
0x9a: {  	[tilespmem:s0], [sflag:$0x8] =	stream.indirect_vreg.gather [hbm4b:s1+s14], $0x1, v4, vm0, $0x4038;
	[tilespmem:s17+$0x0] =	vst v5  }
.Ltmp13:
0x9b: {  	(pc) =	sbr.rel .LBB3_4-.Ltmp13, $4  }
0x9c: {  	_ = 	snop  }
0x9d: {  	s0 =	sshrl.u32 s30, $0x3  }
0x9e: {  	s2 =	simm.s32 $0x7E00;
	s0 =	sadd.s32 s8, s0  }
0x9f: {  	[tilespmem:s2], [sflag:$0x8] =	stream.linear.gather [hbm:s0], $0x1900, $0x38;
	[tilespmem:$0xE220] =	vst v63  }
.LBB3_11:
0xa0: {  	p0 =	seq.s32 s29, $0x2  }
.Ltmp14:
0xa1: {  	_ = 	snop;
	(pc) =	sbr.rel @!p0 .LBB3_12-.Ltmp14, $1  }
0xa2: {  	_ =	sdelay $0x3  }
0xa3: {  	_ =	swait.ge [sflag:s7], $0x3200  }
0xa4: {  	[sflag:s7] =	ssyncset.done $0x0  }
0xa5: {  	s0 =	simm.s32 $0x19FF;
	[sflag:s7] =	ssyncadd.s32 $0xFFFFCE00  }
0xa6: {  	[spmem:s11] =	stream.linear.scatter [tilespmem:s0], [sflag:$0x1], $0x1, $0x38;
	[tilespmem:$0xE220] =	vst v63  }
0xa7: {  	_ =	swait.ge [sflag:s3], $0x1  }
0xa8: {  	[sflag:s3] =	ssyncset.done $0x0  }
0xa9: {  	[sflag:s3] =	ssyncadd.s32 $0xFFFFFFFF  }
0xaa: {  	v4 =	vld [tilespmem:$0x10]  }
0xab: {  	v5 =	vld [tilespmem:$0x70]  }
0xac: {  	v3 =	vld [tilespmem:$0x80];
	_ =	sdelay $0x2  }
0xad: {  	(v2sf) =	vpush v4, $0x0  }
0xae: {  	(v2sf) =	vpush v5, $0x0  }
0xaf: {  	(v2sf) =	vpush v3, $0x0;
	_ =	sdelay $0xc  }
0xb0: {  	s16 =	spop (v2sf)  }
0xb1: {  	s2 =	spop (v2sf)  }
0xb2: {  	s30 =	spop (v2sf)  }
0xb3: {  	p0 =	seq.s32 s16, s2;
	p1 =	seq.s32 s30, s16  }
0xb4: {  	p1 =	por p0, p1  }
0xb5: {  	v4 =	vpsel p1, $0xFFFFFFFF, v4  }
0xb6: {  	[tilespmem:s18+$0x0] =	vst.msk $0x1, v4  }
0xb7: {  	v4 =	vld [tilespmem:$0x30]  }
0xb8: {  	v5 =	vld [tilespmem:$0x7E00]  }
0xb9: {  	v6 =	vld [tilespmem:$0x40];
	_ =	sdelay $0x3  }
0xba: {  	vm4 =	vmmov vm1;
	v5 =	vadd.f32 v5, v4  }
0xbb: {  	vm5 =	vmmov vm2;
	s31 =	simm.s32 $0x7E00;
	vm4 =	vmmov @p0 vm2;
	v4 =	vadd.f32 v6, v4  }
0xbc: {  	vm5 =	vmmov @p1 vm1;
	[tilespmem:s31+$0x0] =	vst.msk vm4, v5  }
0xbd: {  	[tilespmem:s19+$0x0] =	vst.msk vm5, v4  }
0xbe: {  	v4 =	vld [tilespmem:$0x64F0];
	_ =	sdelay $0x3  }
0xbf: {  	v5 =	vimm.f32 $0.0e+00  }
0xc0: {  	v4 =	vshift.insert v4, v5, s20;
	_ =	sdelay $0x1  }
0xc1: {  	[tilespmem:s21+$0x0] =	vst.msk $0x1, v4  }
0xc2: {  	[tilespmem:s22+$0x0] =	vst.msk $0x1, v5  }
0xc3: {  	v4 =	vld [tilespmem:$0x19F0];
	_ =	sdelay $0x4  }
0xc4: {  	v4 =	vshift.insert v4, v1, s20;
	_ =	sdelay $0x1  }
0xc5: {  	[tilespmem:s23+$0x0] =	vst.msk $0x1, v4  }
0xc6: {  	s17 =	simm.s32 $0x100;
	v6 =	vld [tilespmem:s31+$0x0]  }
0xc7: {  	v7 =	vld [tilespmem:s17+$0x0];
	_ =	sdelay $0x3  }
0xc8: {  	v5 =	vadd.f32 v6, v5  }
0xc9: {  	vm4 =	vne.s32 v7, $0xFFFFFFFF  }
0xca: {  	(xrf2) =	vadd.seg.scan.f32 vm4, v5;
	_ =	sdelay $0x3  }
0xcb: {  	s0 =	simm.s32 $0x4C00;
	v5 =	vperm.xlane v4, v1  }
0xcc: {  	v6 =	vld [tilespmem:s0+$0x0]  }
0xcd: {  	vm5 =	veq.s32 v7, v3;
	vm6 =	veq.s32 v7, v5  }
0xce: {  	vm7 =	vgt.u32 v7, $0xFFFFFFFD;
	vm6 =	vmor vm6, vm5  }
0xcf: {  	vm6 =	vmor vm6, vm7  }
0xd0: {  	v9 =	vld [tilespmem:$0xA0];
	v7 =	vsel vm6, $0xFFFFFFFF, v7  }
0xd1: {  	v10 =	vld [tilespmem:$0x90];
	v6 =	vsel vm5, $0x0, v6;
	v8, _, _ =	vpop (xrf2)  }
0xd2: {  	v6 =	vadd.f32 v8, v6  }
0xd3: {  	s2 =	simm.s32 $0xB000  }
0xd4: {  	vm4 =	vmand vm4, vm3;
	[tilespmem:s2+$0x0] =	vst v6;
	(ifvalue) =	ssetifvalue $0xFFFFFFFF  }
0xd5: {  	vm6 =	veq.s32 v9, $0x1;
	[hbm4b:s1+s14] =	stream.indirect_vreg.scatter [tilespmem:s2], [sflag:$0x2], $0x1, v7, vm0, $0x4038;
	v7 =	vsel vm4, $0x0, v8;
	[tilespmem:$0xE220] =	vst v63  }
0xd6: {  	s16 =	simm.s32 $0x0;
	s17 =	simm.s32 $0x110;
	vm4 =	vmor vm6, vm5;
	v6 =	vsel vm5, v8, v10;
	v7 =	vshift.insert v7, v0, s20  }
.LBB3_9:
0xd7: {  	v8 =	vld [tilespmem:s17+$0x0];
	s31 =	sadd.s32 $0x10, s31  }
0xd8: {  	s0 =	sadd.s32 $0x10, s0;
	v9 =	vld [tilespmem:s31+$0x0]  }
0xd9: {  	s16 =	sadd.s32 $0x10, s16;
	v10 =	vld [tilespmem:s0+$0x0]  }
0xda: {  	p0 =	slt.u32 s16, $0x18F0;
	_ =	sdelay $0x2  }
0xdb: {  	v7 =	vadd.f32 v9, v7  }
0xdc: {  	vm5 =	vne.s32 v8, $0xFFFFFFFF  }
0xdd: {  	vm6 =	vmand vm5, vm3;
	(xrf2) =	vadd.seg.scan.f32 vm5, v7;
	_ =	sdelay $0x5  }
0xde: {  	vm7 =	veq.s32 v8, v5;
	vm5 =	veq.s32 v8, v3  }
0xdf: {  	vm8 =	vgt.u32 v8, $0xFFFFFFFD;
	vm4 =	vmor vm4, vm5;
	vm7 =	vmor vm7, vm5  }
0xe0: {  	vm7 =	vmor vm7, vm8  }
0xe1: {  	v8 =	vsel vm7, $0xFFFFFFFF, v8  }
.Ltmp15:
0xe2: {  	v7 =	vsel vm5, $0x0, v10;
	v9, _, _ =	vpop (xrf2);
	(pc) =	sbr.rel @p0 .LBB3_9-.Ltmp15, $4  }
0xe3: {  	v6 =	vsel vm5, v9, v6;
	v10 =	vadd.f32 v9, v7;
	v7 =	vsel vm6, $0x0, v9  }
0xe4: {  	s2 =	sadd.s32 $0x10, s2;
	v7 =	vshift.insert v7, v0, s20  }
0xe5: {  	s17 =	sadd.s32 $0x10, s17;
	[tilespmem:s2+$0x0] =	vst v10;
	(ifvalue) =	ssetifvalue $0xFFFFFFFF  }
0xe6: {  	[hbm4b:s1+s14] =	stream.indirect_vreg.scatter [tilespmem:s2], [sflag:$0x2], $0x1, v8, vm0, $0x4038;
	[tilespmem:$0xE220] =	vst v63  }
0xe7: {  	v3 =	vld [tilespmem:$0xC8F0];
	_ =	sdelay $0x4  }
0xe8: {  	v3 =	vshift.insert v3, v0, s20;
	_ =	sdelay $0x1  }
0xe9: {  	[tilespmem:s24+$0x0] =	vst.msk $0x1, v3  }
0xea: {  	v3 =	vsel vm4, $0x1, v1;
	[tilespmem:$0x90] =	vst v6  }
0xeb: {  	[tilespmem:$0xA0] =	vst v3  }
0xec: {  	[spmem:s12] =	stream.linear.scatter [tilespmem:s25], [sflag:$0x1], $0x1, $0x38;
	[tilespmem:$0xE220] =	vst v63  }
0xed: {  	v3 =	vmctz.xlane vm4;
	_ =	swait.ge [sflag:s3], $0x1  }
0xee: {  	(v2sf) =	vpush v4, $0x0  }
0xef: {  	(v2sf) =	vpush v3, $0x0;
	_ =	sdelay $0xd  }
0xf0: {  	s0 =	spop (v2sf)  }
0xf1: {  	s2 =	spop (v2sf)  }
0xf2: {  	[sflag:s3] =	ssyncset.done $0x0;
	p0 =	sne.s32 s30, s0;
	p1 =	slt.s32 s2, $0xF  }
0xf3: {  	[sflag:s3] =	ssyncadd.s32 $0xFFFFFFFF;
	v3 =	vimm.s32 @!p0 $0xFFFFFFFF;
	s2 =	simm.s32 @!p1 $0xF  }
0xf4: {  	[tilespmem:$0x80] =	vst @!p0 v3;
	s31 =	sadd.s32 $0x90, s2  }
0xf5: {  	[spmem:s10] =	stream.linear.scatter [tilespmem:s31], [sflag:$0x1], $0x1, $0x38;
	[tilespmem:$0xE220] =	vst v63  }
0xf6: {  	_ =	swait.ge [sflag:s3], $0x1  }
0xf7: {  	[sflag:s3] =	ssyncset.done $0x0  }
0xf8: {  	[sflag:s3] =	ssyncadd.s32 $0xFFFFFFFF  }
0xf9: {  	[spmem:s13] =	stream.linear.scatter [tilespmem:s26], [sflag:$0x1], $0x1, $0x38;
	[tilespmem:$0xE220] =	vst v63  }
0xfa: {  	_ =	swait.ge [sflag:s3], $0x1  }
0xfb: {  	[sflag:s3] =	ssyncset.done $0x0  }
0xfc: {  	[sflag:s3] =	ssyncadd.s32 $0xFFFFFFFF;
	(ifvalue) =	ssetifvalue $0xFFFFFFFF;
	v3 =	vld [tilespmem:$0x10];
	_ =	sdelay $0x3  }
.Ltmp16:
0xfd: {  	_ = 	snop;
	(pc) =	sbr.rel .LBB3_4-.Ltmp16, $3  }
0xfe: {  	_ =	sdelay $0x1  }
0xff: {  	(ifvalue) =	ssetifvalue $0xFFFFFFFF  }
0x100: {  	[hbm4b:s1+s14] =	stream.indirect_vreg.scatter [tilespmem:s19], [sflag:$0x9], $0x1, v3, vm0, $0x4038;
	[tilespmem:$0xE220] =	vst v63  }
.LBB3_12:
0x101: {  	s0 =	simm.s32 $0x2  }
0x102: {  	_ =	swait.ge [sflag:s0], $0x1900  }
0x103: {  	[sflag:s0] =	ssyncset.done $0x0  }
0x104: {  	s31 =	simm.s32 $0x9;
	[sflag:s0] =	ssyncadd.s32 $0xFFFFE700  }
0x105: {  	_ =	swait.ge [sflag:s31], $0x10  }
0x106: {  	[sflag:s31] =	ssyncset.done $0x0  }
0x107: {  	[sflag:s31] =	ssyncadd.s32 $0xFFFFFFF0  }
.LBB3_13:
0x108: {  	_ =	sfence.sel $0x180000  }
0x109: {  	s0 =	simm.s32 $0x7;
	[bflag:$0x0] =	sbarrier.arrive $0xFFFF  }
0x10a: {  	s26 =	simm.s32 $0x8;
	[sflag:s0] =	ssyncpa.u1 $0x1  }
0x10b: {  	s28 =	simm.s32 $0x9;
	[sflag:s26] =	ssyncpa.u1 $0x1  }
0x10c: {  	[sflag:s28] =	ssyncpa.u1 $0x1  }
0x10d: {  	_ =	sfence.stream.spmem  }
0x10e: {  	s29 =	simm.s32 $0x3;
	[bflag:$0x0] =	sbarrier.arrive $0xFFFF  }
0x10f: {  	s30 =	simm.s32 $0x4;
	[sflag:s29] =	ssyncpa.u1 $0x1  }
0x110: {  	s31 =	simm.s32 $0x3C;
	s2 =	stileid.u32;
	[sflag:s30] =	ssyncpa.u1 $0x1  }
0x111: {  	p0 =	sne.s32 s2, $0x0;
	[sflag:s31] =	ssyncpa.u1 $0x1  }
0x112: {  	s0 =	simm.s32 @p0 $0x1;
	_ =	sfence @p0  }
0x113: {  	[sflag:s0] =	ssyncpa.u1 @p0 $0x1;
	s0 =	simm.s32 @p0 $0x2  }
0x114: {  	[sflag:s0] =	ssyncpa.u1 @p0 $0x1  }
0x115: {  	_ =	strace @p0 $0x9000005F  }
0x116: {  	[bflag:$0x2] =	sbarrier.arrive @p0 $0xFFFF  }
0x117: {  	_ =	shalt @p0  }
.LBB3_14:
0x118: {  	_ =	sfence.stream.spmem;
	s0 =	simm.s32 $0x5  }
0x119: {  	s2 =	simm.s32 $0x80;
	s3 =	simm.s32 $0xC0;
	[sflag:s0] =	ssyncpa.u1 $0x0  }
0x11a: {  	[tilespmem:s3], [sflag:$0x5] =	stream.linear.gather [spmem:s2], $0x20, $0x38;
	[tilespmem:$0xE220] =	vst v63  }
0x11b: {  	s2 =	simm.s32 $0x0;
	s3 =	simm.s32 $0xE0  }
0x11c: {  	[tilespmem:s3], [sflag:$0x5] =	stream.linear.gather [spmem:s2], $0x20, $0x38;
	[tilespmem:$0xE220] =	vst v63  }
.Ltmp17:
0x11d: {  	_ = 	snop;
	(pc) =	sbr.rel .LBB3_15-.Ltmp17, $4  }
0x11e: {  	_ =	swait.ge [sflag:s0], $0x40  }
0x11f: {  	[sflag:s0] =	ssyncset.done $0x0  }
0x120: {  	s31 =	simm.s32 $0x6;
	[sflag:s0] =	ssyncadd.s32 $0xFFFFFFC0  }
0x121: {  	s4 =	simm.s32 $0x0;
	[sflag:s31] =	ssyncpa.u1 $0x0  }
.LBB3_20:
0x122: {  	p0 =	sgt.u32 s0, $0x63FF  }
0x123: {  	s5 =	sshrl.u32 @!p0 s0, $0x3  }
0x124: {  	s0 =	sand.u32 @!p0 $0x7, s0;
	s6 =	simm.s32 @!p0 $0xB0;
	s5 =	sadd.s32 @!p0 s1, s5  }
0x125: {  	[tilespmem:s6], [sflag:$0x6] =	stream.linear.gather @!p0 [hbm4b:s5+s0], $0x1, $0x38;
	[tilespmem:$0xE220] =	vst v63  }
0x126: {  	s0 =	simm.s32 @!p0 $0x6  }
0x127: {  	_ =	swait.ge @!p0 [sflag:s0], $0x1  }
0x128: {  	[sflag:s0] =	ssyncset.done @!p0 $0x0  }
0x129: {  	[sflag:s0] =	ssyncadd.s32 @!p0 $0xFFFFFFFF  }
0x12a: {  	v2 =	vmov @!p0 s4;
	v1 =	vld.msk @!p0 [tilespmem:$0xB0], $0x1;
	_ =	sdelay $0x3  }
0x12b: {  	s0 =	simm.s32 @!p0 $0xE0  }
0x12c: {  	[tilespmem:v2+s0+$0x0], v1 =	vst.idx.ret.add.f32.msk @!p0 $0x1, v1  }
0x12d: {  	[tilespmem:s2+$0xC0] =	vst.msk $0x1, v0  }
0x12e: {  	v0 =	vld.msk [tilespmem:s4+$0xE0], $0x1;
	_ =	sdelay $0x4  }
0x12f: {  	[tilespmem:s2+$0xE0] =	vst.msk $0x1, v0;
	s2 =	sadd.s32 $0x1, s2  }
.LBB3_22:
0x130: {  	s4 =	sadd.s32 $0x1, s4  }
0x131: {  	p0 =	sne.s32 s4, $0x20  }
.Ltmp18:
0x132: {  	_ = 	snop;
	(pc) =	sbr.rel @!p0 .LBB3_23-.Ltmp18, $1  }
0x133: {  	_ =	sdelay $0x3  }
.LBB3_15:
0x134: {  	v0 =	vld.msk [tilespmem:s4+$0xC0], $0x1;
	_ =	sdelay $0x4  }
0x135: {  	(v2sf) =	vpush v0, $0x0;
	_ =	sdelay $0xe  }
0x136: {  	s0 =	spop (v2sf)  }
0x137: {  	p0 =	seq.s32 s0, $0xFFFFFFFF  }
.Ltmp19:
0x138: {  	_ = 	snop;
	(pc) =	sbr.rel @p0 .LBB3_22-.Ltmp19, $1  }
0x139: {  	_ =	sdelay $0x3  }
0x13a: {  	p0 =	slt.s32 s2, $0x1  }
.Ltmp20:
0x13b: {  	_ = 	snop;
	(pc) =	sbr.rel @p0 .LBB3_20-.Ltmp20, $1  }
0x13c: {  	_ =	sdelay $0x3  }
0x13d: {  	s5 =	simm.s32 $0xC0;
	p0 =	por $0x0, $0x0  }
0x13e: {  	v1 =	vld.msk @!p0 [tilespmem:s5+$0x0], $0x1;
	_ =	sdelay $0x4  }
0x13f: {  	(v2sf) =	vpush @!p0 v1, $0x0;
	_ =	sdelay $0xd  }
0x140: {  	p2 =	sne.s32 s2, $0x1  }
.Ltmp21:
0x141: {  	s6 =	spop @!p0 (v2sf);
	(pc) =	sbr.rel @!p2 .LBB3_19-.Ltmp21, $4  }
0x142: {  	p1 =	seq.s32 @!p0 s0, s6  }
0x143: {  	s6 =	simm.s32 $0x0;
	p1 =	por !p1, p0  }
0x144: {  	s8 =	simm.s32 $0xFFFFFFFF;
	s6 =	simm.s32 @p1 $0xFFFFFFFF  }
0x145: {  	s7 =	simm.s32 $0x1;
	s6 =	smov.u32 @p0 s8  }
.LBB3_18:
0x146: {  	s8 =	smov.u32 s6;
	p0 =	sne.s32 s6, $0xFFFFFFFF  }
0x147: {  	s5 =	sadd.s32 $0x1, s5;
	s6 =	smov.u32 s7;
	s7 =	sadd.s32 $0x1, s7  }
0x148: {  	p1 =	sne.s32 s2, s7;
	v1 =	vld.msk @!p0 [tilespmem:s5+$0x0], $0x1;
	_ =	sdelay $0x4  }
0x149: {  	(v2sf) =	vpush @!p0 v1, $0x0;
	_ =	sdelay $0xe  }
.Ltmp22:
0x14a: {  	s9 =	spop @!p0 (v2sf);
	(pc) =	sbr.rel @p1 .LBB3_18-.Ltmp22, $4  }
0x14b: {  	p2 =	seq.s32 @!p0 s0, s9  }
0x14c: {  	p2 =	por !p2, p0  }
0x14d: {  	s6 =	simm.s32 @p2 $0xFFFFFFFF  }
0x14e: {  	s6 =	smov.u32 @p0 s8  }
.LBB3_19:
0x14f: {  	p0 =	sne.s32 s6, $0xFFFFFFFF  }
.Ltmp23:
0x150: {  	_ = 	snop;
	(pc) =	sbr.rel @!p0 .LBB3_20-.Ltmp23, $1  }
0x151: {  	_ =	sdelay $0x3  }
0x152: {  	v0 =	vld.msk [tilespmem:s4+$0xE0], $0x1;
	v1 =	vmov s6  }
.Ltmp24:
0x153: {  	_ = 	snop;
	(pc) =	sbr.rel .LBB3_22-.Ltmp24, $2  }
0x154: {  	_ =	sdelay $0x2  }
0x155: {  	[tilespmem:v1+s3+$0x0], v0 =	vst.idx.ret.add.f32.msk $0x1, v0  }
.LBB3_23:
0x156: {  	p0 =	slt.s32 s2, $0x1  }
.Ltmp25:
0x157: {  	_ = 	snop;
	(pc) =	sbr.rel @p0 .LBB3_27-.Ltmp25, $3  }
0x158: {  	_ =	sdelay $0x1  }
0x159: {  	s0 =	simm.s32 $0x6  }
0x15a: {  	[sflag:s0] =	ssyncpa.u1 $0x1;
	s0 =	simm.s32 $0x0  }
0x15b: {  	s3 =	simm.s32 $0xC0  }
0x15c: {  	v0 =	vld.msk [tilespmem:s3+$0x0], $0x1;
	_ =	sdelay $0x4  }
0x15d: {  	(v2sf) =	vpush v0, $0x0;
	_ =	sdelay $0xe  }
0x15e: {  	s2 =	sadd.s32 $0xFFFFFFFF, s2;
	s4 =	spop (v2sf)  }
0x15f: {  	p1 =	sne.s32 s2, $0x0;
	p0 =	sgt.u32 s4, $0x63FF  }
.Ltmp26:
0x160: {  	s5 =	sshrl.u32 @!p0 s4, $0x3;
	(pc) =	sbr.rel @!p1 .LBB3_26-.Ltmp26, $4  }
0x161: {  	s3 =	simm.s32 $0xE0;
	s4 =	sand.u32 @!p0 $0x7, s4;
	s5 =	sadd.s32 @!p0 s1, s5  }
0x162: {  	[hbm4b:s5+s4] =	stream.linear.scatter @!p0 [tilespmem:s3], [sflag:$0x5], $0x1, $0x38;
	[tilespmem:$0xE220] =	vst v63  }
0x163: {  	s5 =	simm.s32 $0x0  }
0x164: {  	s4 =	simm.s32 $0xC1;
	s5 =	simm.s32 @!p0 $0x4  }
.LBB3_25:
0x165: {  	v0 =	vld.msk [tilespmem:s4+$0x0], $0x1;
	s2 =	sadd.s32 $0xFFFFFFFF, s2;
	s0 =	sadd.s32 s0, s5  }
0x166: {  	p0 =	sne.s32 s2, $0x0;
	_ =	sdelay $0x3  }
0x167: {  	(v2sf) =	vpush v0, $0x0;
	_ =	sdelay $0xe  }
.Ltmp27:
0x168: {  	s6 =	spop (v2sf);
	(pc) =	sbr.rel @p0 .LBB3_25-.Ltmp27, $4  }
0x169: {  	s5 =	simm.s32 $0x0;
	p1 =	sgt.u32 s6, $0x63FF  }
0x16a: {  	s3 =	sadd.s32 $0x1, s3;
	s5 =	simm.s32 @!p1 $0x4;
	s7 =	sshrl.u32 @!p1 s6, $0x3  }
0x16b: {  	s4 =	sadd.s32 $0x1, s4;
	s6 =	sand.u32 @!p1 $0x7, s6;
	s7 =	sadd.s32 @!p1 s1, s7  }
0x16c: {  	[hbm4b:s7+s6] =	stream.linear.scatter @!p1 [tilespmem:s3], [sflag:$0x5], $0x1, $0x38;
	[tilespmem:$0xE220] =	vst v63  }
.LBB3_26:
0x16d: {  	s0 =	sadd.s32 s0, s5  }
0x16e: {  	s0 =	sshrl.u32 s0, $0x2  }
.LBB3_27:
0x16f: {  	s1 =	simm.s32 $0x5  }
0x170: {  	_ =	swait.ge [sflag:s1], s0  }
0x171: {  	s28 =	ssub.s32 $0x0, s0;
	[sflag:s1] =	ssyncset.done $0x0  }
0x172: {  	[sflag:s1] =	ssyncadd.s32 s28  }
0x173: {  	[sflag:s1] =	ssyncpa.u1 $0x1  }
0x174: {  	s29 =	simm.s32 $0x1;
	_ =	sfence  }
0x175: {  	s30 =	simm.s32 $0x2;
	[sflag:s29] =	ssyncpa.u1 $0x1  }
0x176: {  	[sflag:s30] =	ssyncpa.u1 $0x1  }
0x177: {  	_ =	strace $0x9000005F  }
0x178: {  	[bflag:$0x2] =	sbarrier.arrive $0xFFFF  }
0x179: {  	s31 =	rddreg [dreg:$0x1]  }
0x17a: {  	s0 =	sadd.s32 $0x100000, s31  }
0x17b: {  	[sflag:s0] =	ssyncadd.tile.s32 $0x1;
	_ =	shalt  }
.Lfunc_end3:
_tile_overlayer_lowered:
.L_overlay_start_3:
0x17c: {  	(tag) =	ssettag $0x3  }
0x17d: {  	s0 =	rddreg [dreg:$0x0];
	s2 =	stileid.u32  }
0x17e: {  	s1 =	rddreg [dreg:$0x1];
	p0 =	sne.s32 s2, $0x0  }
0x17f: {  	s3 =	rddreg [dreg:$0x2];
	[bflag:$0x3] =	sbarrier.arrive $0xFFFF;
	s2 =	simm.s32 @!p0 $0x1C01  }
0x180: {  	[timem:s3], [sflag:s2] =	dma.local @!p0 [hbm:s0], s1  }
0x181: {  	s0 =	simm.s32 @!p0 $0x1  }
0x182: {  	_ =	swait.ge @!p0 [sflag:s0], s1  }
0x183: {  	s1 =	ssub.s32 @!p0 $0x0, s1;
	[sflag:s0] =	ssyncset.done @!p0 $0x0  }
0x184: {  	[sflag:s0] =	ssyncadd.s32 @!p0 s1  }
0x185: {  	[bflag:$0x3] =	sbarrier.arrive $0xFFFF  }
0x186: {  	_ =	shalt  }

</sc_bundles>
